<compile_context>
chip_gen: v7x
topology: tpu7x:2x2x1
jax: 0.10.2.dev20260603
libtpu: 0.0.44.dev20260713+nightly
codegen_flags: <defaults>
</compile_context>

<pallas_src>
import functools

import jax
import jax.numpy as jnp
from jax import lax
from jax.experimental import pallas as pl
from jax.experimental.pallas import tpu as pltpu
from jax.experimental.pallas import tpu_sc as plsc

NC = 2
NS = 16
CHUNK = 112


def _make_deg_kernel(n_pad, n_chunks):
    rows_per_tile = n_pad // NS
    chunks_per_tile = n_chunks // (NC * NS)
    mesh = plsc.VectorSubcoreMesh(core_axis_name="c", subcore_axis_name="s")

    @functools.partial(
        pl.kernel,
        out_type=jax.ShapeDtypeStruct((NC * n_pad, 16), jnp.float32),
        mesh=mesh,
        scratch_types=[
            pltpu.VMEM_SHARED((n_pad, 16), jnp.float32),
            pltpu.VMEM((rows_per_tile, 16), jnp.float32),
            pltpu.VMEM((CHUNK, 16), jnp.float32),
            pltpu.VMEM((2, CHUNK), jnp.int32),
            pltpu.SemaphoreType.DMA,
        ],
    )
    def deg_kernel(edges_hbm, out_hbm, hist_sh, zbuf, ones_v, idx_v, isem):
        cid = lax.axis_index("c")
        sid = lax.axis_index("s")
        wid = sid * NC + cid
        rbase = sid * rows_per_tile

        zrow = jnp.zeros((16,), jnp.float32)
        orow = jnp.ones((16,), jnp.float32)

        def fill_z(i, _):
            zbuf[i, :] = zrow
            return ()
        lax.fori_loop(0, rows_per_tile, fill_z, ())

        def fill_o(i, _):
            ones_v[i, :] = orow
            return ()
        lax.fori_loop(0, CHUNK, fill_o, ())

        pltpu.sync_copy(zbuf, hist_sh.at[pl.ds(rbase, rows_per_tile)])
        plsc.subcore_barrier()

        cpt = chunks_per_tile
        cbase = wid * cpt
        pltpu.sync_copy(edges_hbm.at[cbase, 1], idx_v.at[0])
        pltpu.async_copy(edges_hbm.at[cbase + 1, 1], idx_v.at[1], isem)

        def outer(ci, _):
            for p in range(2):
                c = ci * 2 + p
                @pl.when(c + 1 < cpt)
                def _():
                    pltpu.make_async_copy(edges_hbm.at[cbase, 1],
                                          idx_v.at[1 - p], isem).wait()
                pltpu.sync_copy(ones_v, hist_sh.at[idx_v.at[p]], add=True)
                @pl.when(c + 2 < cpt)
                def _():
                    pltpu.async_copy(edges_hbm.at[cbase + c + 2, 1],
                                     idx_v.at[p], isem)
            return ()
        lax.fori_loop(0, cpt // 2, outer, ())

        plsc.subcore_barrier()
        pltpu.sync_copy(hist_sh.at[pl.ds(rbase, rows_per_tile)],
                        out_hbm.at[pl.ds(cid * n_pad + rbase, rows_per_tile)])

    return deg_kernel


def _make_spmm_kernel(n_pad, d, n_chunks, frac_a):
    rows_per_tile = n_pad // NS
    cpt_pair = n_chunks // NS
    cpt_a = int(round(cpt_pair * frac_a / 2)) * 2
    cpt_b = cpt_pair - cpt_a
    mesh = plsc.VectorSubcoreMesh(core_axis_name="c", subcore_axis_name="s")

    @functools.partial(
        pl.kernel,
        out_type=jax.ShapeDtypeStruct((NC * n_pad, d), jnp.float32),
        mesh=mesh,
        scratch_types=[
            pltpu.VMEM_SHARED((n_pad, d), jnp.float32),
            pltpu.VMEM((2, CHUNK, d), jnp.float32),
            pltpu.VMEM((2, 2, CHUNK), jnp.int32),
            pltpu.SemaphoreType.DMA((2,)),
            pltpu.SemaphoreType.DMA,
        ],
    )
    def spmm_kernel(h_hbm, edges_hbm, z_hbm, out_hbm,
                    acc_sh, rows_v, idx_v, gsem, isem):
        cid = lax.axis_index("c")
        sid = lax.axis_index("s")
        rbase = sid * rows_per_tile
        cpt = jnp.where(cid == 0, cpt_a, cpt_b)

        @pl.when(cid == 0)
        def _():
            pltpu.sync_copy(h_hbm.at[pl.ds(rbase, rows_per_tile)],
                            acc_sh.at[pl.ds(rbase, rows_per_tile)])

        @pl.when(cid == 1)
        def _():
            pltpu.sync_copy(z_hbm.at[pl.ds(rbase, rows_per_tile)],
                            acc_sh.at[pl.ds(rbase, rows_per_tile)])

        plsc.subcore_barrier()

        cbase = sid * cpt_pair + jnp.where(cid == 0, 0, cpt_a)
        pltpu.sync_copy(edges_hbm.at[cbase], idx_v.at[0])
        pltpu.async_copy(h_hbm.at[idx_v.at[0, 0]], rows_v.at[0], gsem.at[0])
        pltpu.async_copy(edges_hbm.at[cbase + 1], idx_v.at[1], isem)

        def outer(ci, _):
            for p in range(2):
                c = ci * 2 + p
                @pl.when(c + 1 < cpt)
                def _():
                    pltpu.make_async_copy(edges_hbm.at[cbase],
                                          idx_v.at[1 - p], isem).wait()
                    pltpu.async_copy(h_hbm.at[idx_v.at[1 - p, 0]],
                                     rows_v.at[1 - p], gsem.at[1 - p])
                pltpu.make_async_copy(h_hbm.at[idx_v.at[p, 0]],
                                      rows_v.at[p], gsem.at[p]).wait()
                pltpu.sync_copy(rows_v.at[p], acc_sh.at[idx_v.at[p, 1]],
                                add=True)
                @pl.when(c + 2 < cpt)
                def _():
                    pltpu.async_copy(edges_hbm.at[cbase + c + 2],
                                     idx_v.at[p], isem)
            return ()
        lax.fori_loop(0, cpt // 2, outer, ())

        plsc.subcore_barrier()
        pltpu.sync_copy(acc_sh.at[pl.ds(rbase, rows_per_tile)],
                        out_hbm.at[pl.ds(cid * n_pad + rbase, rows_per_tile)])

    return spmm_kernel


def _tc_matmul(x_pad, w1, n_pad, d):
    blk = 256
    grid = n_pad // blk

    def body(x_ref, w_ref, out_ref):
        out_ref[...] = jnp.dot(x_ref[...], w_ref[...],
                               preferred_element_type=jnp.float32)

    return pl.pallas_call(
        body,
        grid=(grid,),
        in_specs=[
            pl.BlockSpec((blk, d), lambda i: (i, 0)),
            pl.BlockSpec((d, d), lambda i: (0, 0)),
        ],
        out_specs=pl.BlockSpec((blk, d), lambda i: (i, 0)),
        out_shape=jax.ShapeDtypeStruct((n_pad, d), jnp.float32),
    )(x_pad, w1)


def _tc_first(hist3, xw, n_pad, d):
    blk = 256
    grid = n_pad // blk

    def body(hist_ref, xw_ref, h_ref, dis_ref):
        deg = hist_ref[0, :, 0:1] + hist_ref[1, :, 0:1] + 1.0
        dis = lax.rsqrt(deg)
        h_ref[...] = xw_ref[...] * dis
        dis_ref[...] = jnp.broadcast_to(dis, (blk, d))

    return pl.pallas_call(
        body,
        grid=(grid,),
        in_specs=[
            pl.BlockSpec((2, blk, 16), lambda i: (0, i, 0)),
            pl.BlockSpec((blk, d), lambda i: (i, 0)),
        ],
        out_specs=[
            pl.BlockSpec((blk, d), lambda i: (i, 0)),
            pl.BlockSpec((blk, d), lambda i: (i, 0)),
        ],
        out_shape=[
            jax.ShapeDtypeStruct((n_pad, d), jnp.float32),
            jax.ShapeDtypeStruct((n_pad, d), jnp.float32),
        ],
    )(hist3, xw)


def _tc_mid(acc, dis_col, b1r, w2, n_pad, d):
    blk = 256
    grid = n_pad // blk

    def body(a0_ref, a1_ref, dis_ref, b_ref, w_ref, out_ref):
        dis = dis_ref[...]
        agg = (a0_ref[...] + a1_ref[...]) * dis
        h = jnp.maximum(agg + b_ref[...], 0.0)
        hw = jnp.dot(h, w_ref[...], preferred_element_type=jnp.float32)
        out_ref[...] = hw * dis

    return pl.pallas_call(
        body,
        grid=(grid,),
        in_specs=[
            pl.BlockSpec((blk, d), lambda i: (i, 0)),
            pl.BlockSpec((blk, d), lambda i: (i + grid, 0)),
            pl.BlockSpec((blk, d), lambda i: (i, 0)),
            pl.BlockSpec((1, d), lambda i: (0, 0)),
            pl.BlockSpec((d, d), lambda i: (0, 0)),
        ],
        out_specs=pl.BlockSpec((blk, d), lambda i: (i, 0)),
        out_shape=jax.ShapeDtypeStruct((n_pad, d), jnp.float32),
    )(acc, acc, dis_col, b1r, w2)


def _tc_last(acc, dis_col, b2r, n, n_pad, d):
    blk = 400
    grid = n // blk

    def body(a0_ref, a1_ref, dis_ref, b_ref, out_ref):
        z = (a0_ref[...] + a1_ref[...]) * dis_ref[...] + b_ref[...]
        m = jnp.max(z, axis=1, keepdims=True)
        ex = jnp.exp(z - m)
        s = jnp.sum(ex, axis=1, keepdims=True)
        out_ref[...] = z - m - jnp.log(s)

    nblk_off = n_pad // blk

    return pl.pallas_call(
        body,
        grid=(grid,),
        in_specs=[
            pl.BlockSpec((blk, d), lambda i: (i, 0)),
            pl.BlockSpec((blk, d), lambda i: (i + nblk_off, 0)),
            pl.BlockSpec((blk, d), lambda i: (i, 0)),
            pl.BlockSpec((1, d), lambda i: (0, 0)),
        ],
        out_specs=pl.BlockSpec((blk, d), lambda i: (i, 0)),
        out_shape=jax.ShapeDtypeStruct((n, d), jnp.float32),
    )(acc, acc, dis_col, b2r)


def kernel(x, edge_index, W1, b1, W2, b2):
    n, d = x.shape
    e = edge_index.shape[1]

    n_pad = ((n + NS * 256 - 1) // (NS * 256)) * NS * 256
    if n_pad == n:
        n_pad += NS * 256
    chunks_per_tile = -(-e // (NC * NS * CHUNK))
    chunks_per_tile = ((chunks_per_tile + 1) // 2) * 2
    n_chunks = chunks_per_tile * NC * NS
    e_pad = n_chunks * CHUNK

    src = edge_index[0].astype(jnp.int32)
    dst = edge_index[1].astype(jnp.int32)
    n_spare = n_pad - n
    pad = n + jax.lax.rem(jnp.arange(e_pad - e, dtype=jnp.int32),
                          jnp.int32(n_spare))
    edges = jnp.stack([
        jnp.concatenate([src, pad]).reshape(n_chunks, CHUNK),
        jnp.concatenate([dst, pad]).reshape(n_chunks, CHUNK),
    ], axis=1)

    x_pad = jnp.concatenate(
        [x, jnp.zeros((n_pad - n, d), jnp.float32)], axis=0)
    zinit = jnp.zeros((n_pad, d), jnp.float32)
    b1r = b1.reshape(1, d)
    b2r = b2.reshape(1, d)

    deg_k = _make_deg_kernel(n_pad, n_chunks)
    spmm_k = _make_spmm_kernel(n_pad, d, n_chunks, 132.0 / 180.0)

    xw = _tc_matmul(x_pad, W1, n_pad, d)
    hist = deg_k(edges).reshape(NC, n_pad, 16)
    h1, dis_col = _tc_first(hist, xw, n_pad, d)
    acc1 = spmm_k(h1, edges, zinit)
    h2 = _tc_mid(acc1, dis_col, b1r, W2, n_pad, d)
    acc2 = spmm_k(h2, edges, zinit)
    return _tc_last(acc2, dis_col, b2r, n, n_pad, d)

# --- scband reference (transcript-rebuilt; emitter-appended) ---
"""Pipeline reference for scband-gcn-120259084716 (READ-ONLY COPY).

The authoritative reference and input builder live on the scoring server;
editing this copy changes nothing except your own understanding.
"""

import jax, jax.numpy as jnp
import numpy as np

N_NODES = 10000
N_EDGES = 320000
D_IN = 128
D_HID = 128
D_OUT = 128


def setup_inputs(seed: int = 0) -> dict:
    key = jax.random.key(seed)
    k1, k2, k3, k4 = jax.random.split(key, 4)
    x = jax.random.normal(k1, (N_NODES, D_IN), dtype=jnp.float32)
    edge_index = jax.random.randint(k2, (2, N_EDGES), 0, N_NODES)
    W1 = jax.random.normal(k3, (D_IN, D_HID), dtype=jnp.float32) * (1.0 / np.sqrt(D_IN))
    b1 = jnp.zeros((D_HID,), dtype=jnp.float32)
    W2 = jax.random.normal(k4, (D_HID, D_OUT), dtype=jnp.float32) * (1.0 / np.sqrt(D_HID))
    b2 = jnp.zeros((D_OUT,), dtype=jnp.float32)
    return {"x": x, "edge_index": edge_index, "W1": W1, "b1": b1, "W2": W2, "b2": b2}


def _gcn_conv(x, src, dst, W, b, num_nodes):
    # linear transform first (as in PyG GCNConv)
    h = x @ W
    # symmetric normalization with self-loops: deg computed on dst of (A + I)
    ones = jnp.ones((src.shape[0],), dtype=h.dtype)
    deg = jnp.zeros((num_nodes,), dtype=h.dtype).at[dst].add(ones)
    deg_inv_sqrt = jnp.where(deg > 0, 1.0 / jnp.sqrt(deg), 0.0)
    norm = deg_inv_sqrt[src] * deg_inv_sqrt[dst]
    msgs = h[src] * norm[:, None]
    out = jnp.zeros((num_nodes, h.shape[1]), dtype=h.dtype).at[dst].add(msgs)
    return out + b


def reference(x, edge_index, W1, b1, W2, b2):
    num_nodes = x.shape[0]
    # add self loops
    loop = jnp.arange(num_nodes, dtype=edge_index.dtype)
    src = jnp.concatenate([edge_index[0], loop])
    dst = jnp.concatenate([edge_index[1], loop])
    h = _gcn_conv(x, src, dst, W1, b1, num_nodes)
    h = jax.nn.relu(h)
    # dropout is identity in eval / deterministic reference
    h = _gcn_conv(h, src, dst, W2, b2, num_nodes)
    return jax.nn.log_softmax(h, axis=1)

if __name__ == "__main__":
    import jax
    _d = setup_inputs()
    print(jax.jit(kernel)(*tuple(_d.values())))

</pallas_src>

<mosaic_0001>
#map = affine_map<(d0, d1) -> (0, 0)>
#map1 = affine_map<(d0, d1) -> (0, 0, 0)>
module attributes {stable_mosaic.version = 14 : i64} {
  func.func @spmm_kernel(%arg0: i32, %arg1: i32, %arg2: memref<12288x128xf32, #tpu.memory_space<hbm>>, %arg3: memref<2880x2x112xi32, #tpu.memory_space<hbm>>, %arg4: memref<12288x128xf32, #tpu.memory_space<hbm>>, %arg5: memref<24576x128xf32, #tpu.memory_space<hbm>>, %arg6: memref<12288x128xf32, #tpu.memory_space<vmem_shared>>, %arg7: memref<2x112x128xf32, #tpu.memory_space<vmem>>, %arg8: memref<2x2x112xi32, #tpu.memory_space<vmem>>, %arg9: memref<2x!tpu.dma_semaphore, #tpu.memory_space<semaphore_mem>>, %arg10: memref<!tpu.dma_semaphore, #tpu.memory_space<semaphore_mem>>) attributes {dimension_semantics = [#tpu.dimension_semantics<core_parallel>, #tpu.dimension_semantics<subcore_parallel>], iteration_bounds = array<i64: 2, 16>, scalar_prefetch = 0 : i64, scratch_operands = 5 : i64, tpu.core_type = #tpu.core_type<sc_vector_subcore>, window_params = [{transform_indices = #map}, {transform_indices = #map1}, {transform_indices = #map}, {transform_indices = #map}]} {
    %mul3A = arith.constant 768 : i32
    %mul3A_0 = arith.muli %arg1, %mul3A : i32
    %eq3A = arith.constant 0 : i32
    %eq3A_1 = arith.cmpi eq, %arg0, %eq3A : i32
    %jit3A = arith.constant 132 : i32
    %jit3A_2 = arith.constant 48 : i32
    %select_n3A = arith.select %eq3A_1, %jit3A, %jit3A_2 : i32
    %eq3A_3 = arith.constant 0 : i32
    %eq3A_4 = arith.cmpi eq, %arg0, %eq3A_3 : i32
    %convert_element_type3A = arith.extui %eq3A_4 : i1 to i32
    %cond3A = arith.constant 0 : i32
    %cond3A_5 = arith.cmpi ne, %convert_element_type3A, %cond3A : i32
    scf.if %cond3A_5 {
      "tpu.region"() ({
        %run_scoped3A_82 = tpu.sem_alloc : memref<!tpu.dma_semaphore, #tpu.memory_space<semaphore_mem>>
        %dma_start3A_83 = arith.constant 0 : i32
        %dma_start3A_84 = tpu.memref_slice %arg6[%mul3A_0, %dma_start3A_83] : memref<12288x128xf32, #tpu.memory_space<vmem_shared>> -> memref<768x128xf32, #tpu.memory_space<vmem_shared>>
        %dma_start3A_85 = arith.constant 0 : i32
        %dma_start3A_86 = tpu.memref_slice %arg2[%mul3A_0, %dma_start3A_85] : memref<12288x128xf32, #tpu.memory_space<hbm>> -> memref<768x128xf32, #tpu.memory_space<hbm>>
        tpu.enqueue_dma source(%dma_start3A_86 : memref<768x128xf32, #tpu.memory_space<hbm>>) target(%dma_start3A_84 : memref<768x128xf32, #tpu.memory_space<vmem_shared>>) target_semaphore(%run_scoped3A_82 : memref<!tpu.dma_semaphore, #tpu.memory_space<semaphore_mem>>)
        %dma_wait3A = arith.constant 0 : i32
        %dma_wait3A_87 = tpu.memref_slice %arg6[%mul3A_0, %dma_wait3A] : memref<12288x128xf32, #tpu.memory_space<vmem_shared>> -> memref<768x128xf32, #tpu.memory_space<vmem_shared>>
        %dma_wait3A_88 = arith.constant 0 : i32
        %dma_wait3A_89 = tpu.memref_slice %arg2[%mul3A_0, %dma_wait3A_88] : memref<12288x128xf32, #tpu.memory_space<hbm>> -> memref<768x128xf32, #tpu.memory_space<hbm>>
        tpu.wait_dma2 semaphore(%run_scoped3A_82 : memref<!tpu.dma_semaphore, #tpu.memory_space<semaphore_mem>>) src(%dma_wait3A_89 : memref<768x128xf32, #tpu.memory_space<hbm>>) dst(%dma_wait3A_87 : memref<768x128xf32, #tpu.memory_space<vmem_shared>>)
        tpu.yield
      }) : () -> ()
    } else {
    }
    %eq3A_6 = arith.constant 1 : i32
    %eq3A_7 = arith.cmpi eq, %arg0, %eq3A_6 : i32
    %convert_element_type3A_8 = arith.extui %eq3A_7 : i1 to i32
    %cond3A_9 = arith.constant 0 : i32
    %cond3A_10 = arith.cmpi ne, %convert_element_type3A_8, %cond3A_9 : i32
    scf.if %cond3A_10 {
      "tpu.region"() ({
        %run_scoped3A_82 = tpu.sem_alloc : memref<!tpu.dma_semaphore, #tpu.memory_space<semaphore_mem>>
        %dma_start3A_83 = arith.constant 0 : i32
        %dma_start3A_84 = tpu.memref_slice %arg6[%mul3A_0, %dma_start3A_83] : memref<12288x128xf32, #tpu.memory_space<vmem_shared>> -> memref<768x128xf32, #tpu.memory_space<vmem_shared>>
        %dma_start3A_85 = arith.constant 0 : i32
        %dma_start3A_86 = tpu.memref_slice %arg4[%mul3A_0, %dma_start3A_85] : memref<12288x128xf32, #tpu.memory_space<hbm>> -> memref<768x128xf32, #tpu.memory_space<hbm>>
        tpu.enqueue_dma source(%dma_start3A_86 : memref<768x128xf32, #tpu.memory_space<hbm>>) target(%dma_start3A_84 : memref<768x128xf32, #tpu.memory_space<vmem_shared>>) target_semaphore(%run_scoped3A_82 : memref<!tpu.dma_semaphore, #tpu.memory_space<semaphore_mem>>)
        %dma_wait3A = arith.constant 0 : i32
        %dma_wait3A_87 = tpu.memref_slice %arg6[%mul3A_0, %dma_wait3A] : memref<12288x128xf32, #tpu.memory_space<vmem_shared>> -> memref<768x128xf32, #tpu.memory_space<vmem_shared>>
        %dma_wait3A_88 = arith.constant 0 : i32
        %dma_wait3A_89 = tpu.memref_slice %arg4[%mul3A_0, %dma_wait3A_88] : memref<12288x128xf32, #tpu.memory_space<hbm>> -> memref<768x128xf32, #tpu.memory_space<hbm>>
        tpu.wait_dma2 semaphore(%run_scoped3A_82 : memref<!tpu.dma_semaphore, #tpu.memory_space<semaphore_mem>>) src(%dma_wait3A_89 : memref<768x128xf32, #tpu.memory_space<hbm>>) dst(%dma_wait3A_87 : memref<768x128xf32, #tpu.memory_space<vmem_shared>>)
        tpu.yield
      }) : () -> ()
    } else {
    }
    %barrier3A = arith.constant 0 : index
    tpu.barrier barrier_id(%barrier3A)
    %mul3A_11 = arith.constant 180 : i32
    %mul3A_12 = arith.muli %arg1, %mul3A_11 : i32
    %eq3A_13 = arith.constant 0 : i32
    %eq3A_14 = arith.cmpi eq, %arg0, %eq3A_13 : i32
    %jit3A_15 = arith.constant 0 : i32
    %jit3A_16 = arith.constant 132 : i32
    %select_n3A_17 = arith.select %eq3A_14, %jit3A_15, %jit3A_16 : i32
    %add3A = arith.addi %mul3A_12, %select_n3A_17 : i32
    %run_scoped3A = arith.constant 0 : i32
    "tpu.region"() ({
      %run_scoped3A_82 = tpu.sem_alloc : memref<!tpu.dma_semaphore, #tpu.memory_space<semaphore_mem>>
      %dma_start3A_83 = arith.constant 0 : i32
      %dma_start3A_84 = arith.constant 0 : i32
      %dma_start3A_85 = tpu.memref_slice %arg8[%run_scoped3A, %dma_start3A_83, %dma_start3A_84] : memref<2x2x112xi32, #tpu.memory_space<vmem>> -> memref<1x2x112xi32, #tpu.memory_space<vmem>>
      %dma_start3A_86 = tpu.memref_squeeze %dma_start3A_85 : memref<1x2x112xi32, #tpu.memory_space<vmem>> -> memref<2x112xi32, #tpu.memory_space<vmem>>
      %dma_start3A_87 = arith.constant 0 : i32
      %dma_start3A_88 = arith.constant 0 : i32
      %dma_start3A_89 = tpu.memref_slice %arg3[%add3A, %dma_start3A_87, %dma_start3A_88] : memref<2880x2x112xi32, #tpu.memory_space<hbm>> -> memref<1x2x112xi32, #tpu.memory_space<hbm>>
      %dma_start3A_90 = tpu.memref_squeeze %dma_start3A_89 : memref<1x2x112xi32, #tpu.memory_space<hbm>> -> memref<2x112xi32, #tpu.memory_space<hbm>>
      %dma_start3A_91 = arith.constant 0 : i32
      %dma_start3A_92 = arith.constant 0 : i32
      %dma_start3A_93 = tpu.memref_slice %arg8[%run_scoped3A, %dma_start3A_91, %dma_start3A_92] : memref<2x2x112xi32, #tpu.memory_space<vmem>> -> memref<1x2x112xi32, #tpu.memory_space<vmem>>
      %dma_start3A_94 = tpu.memref_squeeze %dma_start3A_93 : memref<1x2x112xi32, #tpu.memory_space<vmem>> -> memref<2x112xi32, #tpu.memory_space<vmem>>
      %dma_start3A_95 = arith.constant 0 : i32
      %dma_start3A_96 = arith.constant 0 : i32
      %dma_start3A_97 = tpu.memref_slice %arg3[%add3A, %dma_start3A_95, %dma_start3A_96] : memref<2880x2x112xi32, #tpu.memory_space<hbm>> -> memref<1x2x112xi32, #tpu.memory_space<hbm>>
      %dma_start3A_98 = tpu.memref_squeeze %dma_start3A_97 : memref<1x2x112xi32, #tpu.memory_space<hbm>> -> memref<2x112xi32, #tpu.memory_space<hbm>>
      tpu.enqueue_dma source(%dma_start3A_98 : memref<2x112xi32, #tpu.memory_space<hbm>>) target(%dma_start3A_94 : memref<2x112xi32, #tpu.memory_space<vmem>>) target_semaphore(%run_scoped3A_82 : memref<!tpu.dma_semaphore, #tpu.memory_space<semaphore_mem>>)
      %dma_wait3A = arith.constant 0 : i32
      %dma_wait3A_99 = arith.constant 0 : i32
      %dma_wait3A_100 = tpu.memref_slice %arg8[%run_scoped3A, %dma_wait3A, %dma_wait3A_99] : memref<2x2x112xi32, #tpu.memory_space<vmem>> -> memref<1x2x112xi32, #tpu.memory_space<vmem>>
      %dma_wait3A_101 = tpu.memref_squeeze %dma_wait3A_100 : memref<1x2x112xi32, #tpu.memory_space<vmem>> -> memref<2x112xi32, #tpu.memory_space<vmem>>
      %dma_wait3A_102 = arith.constant 0 : i32
      %dma_wait3A_103 = arith.constant 0 : i32
      %dma_wait3A_104 = tpu.memref_slice %arg3[%add3A, %dma_wait3A_102, %dma_wait3A_103] : memref<2880x2x112xi32, #tpu.memory_space<hbm>> -> memref<1x2x112xi32, #tpu.memory_space<hbm>>
      %dma_wait3A_105 = tpu.memref_squeeze %dma_wait3A_104 : memref<1x2x112xi32, #tpu.memory_space<hbm>> -> memref<2x112xi32, #tpu.memory_space<hbm>>
      %dma_wait3A_106 = arith.constant 0 : i32
      %dma_wait3A_107 = arith.constant 0 : i32
      %dma_wait3A_108 = tpu.memref_slice %arg8[%run_scoped3A, %dma_wait3A_106, %dma_wait3A_107] : memref<2x2x112xi32, #tpu.memory_space<vmem>> -> memref<1x2x112xi32, #tpu.memory_space<vmem>>
      %dma_wait3A_109 = tpu.memref_squeeze %dma_wait3A_108 : memref<1x2x112xi32, #tpu.memory_space<vmem>> -> memref<2x112xi32, #tpu.memory_space<vmem>>
      %dma_wait3A_110 = arith.constant 0 : i32
      %dma_wait3A_111 = arith.constant 0 : i32
      %dma_wait3A_112 = tpu.memref_slice %arg3[%add3A, %dma_wait3A_110, %dma_wait3A_111] : memref<2880x2x112xi32, #tpu.memory_space<hbm>> -> memref<1x2x112xi32, #tpu.memory_space<hbm>>
      %dma_wait3A_113 = tpu.memref_squeeze %dma_wait3A_112 : memref<1x2x112xi32, #tpu.memory_space<hbm>> -> memref<2x112xi32, #tpu.memory_space<hbm>>
      tpu.wait_dma2 semaphore(%run_scoped3A_82 : memref<!tpu.dma_semaphore, #tpu.memory_space<semaphore_mem>>) src(%dma_wait3A_113 : memref<2x112xi32, #tpu.memory_space<hbm>>) dst(%dma_wait3A_109 : memref<2x112xi32, #tpu.memory_space<vmem>>)
      tpu.yield
    }) : () -> ()
    %dma_start3A = arith.constant 0 : i32
    %dma_start3A_18 = arith.constant 0 : i32
    %dma_start3A_19 = arith.constant 0 : i32
    %dma_start3A_20 = arith.constant 0 : i32
    %dma_start3A_21 = arith.constant 0 : i32
    %dma_start3A_22 = arith.constant 0 : i32
    %dma_start3A_23 = tpu.memref_slice %arg7[%dma_start3A_19, %dma_start3A_21, %dma_start3A_22] : memref<2x112x128xf32, #tpu.memory_space<vmem>> -> memref<1x112x128xf32, #tpu.memory_space<vmem>>
    %dma_start3A_24 = tpu.memref_squeeze %dma_start3A_23 : memref<1x112x128xf32, #tpu.memory_space<vmem>> -> memref<112x128xf32, #tpu.memory_space<vmem>>
    %dma_start3A_25 = arith.constant 0 : i32
    %dma_start3A_26 = tpu.memref_slice %arg8[%dma_start3A, %dma_start3A_18, %dma_start3A_25] : memref<2x2x112xi32, #tpu.memory_space<vmem>> -> memref<1x1x112xi32, #tpu.memory_space<vmem>>
    %dma_start3A_27 = tpu.memref_squeeze %dma_start3A_26 : memref<1x1x112xi32, #tpu.memory_space<vmem>> -> memref<112xi32, #tpu.memory_space<vmem>>
    %dma_start3A_28 = arith.constant 0 : i32
    %dma_start3A_29 = arith.constant 0 : i32
    %dma_start3A_30 = tpu.memref_slice %arg2[%dma_start3A_28, %dma_start3A_29] : memref<12288x128xf32, #tpu.memory_space<hbm>> -> memref<12288x128xf32, #tpu.memory_space<hbm>>
    %dma_start3A_31 = tpu.memref_slice %arg9[%dma_start3A_20] : memref<2x!tpu.dma_semaphore, #tpu.memory_space<semaphore_mem>> -> memref<1x!tpu.dma_semaphore, #tpu.memory_space<semaphore_mem>>
    %dma_start3A_32 = tpu.memref_squeeze %dma_start3A_31 : memref<1x!tpu.dma_semaphore, #tpu.memory_space<semaphore_mem>> -> memref<!tpu.dma_semaphore, #tpu.memory_space<semaphore_mem>>
    tpu.enqueue_indirect_dma source(%dma_start3A_30 : memref<12288x128xf32, #tpu.memory_space<hbm>>) target(%dma_start3A_24 : memref<112x128xf32, #tpu.memory_space<vmem>>) offsets(%dma_start3A_27 : memref<112xi32, #tpu.memory_space<vmem>>) semaphore(%dma_start3A_32 : memref<!tpu.dma_semaphore, #tpu.memory_space<semaphore_mem>>)
    %add3A_33 = arith.constant 1 : i32
    %add3A_34 = arith.addi %add3A, %add3A_33 : i32
    %dma_start3A_35 = arith.constant 1 : i32
    %dma_start3A_36 = arith.constant 0 : i32
    %dma_start3A_37 = arith.constant 0 : i32
    %dma_start3A_38 = tpu.memref_slice %arg8[%dma_start3A_35, %dma_start3A_36, %dma_start3A_37] : memref<2x2x112xi32, #tpu.memory_space<vmem>> -> memref<1x2x112xi32, #tpu.memory_space<vmem>>
    %dma_start3A_39 = tpu.memref_squeeze %dma_start3A_38 : memref<1x2x112xi32, #tpu.memory_space<vmem>> -> memref<2x112xi32, #tpu.memory_space<vmem>>
    %dma_start3A_40 = arith.constant 0 : i32
    %dma_start3A_41 = arith.constant 0 : i32
    %dma_start3A_42 = tpu.memref_slice %arg3[%add3A_34, %dma_start3A_40, %dma_start3A_41] : memref<2880x2x112xi32, #tpu.memory_space<hbm>> -> memref<1x2x112xi32, #tpu.memory_space<hbm>>
    %dma_start3A_43 = tpu.memref_squeeze %dma_start3A_42 : memref<1x2x112xi32, #tpu.memory_space<hbm>> -> memref<2x112xi32, #tpu.memory_space<hbm>>
    %dma_start3A_44 = arith.constant 0 : i32
    %dma_start3A_45 = arith.constant 0 : i32
    %dma_start3A_46 = tpu.memref_slice %arg8[%dma_start3A_35, %dma_start3A_44, %dma_start3A_45] : memref<2x2x112xi32, #tpu.memory_space<vmem>> -> memref<1x2x112xi32, #tpu.memory_space<vmem>>
    %dma_start3A_47 = tpu.memref_squeeze %dma_start3A_46 : memref<1x2x112xi32, #tpu.memory_space<vmem>> -> memref<2x112xi32, #tpu.memory_space<vmem>>
    %dma_start3A_48 = arith.constant 0 : i32
    %dma_start3A_49 = arith.constant 0 : i32
    %dma_start3A_50 = tpu.memref_slice %arg3[%add3A_34, %dma_start3A_48, %dma_start3A_49] : memref<2880x2x112xi32, #tpu.memory_space<hbm>> -> memref<1x2x112xi32, #tpu.memory_space<hbm>>
    %dma_start3A_51 = tpu.memref_squeeze %dma_start3A_50 : memref<1x2x112xi32, #tpu.memory_space<hbm>> -> memref<2x112xi32, #tpu.memory_space<hbm>>
    tpu.enqueue_dma source(%dma_start3A_51 : memref<2x112xi32, #tpu.memory_space<hbm>>) target(%dma_start3A_47 : memref<2x112xi32, #tpu.memory_space<vmem>>) target_semaphore(%arg10 : memref<!tpu.dma_semaphore, #tpu.memory_space<semaphore_mem>>)
    %jit3A_52 = arith.constant 2 : i32
    %div3A = arith.divsi %select_n3A, %jit3A_52 : i32
    %sign3A = arith.constant 0 : i32
    %sign3A_53 = arith.cmpi sgt, %select_n3A, %sign3A : i32
    %sign3A_54 = arith.extui %sign3A_53 : i1 to i32
    %sign3A_55 = arith.constant 0 : i32
    %sign3A_56 = arith.cmpi slt, %select_n3A, %sign3A_55 : i32
    %sign3A_57 = arith.extui %sign3A_56 : i1 to i32
    %sign3A_58 = arith.subi %sign3A_54, %sign3A_57 : i32
    %sign3A_59 = arith.constant 0 : i32
    %sign3A_60 = arith.cmpi sgt, %jit3A_52, %sign3A_59 : i32
    %sign3A_61 = arith.extui %sign3A_60 : i1 to i32
    %sign3A_62 = arith.constant 0 : i32
    %sign3A_63 = arith.cmpi slt, %jit3A_52, %sign3A_62 : i32
    %sign3A_64 = arith.extui %sign3A_63 : i1 to i32
    %sign3A_65 = arith.subi %sign3A_61, %sign3A_64 : i32
    %ne3A = arith.cmpi ne, %sign3A_58, %sign3A_65 : i32
    %rem3A = arith.remsi %select_n3A, %jit3A_52 : i32
    %ne3A_66 = arith.constant 0 : i32
    %ne3A_67 = arith.cmpi ne, %rem3A, %ne3A_66 : i32
    %and3A = arith.andi %ne3A, %ne3A_67 : i1
    %sub3A = arith.constant 1 : i32
    %sub3A_68 = arith.subi %div3A, %sub3A : i32
    %select_n3A_69 = arith.select %and3A, %sub3A_68, %div3A : i32
    %while3A = arith.constant 0 : i32
    %while3A_70 = arith.subi %select_n3A_69, %while3A : i32
    %while3A_71 = arith.addi %while3A, %while3A_70 : i32
    %while3A_72 = arith.constant 1 : i32
    %while3A_73 = arith.divsi %while3A_70, %while3A_72 : i32
    %while3A_74 = arith.muli %while3A_73, %while3A_72 : i32
    %while3A_75 = arith.addi %while3A, %while3A_74 : i32
    %while3A_76 = arith.constant 1 : i32
    scf.for %while3A_82 = %while3A to %while3A_75 step %while3A_76  : i32 {
      %mul3A_83 = arith.constant 2 : i32
      %mul3A_84 = arith.muli %while3A_82, %mul3A_83 : i32
      %add3A_85 = arith.constant 0 : i32
      %add3A_86 = arith.addi %mul3A_84, %add3A_85 : i32
      %add3A_87 = arith.constant 1 : i32
      %add3A_88 = arith.addi %add3A_86, %add3A_87 : i32
      %lt3A = arith.cmpi slt, %add3A_88, %select_n3A : i32
      %convert_element_type3A_89 = arith.extui %lt3A : i1 to i32
      %cond3A_90 = arith.constant 0 : i32
      %cond3A_91 = arith.cmpi ne, %convert_element_type3A_89, %cond3A_90 : i32
      scf.if %cond3A_91 {
        %dma_wait3A_151 = arith.constant 1 : i32
        %dma_wait3A_152 = arith.constant 0 : i32
        %dma_wait3A_153 = arith.constant 0 : i32
        %dma_wait3A_154 = tpu.memref_slice %arg8[%dma_wait3A_151, %dma_wait3A_152, %dma_wait3A_153] : memref<2x2x112xi32, #tpu.memory_space<vmem>> -> memref<1x2x112xi32, #tpu.memory_space<vmem>>
        %dma_wait3A_155 = tpu.memref_squeeze %dma_wait3A_154 : memref<1x2x112xi32, #tpu.memory_space<vmem>> -> memref<2x112xi32, #tpu.memory_space<vmem>>
        %dma_wait3A_156 = arith.constant 0 : i32
        %dma_wait3A_157 = arith.constant 0 : i32
        %dma_wait3A_158 = tpu.memref_slice %arg3[%add3A, %dma_wait3A_156, %dma_wait3A_157] : memref<2880x2x112xi32, #tpu.memory_space<hbm>> -> memref<1x2x112xi32, #tpu.memory_space<hbm>>
        %dma_wait3A_159 = tpu.memref_squeeze %dma_wait3A_158 : memref<1x2x112xi32, #tpu.memory_space<hbm>> -> memref<2x112xi32, #tpu.memory_space<hbm>>
        %dma_wait3A_160 = arith.constant 0 : i32
        %dma_wait3A_161 = arith.constant 0 : i32
        %dma_wait3A_162 = tpu.memref_slice %arg8[%dma_wait3A_151, %dma_wait3A_160, %dma_wait3A_161] : memref<2x2x112xi32, #tpu.memory_space<vmem>> -> memref<1x2x112xi32, #tpu.memory_space<vmem>>
        %dma_wait3A_163 = tpu.memref_squeeze %dma_wait3A_162 : memref<1x2x112xi32, #tpu.memory_space<vmem>> -> memref<2x112xi32, #tpu.memory_space<vmem>>
        %dma_wait3A_164 = arith.constant 0 : i32
        %dma_wait3A_165 = arith.constant 0 : i32
        %dma_wait3A_166 = tpu.memref_slice %arg3[%add3A, %dma_wait3A_164, %dma_wait3A_165] : memref<2880x2x112xi32, #tpu.memory_space<hbm>> -> memref<1x2x112xi32, #tpu.memory_space<hbm>>
        %dma_wait3A_167 = tpu.memref_squeeze %dma_wait3A_166 : memref<1x2x112xi32, #tpu.memory_space<hbm>> -> memref<2x112xi32, #tpu.memory_space<hbm>>
        tpu.wait_dma2 semaphore(%arg10 : memref<!tpu.dma_semaphore, #tpu.memory_space<semaphore_mem>>) src(%dma_wait3A_167 : memref<2x112xi32, #tpu.memory_space<hbm>>) dst(%dma_wait3A_163 : memref<2x112xi32, #tpu.memory_space<vmem>>)
        %dma_start3A_168 = arith.constant 1 : i32
        %dma_start3A_169 = arith.constant 0 : i32
        %dma_start3A_170 = arith.constant 1 : i32
        %dma_start3A_171 = arith.constant 1 : i32
        %dma_start3A_172 = arith.constant 0 : i32
        %dma_start3A_173 = arith.constant 0 : i32
        %dma_start3A_174 = tpu.memref_slice %arg7[%dma_start3A_170, %dma_start3A_172, %dma_start3A_173] : memref<2x112x128xf32, #tpu.memory_space<vmem>> -> memref<1x112x128xf32, #tpu.memory_space<vmem>>
        %dma_start3A_175 = tpu.memref_squeeze %dma_start3A_174 : memref<1x112x128xf32, #tpu.memory_space<vmem>> -> memref<112x128xf32, #tpu.memory_space<vmem>>
        %dma_start3A_176 = arith.constant 0 : i32
        %dma_start3A_177 = tpu.memref_slice %arg8[%dma_start3A_168, %dma_start3A_169, %dma_start3A_176] : memref<2x2x112xi32, #tpu.memory_space<vmem>> -> memref<1x1x112xi32, #tpu.memory_space<vmem>>
        %dma_start3A_178 = tpu.memref_squeeze %dma_start3A_177 : memref<1x1x112xi32, #tpu.memory_space<vmem>> -> memref<112xi32, #tpu.memory_space<vmem>>
        %dma_start3A_179 = arith.constant 0 : i32
        %dma_start3A_180 = arith.constant 0 : i32
        %dma_start3A_181 = tpu.memref_slice %arg2[%dma_start3A_179, %dma_start3A_180] : memref<12288x128xf32, #tpu.memory_space<hbm>> -> memref<12288x128xf32, #tpu.memory_space<hbm>>
        %dma_start3A_182 = tpu.memref_slice %arg9[%dma_start3A_171] : memref<2x!tpu.dma_semaphore, #tpu.memory_space<semaphore_mem>> -> memref<1x!tpu.dma_semaphore, #tpu.memory_space<semaphore_mem>>
        %dma_start3A_183 = tpu.memref_squeeze %dma_start3A_182 : memref<1x!tpu.dma_semaphore, #tpu.memory_space<semaphore_mem>> -> memref<!tpu.dma_semaphore, #tpu.memory_space<semaphore_mem>>
        tpu.enqueue_indirect_dma source(%dma_start3A_181 : memref<12288x128xf32, #tpu.memory_space<hbm>>) target(%dma_start3A_175 : memref<112x128xf32, #tpu.memory_space<vmem>>) offsets(%dma_start3A_178 : memref<112xi32, #tpu.memory_space<vmem>>) semaphore(%dma_start3A_183 : memref<!tpu.dma_semaphore, #tpu.memory_space<semaphore_mem>>)
      } else {
      }
      %dma_wait3A = arith.constant 0 : i32
      %dma_wait3A_92 = arith.constant 0 : i32
      %dma_wait3A_93 = arith.constant 0 : i32
      %dma_wait3A_94 = arith.constant 0 : i32
      %dma_wait3A_95 = arith.constant 0 : i32
      %dma_wait3A_96 = arith.constant 0 : i32
      %dma_wait3A_97 = tpu.memref_slice %arg7[%dma_wait3A_93, %dma_wait3A_95, %dma_wait3A_96] : memref<2x112x128xf32, #tpu.memory_space<vmem>> -> memref<1x112x128xf32, #tpu.memory_space<vmem>>
      %dma_wait3A_98 = tpu.memref_squeeze %dma_wait3A_97 : memref<1x112x128xf32, #tpu.memory_space<vmem>> -> memref<112x128xf32, #tpu.memory_space<vmem>>
      %dma_wait3A_99 = arith.constant 0 : i32
      %dma_wait3A_100 = tpu.memref_slice %arg8[%dma_wait3A, %dma_wait3A_92, %dma_wait3A_99] : memref<2x2x112xi32, #tpu.memory_space<vmem>> -> memref<1x1x112xi32, #tpu.memory_space<vmem>>
      %dma_wait3A_101 = tpu.memref_squeeze %dma_wait3A_100 : memref<1x1x112xi32, #tpu.memory_space<vmem>> -> memref<112xi32, #tpu.memory_space<vmem>>
      %dma_wait3A_102 = arith.constant 0 : i32
      %dma_wait3A_103 = arith.constant 0 : i32
      %dma_wait3A_104 = tpu.memref_slice %arg2[%dma_wait3A_102, %dma_wait3A_103] : memref<12288x128xf32, #tpu.memory_space<hbm>> -> memref<12288x128xf32, #tpu.memory_space<hbm>>
      %dma_wait3A_105 = tpu.memref_slice %arg9[%dma_wait3A_94] : memref<2x!tpu.dma_semaphore, #tpu.memory_space<semaphore_mem>> -> memref<1x!tpu.dma_semaphore, #tpu.memory_space<semaphore_mem>>
      %dma_wait3A_106 = tpu.memref_squeeze %dma_wait3A_105 : memref<1x!tpu.dma_semaphore, #tpu.memory_space<semaphore_mem>> -> memref<!tpu.dma_semaphore, #tpu.memory_space<semaphore_mem>>
      tpu.wait_indirect_dma semaphore(%dma_wait3A_106 : memref<!tpu.dma_semaphore, #tpu.memory_space<semaphore_mem>>) src(%dma_wait3A_104 : memref<12288x128xf32, #tpu.memory_space<hbm>>) dst(%dma_wait3A_98 : memref<112x128xf32, #tpu.memory_space<vmem>>)
      %run_scoped3A_107 = arith.constant 0 : i32
      %run_scoped3A_108 = arith.constant 0 : i32
      %run_scoped3A_109 = arith.constant 1 : i32
      "tpu.region"() ({
        %run_scoped3A_151 = tpu.sem_alloc : memref<!tpu.dma_semaphore, #tpu.memory_space<semaphore_mem>>
        %dma_start3A_152 = arith.constant 0 : i32
        %dma_start3A_153 = arith.constant 0 : i32
        %dma_start3A_154 = tpu.memref_slice %arg7[%run_scoped3A_107, %dma_start3A_152, %dma_start3A_153] : memref<2x112x128xf32, #tpu.memory_space<vmem>> -> memref<1x112x128xf32, #tpu.memory_space<vmem>>
        %dma_start3A_155 = tpu.memref_squeeze %dma_start3A_154 : memref<1x112x128xf32, #tpu.memory_space<vmem>> -> memref<112x128xf32, #tpu.memory_space<vmem>>
        %dma_start3A_156 = arith.constant 0 : i32
        %dma_start3A_157 = tpu.memref_slice %arg8[%run_scoped3A_108, %run_scoped3A_109, %dma_start3A_156] : memref<2x2x112xi32, #tpu.memory_space<vmem>> -> memref<1x1x112xi32, #tpu.memory_space<vmem>>
        %dma_start3A_158 = tpu.memref_squeeze %dma_start3A_157 : memref<1x1x112xi32, #tpu.memory_space<vmem>> -> memref<112xi32, #tpu.memory_space<vmem>>
        %dma_start3A_159 = arith.constant 0 : i32
        %dma_start3A_160 = arith.constant 0 : i32
        %dma_start3A_161 = tpu.memref_slice %arg6[%dma_start3A_159, %dma_start3A_160] : memref<12288x128xf32, #tpu.memory_space<vmem_shared>> -> memref<12288x128xf32, #tpu.memory_space<vmem_shared>>
        tpu.enqueue_indirect_dma source(%dma_start3A_155 : memref<112x128xf32, #tpu.memory_space<vmem>>) target(%dma_start3A_161 : memref<12288x128xf32, #tpu.memory_space<vmem_shared>>) offsets(%dma_start3A_158 : memref<112xi32, #tpu.memory_space<vmem>>) semaphore(%run_scoped3A_151 : memref<!tpu.dma_semaphore, #tpu.memory_space<semaphore_mem>>) {add = true}
        %dma_wait3A_162 = arith.constant 0 : i32
        %dma_wait3A_163 = arith.constant 0 : i32
        %dma_wait3A_164 = tpu.memref_slice %arg7[%run_scoped3A_107, %dma_wait3A_162, %dma_wait3A_163] : memref<2x112x128xf32, #tpu.memory_space<vmem>> -> memref<1x112x128xf32, #tpu.memory_space<vmem>>
        %dma_wait3A_165 = tpu.memref_squeeze %dma_wait3A_164 : memref<1x112x128xf32, #tpu.memory_space<vmem>> -> memref<112x128xf32, #tpu.memory_space<vmem>>
        %dma_wait3A_166 = arith.constant 0 : i32
        %dma_wait3A_167 = tpu.memref_slice %arg8[%run_scoped3A_108, %run_scoped3A_109, %dma_wait3A_166] : memref<2x2x112xi32, #tpu.memory_space<vmem>> -> memref<1x1x112xi32, #tpu.memory_space<vmem>>
        %dma_wait3A_168 = tpu.memref_squeeze %dma_wait3A_167 : memref<1x1x112xi32, #tpu.memory_space<vmem>> -> memref<112xi32, #tpu.memory_space<vmem>>
        %dma_wait3A_169 = arith.constant 0 : i32
        %dma_wait3A_170 = arith.constant 0 : i32
        %dma_wait3A_171 = tpu.memref_slice %arg6[%dma_wait3A_169, %dma_wait3A_170] : memref<12288x128xf32, #tpu.memory_space<vmem_shared>> -> memref<12288x128xf32, #tpu.memory_space<vmem_shared>>
        tpu.wait_indirect_dma semaphore(%run_scoped3A_151 : memref<!tpu.dma_semaphore, #tpu.memory_space<semaphore_mem>>) src(%dma_wait3A_165 : memref<112x128xf32, #tpu.memory_space<vmem>>) dst(%dma_wait3A_171 : memref<12288x128xf32, #tpu.memory_space<vmem_shared>>)
        tpu.yield
      }) : () -> ()
      %add3A_110 = arith.constant 2 : i32
      %add3A_111 = arith.addi %add3A_86, %add3A_110 : i32
      %lt3A_112 = arith.cmpi slt, %add3A_111, %select_n3A : i32
      %convert_element_type3A_113 = arith.extui %lt3A_112 : i1 to i32
      %cond3A_114 = arith.constant 0 : i32
      %cond3A_115 = arith.cmpi ne, %convert_element_type3A_113, %cond3A_114 : i32
      scf.if %cond3A_115 {
        %add3A_151 = arith.addi %add3A, %add3A_86 : i32
        %add3A_152 = arith.constant 2 : i32
        %add3A_153 = arith.addi %add3A_151, %add3A_152 : i32
        %dma_start3A_154 = arith.constant 0 : i32
        %dma_start3A_155 = arith.constant 0 : i32
        %dma_start3A_156 = arith.constant 0 : i32
        %dma_start3A_157 = tpu.memref_slice %arg8[%dma_start3A_154, %dma_start3A_155, %dma_start3A_156] : memref<2x2x112xi32, #tpu.memory_space<vmem>> -> memref<1x2x112xi32, #tpu.memory_space<vmem>>
        %dma_start3A_158 = tpu.memref_squeeze %dma_start3A_157 : memref<1x2x112xi32, #tpu.memory_space<vmem>> -> memref<2x112xi32, #tpu.memory_space<vmem>>
        %dma_start3A_159 = arith.constant 0 : i32
        %dma_start3A_160 = arith.constant 0 : i32
        %dma_start3A_161 = tpu.memref_slice %arg3[%add3A_153, %dma_start3A_159, %dma_start3A_160] : memref<2880x2x112xi32, #tpu.memory_space<hbm>> -> memref<1x2x112xi32, #tpu.memory_space<hbm>>
        %dma_start3A_162 = tpu.memref_squeeze %dma_start3A_161 : memref<1x2x112xi32, #tpu.memory_space<hbm>> -> memref<2x112xi32, #tpu.memory_space<hbm>>
        %dma_start3A_163 = arith.constant 0 : i32
        %dma_start3A_164 = arith.constant 0 : i32
        %dma_start3A_165 = tpu.memref_slice %arg8[%dma_start3A_154, %dma_start3A_163, %dma_start3A_164] : memref<2x2x112xi32, #tpu.memory_space<vmem>> -> memref<1x2x112xi32, #tpu.memory_space<vmem>>
        %dma_start3A_166 = tpu.memref_squeeze %dma_start3A_165 : memref<1x2x112xi32, #tpu.memory_space<vmem>> -> memref<2x112xi32, #tpu.memory_space<vmem>>
        %dma_start3A_167 = arith.constant 0 : i32
        %dma_start3A_168 = arith.constant 0 : i32
        %dma_start3A_169 = tpu.memref_slice %arg3[%add3A_153, %dma_start3A_167, %dma_start3A_168] : memref<2880x2x112xi32, #tpu.memory_space<hbm>> -> memref<1x2x112xi32, #tpu.memory_space<hbm>>
        %dma_start3A_170 = tpu.memref_squeeze %dma_start3A_169 : memref<1x2x112xi32, #tpu.memory_space<hbm>> -> memref<2x112xi32, #tpu.memory_space<hbm>>
        tpu.enqueue_dma source(%dma_start3A_170 : memref<2x112xi32, #tpu.memory_space<hbm>>) target(%dma_start3A_166 : memref<2x112xi32, #tpu.memory_space<vmem>>) target_semaphore(%arg10 : memref<!tpu.dma_semaphore, #tpu.memory_space<semaphore_mem>>)
      } else {
      }
      %mul3A_116 = arith.constant 2 : i32
      %mul3A_117 = arith.muli %while3A_82, %mul3A_116 : i32
      %add3A_118 = arith.constant 1 : i32
      %add3A_119 = arith.addi %mul3A_117, %add3A_118 : i32
      %add3A_120 = arith.constant 1 : i32
      %add3A_121 = arith.addi %add3A_119, %add3A_120 : i32
      %lt3A_122 = arith.cmpi slt, %add3A_121, %select_n3A : i32
      %convert_element_type3A_123 = arith.extui %lt3A_122 : i1 to i32
      %cond3A_124 = arith.constant 0 : i32
      %cond3A_125 = arith.cmpi ne, %convert_element_type3A_123, %cond3A_124 : i32
      scf.if %cond3A_125 {
        %dma_wait3A_151 = arith.constant 0 : i32
        %dma_wait3A_152 = arith.constant 0 : i32
        %dma_wait3A_153 = arith.constant 0 : i32
        %dma_wait3A_154 = tpu.memref_slice %arg8[%dma_wait3A_151, %dma_wait3A_152, %dma_wait3A_153] : memref<2x2x112xi32, #tpu.memory_space<vmem>> -> memref<1x2x112xi32, #tpu.memory_space<vmem>>
        %dma_wait3A_155 = tpu.memref_squeeze %dma_wait3A_154 : memref<1x2x112xi32, #tpu.memory_space<vmem>> -> memref<2x112xi32, #tpu.memory_space<vmem>>
        %dma_wait3A_156 = arith.constant 0 : i32
        %dma_wait3A_157 = arith.constant 0 : i32
        %dma_wait3A_158 = tpu.memref_slice %arg3[%add3A, %dma_wait3A_156, %dma_wait3A_157] : memref<2880x2x112xi32, #tpu.memory_space<hbm>> -> memref<1x2x112xi32, #tpu.memory_space<hbm>>
        %dma_wait3A_159 = tpu.memref_squeeze %dma_wait3A_158 : memref<1x2x112xi32, #tpu.memory_space<hbm>> -> memref<2x112xi32, #tpu.memory_space<hbm>>
        %dma_wait3A_160 = arith.constant 0 : i32
        %dma_wait3A_161 = arith.constant 0 : i32
        %dma_wait3A_162 = tpu.memref_slice %arg8[%dma_wait3A_151, %dma_wait3A_160, %dma_wait3A_161] : memref<2x2x112xi32, #tpu.memory_space<vmem>> -> memref<1x2x112xi32, #tpu.memory_space<vmem>>
        %dma_wait3A_163 = tpu.memref_squeeze %dma_wait3A_162 : memref<1x2x112xi32, #tpu.memory_space<vmem>> -> memref<2x112xi32, #tpu.memory_space<vmem>>
        %dma_wait3A_164 = arith.constant 0 : i32
        %dma_wait3A_165 = arith.constant 0 : i32
        %dma_wait3A_166 = tpu.memref_slice %arg3[%add3A, %dma_wait3A_164, %dma_wait3A_165] : memref<2880x2x112xi32, #tpu.memory_space<hbm>> -> memref<1x2x112xi32, #tpu.memory_space<hbm>>
        %dma_wait3A_167 = tpu.memref_squeeze %dma_wait3A_166 : memref<1x2x112xi32, #tpu.memory_space<hbm>> -> memref<2x112xi32, #tpu.memory_space<hbm>>
        tpu.wait_dma2 semaphore(%arg10 : memref<!tpu.dma_semaphore, #tpu.memory_space<semaphore_mem>>) src(%dma_wait3A_167 : memref<2x112xi32, #tpu.memory_space<hbm>>) dst(%dma_wait3A_163 : memref<2x112xi32, #tpu.memory_space<vmem>>)
        %dma_start3A_168 = arith.constant 0 : i32
        %dma_start3A_169 = arith.constant 0 : i32
        %dma_start3A_170 = arith.constant 0 : i32
        %dma_start3A_171 = arith.constant 0 : i32
        %dma_start3A_172 = arith.constant 0 : i32
        %dma_start3A_173 = arith.constant 0 : i32
        %dma_start3A_174 = tpu.memref_slice %arg7[%dma_start3A_170, %dma_start3A_172, %dma_start3A_173] : memref<2x112x128xf32, #tpu.memory_space<vmem>> -> memref<1x112x128xf32, #tpu.memory_space<vmem>>
        %dma_start3A_175 = tpu.memref_squeeze %dma_start3A_174 : memref<1x112x128xf32, #tpu.memory_space<vmem>> -> memref<112x128xf32, #tpu.memory_space<vmem>>
        %dma_start3A_176 = arith.constant 0 : i32
        %dma_start3A_177 = tpu.memref_slice %arg8[%dma_start3A_168, %dma_start3A_169, %dma_start3A_176] : memref<2x2x112xi32, #tpu.memory_space<vmem>> -> memref<1x1x112xi32, #tpu.memory_space<vmem>>
        %dma_start3A_178 = tpu.memref_squeeze %dma_start3A_177 : memref<1x1x112xi32, #tpu.memory_space<vmem>> -> memref<112xi32, #tpu.memory_space<vmem>>
        %dma_start3A_179 = arith.constant 0 : i32
        %dma_start3A_180 = arith.constant 0 : i32
        %dma_start3A_181 = tpu.memref_slice %arg2[%dma_start3A_179, %dma_start3A_180] : memref<12288x128xf32, #tpu.memory_space<hbm>> -> memref<12288x128xf32, #tpu.memory_space<hbm>>
        %dma_start3A_182 = tpu.memref_slice %arg9[%dma_start3A_171] : memref<2x!tpu.dma_semaphore, #tpu.memory_space<semaphore_mem>> -> memref<1x!tpu.dma_semaphore, #tpu.memory_space<semaphore_mem>>
        %dma_start3A_183 = tpu.memref_squeeze %dma_start3A_182 : memref<1x!tpu.dma_semaphore, #tpu.memory_space<semaphore_mem>> -> memref<!tpu.dma_semaphore, #tpu.memory_space<semaphore_mem>>
        tpu.enqueue_indirect_dma source(%dma_start3A_181 : memref<12288x128xf32, #tpu.memory_space<hbm>>) target(%dma_start3A_175 : memref<112x128xf32, #tpu.memory_space<vmem>>) offsets(%dma_start3A_178 : memref<112xi32, #tpu.memory_space<vmem>>) semaphore(%dma_start3A_183 : memref<!tpu.dma_semaphore, #tpu.memory_space<semaphore_mem>>)
      } else {
      }
      %dma_wait3A_126 = arith.constant 1 : i32
      %dma_wait3A_127 = arith.constant 0 : i32
      %dma_wait3A_128 = arith.constant 1 : i32
      %dma_wait3A_129 = arith.constant 1 : i32
      %dma_wait3A_130 = arith.constant 0 : i32
      %dma_wait3A_131 = arith.constant 0 : i32
      %dma_wait3A_132 = tpu.memref_slice %arg7[%dma_wait3A_128, %dma_wait3A_130, %dma_wait3A_131] : memref<2x112x128xf32, #tpu.memory_space<vmem>> -> memref<1x112x128xf32, #tpu.memory_space<vmem>>
      %dma_wait3A_133 = tpu.memref_squeeze %dma_wait3A_132 : memref<1x112x128xf32, #tpu.memory_space<vmem>> -> memref<112x128xf32, #tpu.memory_space<vmem>>
      %dma_wait3A_134 = arith.constant 0 : i32
      %dma_wait3A_135 = tpu.memref_slice %arg8[%dma_wait3A_126, %dma_wait3A_127, %dma_wait3A_134] : memref<2x2x112xi32, #tpu.memory_space<vmem>> -> memref<1x1x112xi32, #tpu.memory_space<vmem>>
      %dma_wait3A_136 = tpu.memref_squeeze %dma_wait3A_135 : memref<1x1x112xi32, #tpu.memory_space<vmem>> -> memref<112xi32, #tpu.memory_space<vmem>>
      %dma_wait3A_137 = arith.constant 0 : i32
      %dma_wait3A_138 = arith.constant 0 : i32
      %dma_wait3A_139 = tpu.memref_slice %arg2[%dma_wait3A_137, %dma_wait3A_138] : memref<12288x128xf32, #tpu.memory_space<hbm>> -> memref<12288x128xf32, #tpu.memory_space<hbm>>
      %dma_wait3A_140 = tpu.memref_slice %arg9[%dma_wait3A_129] : memref<2x!tpu.dma_semaphore, #tpu.memory_space<semaphore_mem>> -> memref<1x!tpu.dma_semaphore, #tpu.memory_space<semaphore_mem>>
      %dma_wait3A_141 = tpu.memref_squeeze %dma_wait3A_140 : memref<1x!tpu.dma_semaphore, #tpu.memory_space<semaphore_mem>> -> memref<!tpu.dma_semaphore, #tpu.memory_space<semaphore_mem>>
      tpu.wait_indirect_dma semaphore(%dma_wait3A_141 : memref<!tpu.dma_semaphore, #tpu.memory_space<semaphore_mem>>) src(%dma_wait3A_139 : memref<12288x128xf32, #tpu.memory_space<hbm>>) dst(%dma_wait3A_133 : memref<112x128xf32, #tpu.memory_space<vmem>>)
      %run_scoped3A_142 = arith.constant 1 : i32
      %run_scoped3A_143 = arith.constant 1 : i32
      %run_scoped3A_144 = arith.constant 1 : i32
      "tpu.region"() ({
        %run_scoped3A_151 = tpu.sem_alloc : memref<!tpu.dma_semaphore, #tpu.memory_space<semaphore_mem>>
        %dma_start3A_152 = arith.constant 0 : i32
        %dma_start3A_153 = arith.constant 0 : i32
        %dma_start3A_154 = tpu.memref_slice %arg7[%run_scoped3A_142, %dma_start3A_152, %dma_start3A_153] : memref<2x112x128xf32, #tpu.memory_space<vmem>> -> memref<1x112x128xf32, #tpu.memory_space<vmem>>
        %dma_start3A_155 = tpu.memref_squeeze %dma_start3A_154 : memref<1x112x128xf32, #tpu.memory_space<vmem>> -> memref<112x128xf32, #tpu.memory_space<vmem>>
        %dma_start3A_156 = arith.constant 0 : i32
        %dma_start3A_157 = tpu.memref_slice %arg8[%run_scoped3A_143, %run_scoped3A_144, %dma_start3A_156] : memref<2x2x112xi32, #tpu.memory_space<vmem>> -> memref<1x1x112xi32, #tpu.memory_space<vmem>>
        %dma_start3A_158 = tpu.memref_squeeze %dma_start3A_157 : memref<1x1x112xi32, #tpu.memory_space<vmem>> -> memref<112xi32, #tpu.memory_space<vmem>>
        %dma_start3A_159 = arith.constant 0 : i32
        %dma_start3A_160 = arith.constant 0 : i32
        %dma_start3A_161 = tpu.memref_slice %arg6[%dma_start3A_159, %dma_start3A_160] : memref<12288x128xf32, #tpu.memory_space<vmem_shared>> -> memref<12288x128xf32, #tpu.memory_space<vmem_shared>>
        tpu.enqueue_indirect_dma source(%dma_start3A_155 : memref<112x128xf32, #tpu.memory_space<vmem>>) target(%dma_start3A_161 : memref<12288x128xf32, #tpu.memory_space<vmem_shared>>) offsets(%dma_start3A_158 : memref<112xi32, #tpu.memory_space<vmem>>) semaphore(%run_scoped3A_151 : memref<!tpu.dma_semaphore, #tpu.memory_space<semaphore_mem>>) {add = true}
        %dma_wait3A_162 = arith.constant 0 : i32
        %dma_wait3A_163 = arith.constant 0 : i32
        %dma_wait3A_164 = tpu.memref_slice %arg7[%run_scoped3A_142, %dma_wait3A_162, %dma_wait3A_163] : memref<2x112x128xf32, #tpu.memory_space<vmem>> -> memref<1x112x128xf32, #tpu.memory_space<vmem>>
        %dma_wait3A_165 = tpu.memref_squeeze %dma_wait3A_164 : memref<1x112x128xf32, #tpu.memory_space<vmem>> -> memref<112x128xf32, #tpu.memory_space<vmem>>
        %dma_wait3A_166 = arith.constant 0 : i32
        %dma_wait3A_167 = tpu.memref_slice %arg8[%run_scoped3A_143, %run_scoped3A_144, %dma_wait3A_166] : memref<2x2x112xi32, #tpu.memory_space<vmem>> -> memref<1x1x112xi32, #tpu.memory_space<vmem>>
        %dma_wait3A_168 = tpu.memref_squeeze %dma_wait3A_167 : memref<1x1x112xi32, #tpu.memory_space<vmem>> -> memref<112xi32, #tpu.memory_space<vmem>>
        %dma_wait3A_169 = arith.constant 0 : i32
        %dma_wait3A_170 = arith.constant 0 : i32
        %dma_wait3A_171 = tpu.memref_slice %arg6[%dma_wait3A_169, %dma_wait3A_170] : memref<12288x128xf32, #tpu.memory_space<vmem_shared>> -> memref<12288x128xf32, #tpu.memory_space<vmem_shared>>
        tpu.wait_indirect_dma semaphore(%run_scoped3A_151 : memref<!tpu.dma_semaphore, #tpu.memory_space<semaphore_mem>>) src(%dma_wait3A_165 : memref<112x128xf32, #tpu.memory_space<vmem>>) dst(%dma_wait3A_171 : memref<12288x128xf32, #tpu.memory_space<vmem_shared>>)
        tpu.yield
      }) : () -> ()
      %add3A_145 = arith.constant 2 : i32
      %add3A_146 = arith.addi %add3A_119, %add3A_145 : i32
      %lt3A_147 = arith.cmpi slt, %add3A_146, %select_n3A : i32
      %convert_element_type3A_148 = arith.extui %lt3A_147 : i1 to i32
      %cond3A_149 = arith.constant 0 : i32
      %cond3A_150 = arith.cmpi ne, %convert_element_type3A_148, %cond3A_149 : i32
      scf.if %cond3A_150 {
        %add3A_151 = arith.addi %add3A, %add3A_119 : i32
        %add3A_152 = arith.constant 2 : i32
        %add3A_153 = arith.addi %add3A_151, %add3A_152 : i32
        %dma_start3A_154 = arith.constant 1 : i32
        %dma_start3A_155 = arith.constant 0 : i32
        %dma_start3A_156 = arith.constant 0 : i32
        %dma_start3A_157 = tpu.memref_slice %arg8[%dma_start3A_154, %dma_start3A_155, %dma_start3A_156] : memref<2x2x112xi32, #tpu.memory_space<vmem>> -> memref<1x2x112xi32, #tpu.memory_space<vmem>>
        %dma_start3A_158 = tpu.memref_squeeze %dma_start3A_157 : memref<1x2x112xi32, #tpu.memory_space<vmem>> -> memref<2x112xi32, #tpu.memory_space<vmem>>
        %dma_start3A_159 = arith.constant 0 : i32
        %dma_start3A_160 = arith.constant 0 : i32
        %dma_start3A_161 = tpu.memref_slice %arg3[%add3A_153, %dma_start3A_159, %dma_start3A_160] : memref<2880x2x112xi32, #tpu.memory_space<hbm>> -> memref<1x2x112xi32, #tpu.memory_space<hbm>>
        %dma_start3A_162 = tpu.memref_squeeze %dma_start3A_161 : memref<1x2x112xi32, #tpu.memory_space<hbm>> -> memref<2x112xi32, #tpu.memory_space<hbm>>
        %dma_start3A_163 = arith.constant 0 : i32
        %dma_start3A_164 = arith.constant 0 : i32
        %dma_start3A_165 = tpu.memref_slice %arg8[%dma_start3A_154, %dma_start3A_163, %dma_start3A_164] : memref<2x2x112xi32, #tpu.memory_space<vmem>> -> memref<1x2x112xi32, #tpu.memory_space<vmem>>
        %dma_start3A_166 = tpu.memref_squeeze %dma_start3A_165 : memref<1x2x112xi32, #tpu.memory_space<vmem>> -> memref<2x112xi32, #tpu.memory_space<vmem>>
        %dma_start3A_167 = arith.constant 0 : i32
        %dma_start3A_168 = arith.constant 0 : i32
        %dma_start3A_169 = tpu.memref_slice %arg3[%add3A_153, %dma_start3A_167, %dma_start3A_168] : memref<2880x2x112xi32, #tpu.memory_space<hbm>> -> memref<1x2x112xi32, #tpu.memory_space<hbm>>
        %dma_start3A_170 = tpu.memref_squeeze %dma_start3A_169 : memref<1x2x112xi32, #tpu.memory_space<hbm>> -> memref<2x112xi32, #tpu.memory_space<hbm>>
        tpu.enqueue_dma source(%dma_start3A_170 : memref<2x112xi32, #tpu.memory_space<hbm>>) target(%dma_start3A_166 : memref<2x112xi32, #tpu.memory_space<vmem>>) target_semaphore(%arg10 : memref<!tpu.dma_semaphore, #tpu.memory_space<semaphore_mem>>)
      } else {
      }
    }
    %while3A_77 = arith.constant 1 : i32
    scf.for %while3A_82 = %while3A_75 to %while3A_71 step %while3A_77  : i32 {
      %mul3A_83 = arith.constant 2 : i32
      %mul3A_84 = arith.muli %while3A_82, %mul3A_83 : i32
      %add3A_85 = arith.constant 0 : i32
      %add3A_86 = arith.addi %mul3A_84, %add3A_85 : i32
      %add3A_87 = arith.constant 1 : i32
      %add3A_88 = arith.addi %add3A_86, %add3A_87 : i32
      %lt3A = arith.cmpi slt, %add3A_88, %select_n3A : i32
      %convert_element_type3A_89 = arith.extui %lt3A : i1 to i32
      %cond3A_90 = arith.constant 0 : i32
      %cond3A_91 = arith.cmpi ne, %convert_element_type3A_89, %cond3A_90 : i32
      scf.if %cond3A_91 {
        %dma_wait3A_151 = arith.constant 1 : i32
        %dma_wait3A_152 = arith.constant 0 : i32
        %dma_wait3A_153 = arith.constant 0 : i32
        %dma_wait3A_154 = tpu.memref_slice %arg8[%dma_wait3A_151, %dma_wait3A_152, %dma_wait3A_153] : memref<2x2x112xi32, #tpu.memory_space<vmem>> -> memref<1x2x112xi32, #tpu.memory_space<vmem>>
        %dma_wait3A_155 = tpu.memref_squeeze %dma_wait3A_154 : memref<1x2x112xi32, #tpu.memory_space<vmem>> -> memref<2x112xi32, #tpu.memory_space<vmem>>
        %dma_wait3A_156 = arith.constant 0 : i32
        %dma_wait3A_157 = arith.constant 0 : i32
        %dma_wait3A_158 = tpu.memref_slice %arg3[%add3A, %dma_wait3A_156, %dma_wait3A_157] : memref<2880x2x112xi32, #tpu.memory_space<hbm>> -> memref<1x2x112xi32, #tpu.memory_space<hbm>>
        %dma_wait3A_159 = tpu.memref_squeeze %dma_wait3A_158 : memref<1x2x112xi32, #tpu.memory_space<hbm>> -> memref<2x112xi32, #tpu.memory_space<hbm>>
        %dma_wait3A_160 = arith.constant 0 : i32
        %dma_wait3A_161 = arith.constant 0 : i32
        %dma_wait3A_162 = tpu.memref_slice %arg8[%dma_wait3A_151, %dma_wait3A_160, %dma_wait3A_161] : memref<2x2x112xi32, #tpu.memory_space<vmem>> -> memref<1x2x112xi32, #tpu.memory_space<vmem>>
        %dma_wait3A_163 = tpu.memref_squeeze %dma_wait3A_162 : memref<1x2x112xi32, #tpu.memory_space<vmem>> -> memref<2x112xi32, #tpu.memory_space<vmem>>
        %dma_wait3A_164 = arith.constant 0 : i32
        %dma_wait3A_165 = arith.constant 0 : i32
        %dma_wait3A_166 = tpu.memref_slice %arg3[%add3A, %dma_wait3A_164, %dma_wait3A_165] : memref<2880x2x112xi32, #tpu.memory_space<hbm>> -> memref<1x2x112xi32, #tpu.memory_space<hbm>>
        %dma_wait3A_167 = tpu.memref_squeeze %dma_wait3A_166 : memref<1x2x112xi32, #tpu.memory_space<hbm>> -> memref<2x112xi32, #tpu.memory_space<hbm>>
        tpu.wait_dma2 semaphore(%arg10 : memref<!tpu.dma_semaphore, #tpu.memory_space<semaphore_mem>>) src(%dma_wait3A_167 : memref<2x112xi32, #tpu.memory_space<hbm>>) dst(%dma_wait3A_163 : memref<2x112xi32, #tpu.memory_space<vmem>>)
        %dma_start3A_168 = arith.constant 1 : i32
        %dma_start3A_169 = arith.constant 0 : i32
        %dma_start3A_170 = arith.constant 1 : i32
        %dma_start3A_171 = arith.constant 1 : i32
        %dma_start3A_172 = arith.constant 0 : i32
        %dma_start3A_173 = arith.constant 0 : i32
        %dma_start3A_174 = tpu.memref_slice %arg7[%dma_start3A_170, %dma_start3A_172, %dma_start3A_173] : memref<2x112x128xf32, #tpu.memory_space<vmem>> -> memref<1x112x128xf32, #tpu.memory_space<vmem>>
        %dma_start3A_175 = tpu.memref_squeeze %dma_start3A_174 : memref<1x112x128xf32, #tpu.memory_space<vmem>> -> memref<112x128xf32, #tpu.memory_space<vmem>>
        %dma_start3A_176 = arith.constant 0 : i32
        %dma_start3A_177 = tpu.memref_slice %arg8[%dma_start3A_168, %dma_start3A_169, %dma_start3A_176] : memref<2x2x112xi32, #tpu.memory_space<vmem>> -> memref<1x1x112xi32, #tpu.memory_space<vmem>>
        %dma_start3A_178 = tpu.memref_squeeze %dma_start3A_177 : memref<1x1x112xi32, #tpu.memory_space<vmem>> -> memref<112xi32, #tpu.memory_space<vmem>>
        %dma_start3A_179 = arith.constant 0 : i32
        %dma_start3A_180 = arith.constant 0 : i32
        %dma_start3A_181 = tpu.memref_slice %arg2[%dma_start3A_179, %dma_start3A_180] : memref<12288x128xf32, #tpu.memory_space<hbm>> -> memref<12288x128xf32, #tpu.memory_space<hbm>>
        %dma_start3A_182 = tpu.memref_slice %arg9[%dma_start3A_171] : memref<2x!tpu.dma_semaphore, #tpu.memory_space<semaphore_mem>> -> memref<1x!tpu.dma_semaphore, #tpu.memory_space<semaphore_mem>>
        %dma_start3A_183 = tpu.memref_squeeze %dma_start3A_182 : memref<1x!tpu.dma_semaphore, #tpu.memory_space<semaphore_mem>> -> memref<!tpu.dma_semaphore, #tpu.memory_space<semaphore_mem>>
        tpu.enqueue_indirect_dma source(%dma_start3A_181 : memref<12288x128xf32, #tpu.memory_space<hbm>>) target(%dma_start3A_175 : memref<112x128xf32, #tpu.memory_space<vmem>>) offsets(%dma_start3A_178 : memref<112xi32, #tpu.memory_space<vmem>>) semaphore(%dma_start3A_183 : memref<!tpu.dma_semaphore, #tpu.memory_space<semaphore_mem>>)
      } else {
      }
      %dma_wait3A = arith.constant 0 : i32
      %dma_wait3A_92 = arith.constant 0 : i32
      %dma_wait3A_93 = arith.constant 0 : i32
      %dma_wait3A_94 = arith.constant 0 : i32
      %dma_wait3A_95 = arith.constant 0 : i32
      %dma_wait3A_96 = arith.constant 0 : i32
      %dma_wait3A_97 = tpu.memref_slice %arg7[%dma_wait3A_93, %dma_wait3A_95, %dma_wait3A_96] : memref<2x112x128xf32, #tpu.memory_space<vmem>> -> memref<1x112x128xf32, #tpu.memory_space<vmem>>
      %dma_wait3A_98 = tpu.memref_squeeze %dma_wait3A_97 : memref<1x112x128xf32, #tpu.memory_space<vmem>> -> memref<112x128xf32, #tpu.memory_space<vmem>>
      %dma_wait3A_99 = arith.constant 0 : i32
      %dma_wait3A_100 = tpu.memref_slice %arg8[%dma_wait3A, %dma_wait3A_92, %dma_wait3A_99] : memref<2x2x112xi32, #tpu.memory_space<vmem>> -> memref<1x1x112xi32, #tpu.memory_space<vmem>>
      %dma_wait3A_101 = tpu.memref_squeeze %dma_wait3A_100 : memref<1x1x112xi32, #tpu.memory_space<vmem>> -> memref<112xi32, #tpu.memory_space<vmem>>
      %dma_wait3A_102 = arith.constant 0 : i32
      %dma_wait3A_103 = arith.constant 0 : i32
      %dma_wait3A_104 = tpu.memref_slice %arg2[%dma_wait3A_102, %dma_wait3A_103] : memref<12288x128xf32, #tpu.memory_space<hbm>> -> memref<12288x128xf32, #tpu.memory_space<hbm>>
      %dma_wait3A_105 = tpu.memref_slice %arg9[%dma_wait3A_94] : memref<2x!tpu.dma_semaphore, #tpu.memory_space<semaphore_mem>> -> memref<1x!tpu.dma_semaphore, #tpu.memory_space<semaphore_mem>>
      %dma_wait3A_106 = tpu.memref_squeeze %dma_wait3A_105 : memref<1x!tpu.dma_semaphore, #tpu.memory_space<semaphore_mem>> -> memref<!tpu.dma_semaphore, #tpu.memory_space<semaphore_mem>>
      tpu.wait_indirect_dma semaphore(%dma_wait3A_106 : memref<!tpu.dma_semaphore, #tpu.memory_space<semaphore_mem>>) src(%dma_wait3A_104 : memref<12288x128xf32, #tpu.memory_space<hbm>>) dst(%dma_wait3A_98 : memref<112x128xf32, #tpu.memory_space<vmem>>)
      %run_scoped3A_107 = arith.constant 0 : i32
      %run_scoped3A_108 = arith.constant 0 : i32
      %run_scoped3A_109 = arith.constant 1 : i32
      "tpu.region"() ({
        %run_scoped3A_151 = tpu.sem_alloc : memref<!tpu.dma_semaphore, #tpu.memory_space<semaphore_mem>>
        %dma_start3A_152 = arith.constant 0 : i32
        %dma_start3A_153 = arith.constant 0 : i32
        %dma_start3A_154 = tpu.memref_slice %arg7[%run_scoped3A_107, %dma_start3A_152, %dma_start3A_153] : memref<2x112x128xf32, #tpu.memory_space<vmem>> -> memref<1x112x128xf32, #tpu.memory_space<vmem>>
        %dma_start3A_155 = tpu.memref_squeeze %dma_start3A_154 : memref<1x112x128xf32, #tpu.memory_space<vmem>> -> memref<112x128xf32, #tpu.memory_space<vmem>>
        %dma_start3A_156 = arith.constant 0 : i32
        %dma_start3A_157 = tpu.memref_slice %arg8[%run_scoped3A_108, %run_scoped3A_109, %dma_start3A_156] : memref<2x2x112xi32, #tpu.memory_space<vmem>> -> memref<1x1x112xi32, #tpu.memory_space<vmem>>
        %dma_start3A_158 = tpu.memref_squeeze %dma_start3A_157 : memref<1x1x112xi32, #tpu.memory_space<vmem>> -> memref<112xi32, #tpu.memory_space<vmem>>
        %dma_start3A_159 = arith.constant 0 : i32
        %dma_start3A_160 = arith.constant 0 : i32
        %dma_start3A_161 = tpu.memref_slice %arg6[%dma_start3A_159, %dma_start3A_160] : memref<12288x128xf32, #tpu.memory_space<vmem_shared>> -> memref<12288x128xf32, #tpu.memory_space<vmem_shared>>
        tpu.enqueue_indirect_dma source(%dma_start3A_155 : memref<112x128xf32, #tpu.memory_space<vmem>>) target(%dma_start3A_161 : memref<12288x128xf32, #tpu.memory_space<vmem_shared>>) offsets(%dma_start3A_158 : memref<112xi32, #tpu.memory_space<vmem>>) semaphore(%run_scoped3A_151 : memref<!tpu.dma_semaphore, #tpu.memory_space<semaphore_mem>>) {add = true}
        %dma_wait3A_162 = arith.constant 0 : i32
        %dma_wait3A_163 = arith.constant 0 : i32
        %dma_wait3A_164 = tpu.memref_slice %arg7[%run_scoped3A_107, %dma_wait3A_162, %dma_wait3A_163] : memref<2x112x128xf32, #tpu.memory_space<vmem>> -> memref<1x112x128xf32, #tpu.memory_space<vmem>>
        %dma_wait3A_165 = tpu.memref_squeeze %dma_wait3A_164 : memref<1x112x128xf32, #tpu.memory_space<vmem>> -> memref<112x128xf32, #tpu.memory_space<vmem>>
        %dma_wait3A_166 = arith.constant 0 : i32
        %dma_wait3A_167 = tpu.memref_slice %arg8[%run_scoped3A_108, %run_scoped3A_109, %dma_wait3A_166] : memref<2x2x112xi32, #tpu.memory_space<vmem>> -> memref<1x1x112xi32, #tpu.memory_space<vmem>>
        %dma_wait3A_168 = tpu.memref_squeeze %dma_wait3A_167 : memref<1x1x112xi32, #tpu.memory_space<vmem>> -> memref<112xi32, #tpu.memory_space<vmem>>
        %dma_wait3A_169 = arith.constant 0 : i32
        %dma_wait3A_170 = arith.constant 0 : i32
        %dma_wait3A_171 = tpu.memref_slice %arg6[%dma_wait3A_169, %dma_wait3A_170] : memref<12288x128xf32, #tpu.memory_space<vmem_shared>> -> memref<12288x128xf32, #tpu.memory_space<vmem_shared>>
        tpu.wait_indirect_dma semaphore(%run_scoped3A_151 : memref<!tpu.dma_semaphore, #tpu.memory_space<semaphore_mem>>) src(%dma_wait3A_165 : memref<112x128xf32, #tpu.memory_space<vmem>>) dst(%dma_wait3A_171 : memref<12288x128xf32, #tpu.memory_space<vmem_shared>>)
        tpu.yield
      }) : () -> ()
      %add3A_110 = arith.constant 2 : i32
      %add3A_111 = arith.addi %add3A_86, %add3A_110 : i32
      %lt3A_112 = arith.cmpi slt, %add3A_111, %select_n3A : i32
      %convert_element_type3A_113 = arith.extui %lt3A_112 : i1 to i32
      %cond3A_114 = arith.constant 0 : i32
      %cond3A_115 = arith.cmpi ne, %convert_element_type3A_113, %cond3A_114 : i32
      scf.if %cond3A_115 {
        %add3A_151 = arith.addi %add3A, %add3A_86 : i32
        %add3A_152 = arith.constant 2 : i32
        %add3A_153 = arith.addi %add3A_151, %add3A_152 : i32
        %dma_start3A_154 = arith.constant 0 : i32
        %dma_start3A_155 = arith.constant 0 : i32
        %dma_start3A_156 = arith.constant 0 : i32
        %dma_start3A_157 = tpu.memref_slice %arg8[%dma_start3A_154, %dma_start3A_155, %dma_start3A_156] : memref<2x2x112xi32, #tpu.memory_space<vmem>> -> memref<1x2x112xi32, #tpu.memory_space<vmem>>
        %dma_start3A_158 = tpu.memref_squeeze %dma_start3A_157 : memref<1x2x112xi32, #tpu.memory_space<vmem>> -> memref<2x112xi32, #tpu.memory_space<vmem>>
        %dma_start3A_159 = arith.constant 0 : i32
        %dma_start3A_160 = arith.constant 0 : i32
        %dma_start3A_161 = tpu.memref_slice %arg3[%add3A_153, %dma_start3A_159, %dma_start3A_160] : memref<2880x2x112xi32, #tpu.memory_space<hbm>> -> memref<1x2x112xi32, #tpu.memory_space<hbm>>
        %dma_start3A_162 = tpu.memref_squeeze %dma_start3A_161 : memref<1x2x112xi32, #tpu.memory_space<hbm>> -> memref<2x112xi32, #tpu.memory_space<hbm>>
        %dma_start3A_163 = arith.constant 0 : i32
        %dma_start3A_164 = arith.constant 0 : i32
        %dma_start3A_165 = tpu.memref_slice %arg8[%dma_start3A_154, %dma_start3A_163, %dma_start3A_164] : memref<2x2x112xi32, #tpu.memory_space<vmem>> -> memref<1x2x112xi32, #tpu.memory_space<vmem>>
        %dma_start3A_166 = tpu.memref_squeeze %dma_start3A_165 : memref<1x2x112xi32, #tpu.memory_space<vmem>> -> memref<2x112xi32, #tpu.memory_space<vmem>>
        %dma_start3A_167 = arith.constant 0 : i32
        %dma_start3A_168 = arith.constant 0 : i32
        %dma_start3A_169 = tpu.memref_slice %arg3[%add3A_153, %dma_start3A_167, %dma_start3A_168] : memref<2880x2x112xi32, #tpu.memory_space<hbm>> -> memref<1x2x112xi32, #tpu.memory_space<hbm>>
        %dma_start3A_170 = tpu.memref_squeeze %dma_start3A_169 : memref<1x2x112xi32, #tpu.memory_space<hbm>> -> memref<2x112xi32, #tpu.memory_space<hbm>>
        tpu.enqueue_dma source(%dma_start3A_170 : memref<2x112xi32, #tpu.memory_space<hbm>>) target(%dma_start3A_166 : memref<2x112xi32, #tpu.memory_space<vmem>>) target_semaphore(%arg10 : memref<!tpu.dma_semaphore, #tpu.memory_space<semaphore_mem>>)
      } else {
      }
      %mul3A_116 = arith.constant 2 : i32
      %mul3A_117 = arith.muli %while3A_82, %mul3A_116 : i32
      %add3A_118 = arith.constant 1 : i32
      %add3A_119 = arith.addi %mul3A_117, %add3A_118 : i32
      %add3A_120 = arith.constant 1 : i32
      %add3A_121 = arith.addi %add3A_119, %add3A_120 : i32
      %lt3A_122 = arith.cmpi slt, %add3A_121, %select_n3A : i32
      %convert_element_type3A_123 = arith.extui %lt3A_122 : i1 to i32
      %cond3A_124 = arith.constant 0 : i32
      %cond3A_125 = arith.cmpi ne, %convert_element_type3A_123, %cond3A_124 : i32
      scf.if %cond3A_125 {
        %dma_wait3A_151 = arith.constant 0 : i32
        %dma_wait3A_152 = arith.constant 0 : i32
        %dma_wait3A_153 = arith.constant 0 : i32
        %dma_wait3A_154 = tpu.memref_slice %arg8[%dma_wait3A_151, %dma_wait3A_152, %dma_wait3A_153] : memref<2x2x112xi32, #tpu.memory_space<vmem>> -> memref<1x2x112xi32, #tpu.memory_space<vmem>>
        %dma_wait3A_155 = tpu.memref_squeeze %dma_wait3A_154 : memref<1x2x112xi32, #tpu.memory_space<vmem>> -> memref<2x112xi32, #tpu.memory_space<vmem>>
        %dma_wait3A_156 = arith.constant 0 : i32
        %dma_wait3A_157 = arith.constant 0 : i32
        %dma_wait3A_158 = tpu.memref_slice %arg3[%add3A, %dma_wait3A_156, %dma_wait3A_157] : memref<2880x2x112xi32, #tpu.memory_space<hbm>> -> memref<1x2x112xi32, #tpu.memory_space<hbm>>
        %dma_wait3A_159 = tpu.memref_squeeze %dma_wait3A_158 : memref<1x2x112xi32, #tpu.memory_space<hbm>> -> memref<2x112xi32, #tpu.memory_space<hbm>>
        %dma_wait3A_160 = arith.constant 0 : i32
        %dma_wait3A_161 = arith.constant 0 : i32
        %dma_wait3A_162 = tpu.memref_slice %arg8[%dma_wait3A_151, %dma_wait3A_160, %dma_wait3A_161] : memref<2x2x112xi32, #tpu.memory_space<vmem>> -> memref<1x2x112xi32, #tpu.memory_space<vmem>>
        %dma_wait3A_163 = tpu.memref_squeeze %dma_wait3A_162 : memref<1x2x112xi32, #tpu.memory_space<vmem>> -> memref<2x112xi32, #tpu.memory_space<vmem>>
        %dma_wait3A_164 = arith.constant 0 : i32
        %dma_wait3A_165 = arith.constant 0 : i32
        %dma_wait3A_166 = tpu.memref_slice %arg3[%add3A, %dma_wait3A_164, %dma_wait3A_165] : memref<2880x2x112xi32, #tpu.memory_space<hbm>> -> memref<1x2x112xi32, #tpu.memory_space<hbm>>
        %dma_wait3A_167 = tpu.memref_squeeze %dma_wait3A_166 : memref<1x2x112xi32, #tpu.memory_space<hbm>> -> memref<2x112xi32, #tpu.memory_space<hbm>>
        tpu.wait_dma2 semaphore(%arg10 : memref<!tpu.dma_semaphore, #tpu.memory_space<semaphore_mem>>) src(%dma_wait3A_167 : memref<2x112xi32, #tpu.memory_space<hbm>>) dst(%dma_wait3A_163 : memref<2x112xi32, #tpu.memory_space<vmem>>)
        %dma_start3A_168 = arith.constant 0 : i32
        %dma_start3A_169 = arith.constant 0 : i32
        %dma_start3A_170 = arith.constant 0 : i32
        %dma_start3A_171 = arith.constant 0 : i32
        %dma_start3A_172 = arith.constant 0 : i32
        %dma_start3A_173 = arith.constant 0 : i32
        %dma_start3A_174 = tpu.memref_slice %arg7[%dma_start3A_170, %dma_start3A_172, %dma_start3A_173] : memref<2x112x128xf32, #tpu.memory_space<vmem>> -> memref<1x112x128xf32, #tpu.memory_space<vmem>>
        %dma_start3A_175 = tpu.memref_squeeze %dma_start3A_174 : memref<1x112x128xf32, #tpu.memory_space<vmem>> -> memref<112x128xf32, #tpu.memory_space<vmem>>
        %dma_start3A_176 = arith.constant 0 : i32
        %dma_start3A_177 = tpu.memref_slice %arg8[%dma_start3A_168, %dma_start3A_169, %dma_start3A_176] : memref<2x2x112xi32, #tpu.memory_space<vmem>> -> memref<1x1x112xi32, #tpu.memory_space<vmem>>
        %dma_start3A_178 = tpu.memref_squeeze %dma_start3A_177 : memref<1x1x112xi32, #tpu.memory_space<vmem>> -> memref<112xi32, #tpu.memory_space<vmem>>
        %dma_start3A_179 = arith.constant 0 : i32
        %dma_start3A_180 = arith.constant 0 : i32
        %dma_start3A_181 = tpu.memref_slice %arg2[%dma_start3A_179, %dma_start3A_180] : memref<12288x128xf32, #tpu.memory_space<hbm>> -> memref<12288x128xf32, #tpu.memory_space<hbm>>
        %dma_start3A_182 = tpu.memref_slice %arg9[%dma_start3A_171] : memref<2x!tpu.dma_semaphore, #tpu.memory_space<semaphore_mem>> -> memref<1x!tpu.dma_semaphore, #tpu.memory_space<semaphore_mem>>
        %dma_start3A_183 = tpu.memref_squeeze %dma_start3A_182 : memref<1x!tpu.dma_semaphore, #tpu.memory_space<semaphore_mem>> -> memref<!tpu.dma_semaphore, #tpu.memory_space<semaphore_mem>>
        tpu.enqueue_indirect_dma source(%dma_start3A_181 : memref<12288x128xf32, #tpu.memory_space<hbm>>) target(%dma_start3A_175 : memref<112x128xf32, #tpu.memory_space<vmem>>) offsets(%dma_start3A_178 : memref<112xi32, #tpu.memory_space<vmem>>) semaphore(%dma_start3A_183 : memref<!tpu.dma_semaphore, #tpu.memory_space<semaphore_mem>>)
      } else {
      }
      %dma_wait3A_126 = arith.constant 1 : i32
      %dma_wait3A_127 = arith.constant 0 : i32
      %dma_wait3A_128 = arith.constant 1 : i32
      %dma_wait3A_129 = arith.constant 1 : i32
      %dma_wait3A_130 = arith.constant 0 : i32
      %dma_wait3A_131 = arith.constant 0 : i32
      %dma_wait3A_132 = tpu.memref_slice %arg7[%dma_wait3A_128, %dma_wait3A_130, %dma_wait3A_131] : memref<2x112x128xf32, #tpu.memory_space<vmem>> -> memref<1x112x128xf32, #tpu.memory_space<vmem>>
      %dma_wait3A_133 = tpu.memref_squeeze %dma_wait3A_132 : memref<1x112x128xf32, #tpu.memory_space<vmem>> -> memref<112x128xf32, #tpu.memory_space<vmem>>
      %dma_wait3A_134 = arith.constant 0 : i32
      %dma_wait3A_135 = tpu.memref_slice %arg8[%dma_wait3A_126, %dma_wait3A_127, %dma_wait3A_134] : memref<2x2x112xi32, #tpu.memory_space<vmem>> -> memref<1x1x112xi32, #tpu.memory_space<vmem>>
      %dma_wait3A_136 = tpu.memref_squeeze %dma_wait3A_135 : memref<1x1x112xi32, #tpu.memory_space<vmem>> -> memref<112xi32, #tpu.memory_space<vmem>>
      %dma_wait3A_137 = arith.constant 0 : i32
      %dma_wait3A_138 = arith.constant 0 : i32
      %dma_wait3A_139 = tpu.memref_slice %arg2[%dma_wait3A_137, %dma_wait3A_138] : memref<12288x128xf32, #tpu.memory_space<hbm>> -> memref<12288x128xf32, #tpu.memory_space<hbm>>
      %dma_wait3A_140 = tpu.memref_slice %arg9[%dma_wait3A_129] : memref<2x!tpu.dma_semaphore, #tpu.memory_space<semaphore_mem>> -> memref<1x!tpu.dma_semaphore, #tpu.memory_space<semaphore_mem>>
      %dma_wait3A_141 = tpu.memref_squeeze %dma_wait3A_140 : memref<1x!tpu.dma_semaphore, #tpu.memory_space<semaphore_mem>> -> memref<!tpu.dma_semaphore, #tpu.memory_space<semaphore_mem>>
      tpu.wait_indirect_dma semaphore(%dma_wait3A_141 : memref<!tpu.dma_semaphore, #tpu.memory_space<semaphore_mem>>) src(%dma_wait3A_139 : memref<12288x128xf32, #tpu.memory_space<hbm>>) dst(%dma_wait3A_133 : memref<112x128xf32, #tpu.memory_space<vmem>>)
      %run_scoped3A_142 = arith.constant 1 : i32
      %run_scoped3A_143 = arith.constant 1 : i32
      %run_scoped3A_144 = arith.constant 1 : i32
      "tpu.region"() ({
        %run_scoped3A_151 = tpu.sem_alloc : memref<!tpu.dma_semaphore, #tpu.memory_space<semaphore_mem>>
        %dma_start3A_152 = arith.constant 0 : i32
        %dma_start3A_153 = arith.constant 0 : i32
        %dma_start3A_154 = tpu.memref_slice %arg7[%run_scoped3A_142, %dma_start3A_152, %dma_start3A_153] : memref<2x112x128xf32, #tpu.memory_space<vmem>> -> memref<1x112x128xf32, #tpu.memory_space<vmem>>
        %dma_start3A_155 = tpu.memref_squeeze %dma_start3A_154 : memref<1x112x128xf32, #tpu.memory_space<vmem>> -> memref<112x128xf32, #tpu.memory_space<vmem>>
        %dma_start3A_156 = arith.constant 0 : i32
        %dma_start3A_157 = tpu.memref_slice %arg8[%run_scoped3A_143, %run_scoped3A_144, %dma_start3A_156] : memref<2x2x112xi32, #tpu.memory_space<vmem>> -> memref<1x1x112xi32, #tpu.memory_space<vmem>>
        %dma_start3A_158 = tpu.memref_squeeze %dma_start3A_157 : memref<1x1x112xi32, #tpu.memory_space<vmem>> -> memref<112xi32, #tpu.memory_space<vmem>>
        %dma_start3A_159 = arith.constant 0 : i32
        %dma_start3A_160 = arith.constant 0 : i32
        %dma_start3A_161 = tpu.memref_slice %arg6[%dma_start3A_159, %dma_start3A_160] : memref<12288x128xf32, #tpu.memory_space<vmem_shared>> -> memref<12288x128xf32, #tpu.memory_space<vmem_shared>>
        tpu.enqueue_indirect_dma source(%dma_start3A_155 : memref<112x128xf32, #tpu.memory_space<vmem>>) target(%dma_start3A_161 : memref<12288x128xf32, #tpu.memory_space<vmem_shared>>) offsets(%dma_start3A_158 : memref<112xi32, #tpu.memory_space<vmem>>) semaphore(%run_scoped3A_151 : memref<!tpu.dma_semaphore, #tpu.memory_space<semaphore_mem>>) {add = true}
        %dma_wait3A_162 = arith.constant 0 : i32
        %dma_wait3A_163 = arith.constant 0 : i32
        %dma_wait3A_164 = tpu.memref_slice %arg7[%run_scoped3A_142, %dma_wait3A_162, %dma_wait3A_163] : memref<2x112x128xf32, #tpu.memory_space<vmem>> -> memref<1x112x128xf32, #tpu.memory_space<vmem>>
        %dma_wait3A_165 = tpu.memref_squeeze %dma_wait3A_164 : memref<1x112x128xf32, #tpu.memory_space<vmem>> -> memref<112x128xf32, #tpu.memory_space<vmem>>
        %dma_wait3A_166 = arith.constant 0 : i32
        %dma_wait3A_167 = tpu.memref_slice %arg8[%run_scoped3A_143, %run_scoped3A_144, %dma_wait3A_166] : memref<2x2x112xi32, #tpu.memory_space<vmem>> -> memref<1x1x112xi32, #tpu.memory_space<vmem>>
        %dma_wait3A_168 = tpu.memref_squeeze %dma_wait3A_167 : memref<1x1x112xi32, #tpu.memory_space<vmem>> -> memref<112xi32, #tpu.memory_space<vmem>>
        %dma_wait3A_169 = arith.constant 0 : i32
        %dma_wait3A_170 = arith.constant 0 : i32
        %dma_wait3A_171 = tpu.memref_slice %arg6[%dma_wait3A_169, %dma_wait3A_170] : memref<12288x128xf32, #tpu.memory_space<vmem_shared>> -> memref<12288x128xf32, #tpu.memory_space<vmem_shared>>
        tpu.wait_indirect_dma semaphore(%run_scoped3A_151 : memref<!tpu.dma_semaphore, #tpu.memory_space<semaphore_mem>>) src(%dma_wait3A_165 : memref<112x128xf32, #tpu.memory_space<vmem>>) dst(%dma_wait3A_171 : memref<12288x128xf32, #tpu.memory_space<vmem_shared>>)
        tpu.yield
      }) : () -> ()
      %add3A_145 = arith.constant 2 : i32
      %add3A_146 = arith.addi %add3A_119, %add3A_145 : i32
      %lt3A_147 = arith.cmpi slt, %add3A_146, %select_n3A : i32
      %convert_element_type3A_148 = arith.extui %lt3A_147 : i1 to i32
      %cond3A_149 = arith.constant 0 : i32
      %cond3A_150 = arith.cmpi ne, %convert_element_type3A_148, %cond3A_149 : i32
      scf.if %cond3A_150 {
        %add3A_151 = arith.addi %add3A, %add3A_119 : i32
        %add3A_152 = arith.constant 2 : i32
        %add3A_153 = arith.addi %add3A_151, %add3A_152 : i32
        %dma_start3A_154 = arith.constant 1 : i32
        %dma_start3A_155 = arith.constant 0 : i32
        %dma_start3A_156 = arith.constant 0 : i32
        %dma_start3A_157 = tpu.memref_slice %arg8[%dma_start3A_154, %dma_start3A_155, %dma_start3A_156] : memref<2x2x112xi32, #tpu.memory_space<vmem>> -> memref<1x2x112xi32, #tpu.memory_space<vmem>>
        %dma_start3A_158 = tpu.memref_squeeze %dma_start3A_157 : memref<1x2x112xi32, #tpu.memory_space<vmem>> -> memref<2x112xi32, #tpu.memory_space<vmem>>
        %dma_start3A_159 = arith.constant 0 : i32
        %dma_start3A_160 = arith.constant 0 : i32
        %dma_start3A_161 = tpu.memref_slice %arg3[%add3A_153, %dma_start3A_159, %dma_start3A_160] : memref<2880x2x112xi32, #tpu.memory_space<hbm>> -> memref<1x2x112xi32, #tpu.memory_space<hbm>>
        %dma_start3A_162 = tpu.memref_squeeze %dma_start3A_161 : memref<1x2x112xi32, #tpu.memory_space<hbm>> -> memref<2x112xi32, #tpu.memory_space<hbm>>
        %dma_start3A_163 = arith.constant 0 : i32
        %dma_start3A_164 = arith.constant 0 : i32
        %dma_start3A_165 = tpu.memref_slice %arg8[%dma_start3A_154, %dma_start3A_163, %dma_start3A_164] : memref<2x2x112xi32, #tpu.memory_space<vmem>> -> memref<1x2x112xi32, #tpu.memory_space<vmem>>
        %dma_start3A_166 = tpu.memref_squeeze %dma_start3A_165 : memref<1x2x112xi32, #tpu.memory_space<vmem>> -> memref<2x112xi32, #tpu.memory_space<vmem>>
        %dma_start3A_167 = arith.constant 0 : i32
        %dma_start3A_168 = arith.constant 0 : i32
        %dma_start3A_169 = tpu.memref_slice %arg3[%add3A_153, %dma_start3A_167, %dma_start3A_168] : memref<2880x2x112xi32, #tpu.memory_space<hbm>> -> memref<1x2x112xi32, #tpu.memory_space<hbm>>
        %dma_start3A_170 = tpu.memref_squeeze %dma_start3A_169 : memref<1x2x112xi32, #tpu.memory_space<hbm>> -> memref<2x112xi32, #tpu.memory_space<hbm>>
        tpu.enqueue_dma source(%dma_start3A_170 : memref<2x112xi32, #tpu.memory_space<hbm>>) target(%dma_start3A_166 : memref<2x112xi32, #tpu.memory_space<vmem>>) target_semaphore(%arg10 : memref<!tpu.dma_semaphore, #tpu.memory_space<semaphore_mem>>)
      } else {
      }
    }
    %barrier3A_78 = arith.constant 0 : index
    tpu.barrier barrier_id(%barrier3A_78)
    %mul3A_79 = arith.constant 12288 : i32
    %mul3A_80 = arith.muli %arg0, %mul3A_79 : i32
    %add3A_81 = arith.addi %mul3A_80, %mul3A_0 : i32
    "tpu.region"() ({
      %run_scoped3A_82 = tpu.sem_alloc : memref<!tpu.dma_semaphore, #tpu.memory_space<semaphore_mem>>
      %dma_start3A_83 = arith.constant 0 : i32
      %dma_start3A_84 = tpu.memref_slice %arg5[%add3A_81, %dma_start3A_83] : memref<24576x128xf32, #tpu.memory_space<hbm>> -> memref<768x128xf32, #tpu.memory_space<hbm>>
      %dma_start3A_85 = arith.constant 0 : i32
      %dma_start3A_86 = tpu.memref_slice %arg6[%mul3A_0, %dma_start3A_85] : memref<12288x128xf32, #tpu.memory_space<vmem_shared>> -> memref<768x128xf32, #tpu.memory_space<vmem_shared>>
      tpu.enqueue_dma source(%dma_start3A_86 : memref<768x128xf32, #tpu.memory_space<vmem_shared>>) target(%dma_start3A_84 : memref<768x128xf32, #tpu.memory_space<hbm>>) target_semaphore(%run_scoped3A_82 : memref<!tpu.dma_semaphore, #tpu.memory_space<semaphore_mem>>)
      %dma_wait3A = arith.constant 0 : i32
      %dma_wait3A_87 = tpu.memref_slice %arg5[%add3A_81, %dma_wait3A] : memref<24576x128xf32, #tpu.memory_space<hbm>> -> memref<768x128xf32, #tpu.memory_space<hbm>>
      %dma_wait3A_88 = arith.constant 0 : i32
      %dma_wait3A_89 = tpu.memref_slice %arg6[%mul3A_0, %dma_wait3A_88] : memref<12288x128xf32, #tpu.memory_space<vmem_shared>> -> memref<768x128xf32, #tpu.memory_space<vmem_shared>>
      tpu.wait_dma2 semaphore(%run_scoped3A_82 : memref<!tpu.dma_semaphore, #tpu.memory_space<semaphore_mem>>) src(%dma_wait3A_89 : memref<768x128xf32, #tpu.memory_space<vmem_shared>>) dst(%dma_wait3A_87 : memref<768x128xf32, #tpu.memory_space<hbm>>)
      tpu.yield
    }) : () -> ()
    return
  }
}

#map = affine_map<(d0, d1) -> (0, 0)>
#map1 = affine_map<(d0, d1) -> (0, 0, 0)>
module attributes {stable_mosaic.version = 14 : i64} {
  func.func @spmm_kernel(%arg0: i32, %arg1: i32, %arg2: memref<12288x128xf32, #tpu.memory_space<hbm>>, %arg3: memref<2880x2x112xi32, #tpu.memory_space<hbm>>, %arg4: memref<12288x128xf32, #tpu.memory_space<hbm>>, %arg5: memref<24576x128xf32, #tpu.memory_space<hbm>>, %arg6: memref<12288x128xf32, #tpu.memory_space<vmem_shared>>, %arg7: memref<2x112x128xf32, #tpu.memory_space<vmem>>, %arg8: memref<2x2x112xi32, #tpu.memory_space<vmem>>, %arg9: memref<2x!tpu.dma_semaphore, #tpu.memory_space<semaphore_mem>>, %arg10: memref<!tpu.dma_semaphore, #tpu.memory_space<semaphore_mem>>) attributes {dimension_semantics = [#tpu.dimension_semantics<core_parallel>, #tpu.dimension_semantics<subcore_parallel>], iteration_bounds = array<i64: 2, 16>, scalar_prefetch = 0 : i64, scratch_operands = 5 : i64, tpu.core_type = #tpu.core_type<sc_vector_subcore>, window_params = [{transform_indices = #map}, {transform_indices = #map1}, {transform_indices = #map}, {transform_indices = #map}]} {
    %mul3A = arith.constant 768 : i32
    %mul3A_0 = arith.muli %arg1, %mul3A : i32
    %eq3A = arith.constant 0 : i32
    %eq3A_1 = arith.cmpi eq, %arg0, %eq3A : i32
    %jit3A = arith.constant 132 : i32
    %jit3A_2 = arith.constant 48 : i32
    %select_n3A = arith.select %eq3A_1, %jit3A, %jit3A_2 : i32
    %eq3A_3 = arith.constant 0 : i32
    %eq3A_4 = arith.cmpi eq, %arg0, %eq3A_3 : i32
    %convert_element_type3A = arith.extui %eq3A_4 : i1 to i32
    %cond3A = arith.constant 0 : i32
    %cond3A_5 = arith.cmpi ne, %convert_element_type3A, %cond3A : i32
    scf.if %cond3A_5 {
      "tpu.region"() ({
        %run_scoped3A_82 = tpu.sem_alloc : memref<!tpu.dma_semaphore, #tpu.memory_space<semaphore_mem>>
        %dma_start3A_83 = arith.constant 0 : i32
        %dma_start3A_84 = tpu.memref_slice %arg6[%mul3A_0, %dma_start3A_83] : memref<12288x128xf32, #tpu.memory_space<vmem_shared>> -> memref<768x128xf32, #tpu.memory_space<vmem_shared>>
        %dma_start3A_85 = arith.constant 0 : i32
        %dma_start3A_86 = tpu.memref_slice %arg2[%mul3A_0, %dma_start3A_85] : memref<12288x128xf32, #tpu.memory_space<hbm>> -> memref<768x128xf32, #tpu.memory_space<hbm>>
        tpu.enqueue_dma source(%dma_start3A_86 : memref<768x128xf32, #tpu.memory_space<hbm>>) target(%dma_start3A_84 : memref<768x128xf32, #tpu.memory_space<vmem_shared>>) target_semaphore(%run_scoped3A_82 : memref<!tpu.dma_semaphore, #tpu.memory_space<semaphore_mem>>)
        %dma_wait3A = arith.constant 0 : i32
        %dma_wait3A_87 = tpu.memref_slice %arg6[%mul3A_0, %dma_wait3A] : memref<12288x128xf32, #tpu.memory_space<vmem_shared>> -> memref<768x128xf32, #tpu.memory_space<vmem_shared>>
        %dma_wait3A_88 = arith.constant 0 : i32
        %dma_wait3A_89 = tpu.memref_slice %arg2[%mul3A_0, %dma_wait3A_88] : memref<12288x128xf32, #tpu.memory_space<hbm>> -> memref<768x128xf32, #tpu.memory_space<hbm>>
        tpu.wait_dma2 semaphore(%run_scoped3A_82 : memref<!tpu.dma_semaphore, #tpu.memory_space<semaphore_mem>>) src(%dma_wait3A_89 : memref<768x128xf32, #tpu.memory_space<hbm>>) dst(%dma_wait3A_87 : memref<768x128xf32, #tpu.memory_space<vmem_shared>>)
        tpu.yield
      }) : () -> ()
    } else {
    }
    %eq3A_6 = arith.constant 1 : i32
    %eq3A_7 = arith.cmpi eq, %arg0, %eq3A_6 : i32
    %convert_element_type3A_8 = arith.extui %eq3A_7 : i1 to i32
    %cond3A_9 = arith.constant 0 : i32
    %cond3A_10 = arith.cmpi ne, %convert_element_type3A_8, %cond3A_9 : i32
    scf.if %cond3A_10 {
      "tpu.region"() ({
        %run_scoped3A_82 = tpu.sem_alloc : memref<!tpu.dma_semaphore, #tpu.memory_space<semaphore_mem>>
        %dma_start3A_83 = arith.constant 0 : i32
        %dma_start3A_84 = tpu.memref_slice %arg6[%mul3A_0, %dma_start3A_83] : memref<12288x128xf32, #tpu.memory_space<vmem_shared>> -> memref<768x128xf32, #tpu.memory_space<vmem_shared>>
        %dma_start3A_85 = arith.constant 0 : i32
        %dma_start3A_86 = tpu.memref_slice %arg4[%mul3A_0, %dma_start3A_85] : memref<12288x128xf32, #tpu.memory_space<hbm>> -> memref<768x128xf32, #tpu.memory_space<hbm>>
        tpu.enqueue_dma source(%dma_start3A_86 : memref<768x128xf32, #tpu.memory_space<hbm>>) target(%dma_start3A_84 : memref<768x128xf32, #tpu.memory_space<vmem_shared>>) target_semaphore(%run_scoped3A_82 : memref<!tpu.dma_semaphore, #tpu.memory_space<semaphore_mem>>)
        %dma_wait3A = arith.constant 0 : i32
        %dma_wait3A_87 = tpu.memref_slice %arg6[%mul3A_0, %dma_wait3A] : memref<12288x128xf32, #tpu.memory_space<vmem_shared>> -> memref<768x128xf32, #tpu.memory_space<vmem_shared>>
        %dma_wait3A_88 = arith.constant 0 : i32
        %dma_wait3A_89 = tpu.memref_slice %arg4[%mul3A_0, %dma_wait3A_88] : memref<12288x128xf32, #tpu.memory_space<hbm>> -> memref<768x128xf32, #tpu.memory_space<hbm>>
        tpu.wait_dma2 semaphore(%run_scoped3A_82 : memref<!tpu.dma_semaphore, #tpu.memory_space<semaphore_mem>>) src(%dma_wait3A_89 : memref<768x128xf32, #tpu.memory_space<hbm>>) dst(%dma_wait3A_87 : memref<768x128xf32, #tpu.memory_space<vmem_shared>>)
        tpu.yield
      }) : () -> ()
    } else {
    }
    %barrier3A = arith.constant 0 : index
    tpu.barrier barrier_id(%barrier3A)
    %mul3A_11 = arith.constant 180 : i32
    %mul3A_12 = arith.muli %arg1, %mul3A_11 : i32
    %eq3A_13 = arith.constant 0 : i32
    %eq3A_14 = arith.cmpi eq, %arg0, %eq3A_13 : i32
    %jit3A_15 = arith.constant 0 : i32
    %jit3A_16 = arith.constant 132 : i32
    %select_n3A_17 = arith.select %eq3A_14, %jit3A_15, %jit3A_16 : i32
    %add3A = arith.addi %mul3A_12, %select_n3A_17 : i32
    %run_scoped3A = arith.constant 0 : i32
    "tpu.region"() ({
      %run_scoped3A_82 = tpu.sem_alloc : memref<!tpu.dma_semaphore, #tpu.memory_space<semaphore_mem>>
      %dma_start3A_83 = arith.constant 0 : i32
      %dma_start3A_84 = arith.constant 0 : i32
      %dma_start3A_85 = tpu.memref_slice %arg8[%run_scoped3A, %dma_start3A_83, %dma_start3A_84] : memref<2x2x112xi32, #tpu.memory_space<vmem>> -> memref<1x2x112xi32, #tpu.memory_space<vmem>>
      %dma_start3A_86 = tpu.memref_squeeze %dma_start3A_85 : memref<1x2x112xi32, #tpu.memory_space<vmem>> -> memref<2x112xi32, #tpu.memory_space<vmem>>
      %dma_start3A_87 = arith.constant 0 : i32
      %dma_start3A_88 = arith.constant 0 : i32
      %dma_start3A_89 = tpu.memref_slice %arg3[%add3A, %dma_start3A_87, %dma_start3A_88] : memref<2880x2x112xi32, #tpu.memory_space<hbm>> -> memref<1x2x112xi32, #tpu.memory_space<hbm>>
      %dma_start3A_90 = tpu.memref_squeeze %dma_start3A_89 : memref<1x2x112xi32, #tpu.memory_space<hbm>> -> memref<2x112xi32, #tpu.memory_space<hbm>>
      %dma_start3A_91 = arith.constant 0 : i32
      %dma_start3A_92 = arith.constant 0 : i32
      %dma_start3A_93 = tpu.memref_slice %arg8[%run_scoped3A, %dma_start3A_91, %dma_start3A_92] : memref<2x2x112xi32, #tpu.memory_space<vmem>> -> memref<1x2x112xi32, #tpu.memory_space<vmem>>
      %dma_start3A_94 = tpu.memref_squeeze %dma_start3A_93 : memref<1x2x112xi32, #tpu.memory_space<vmem>> -> memref<2x112xi32, #tpu.memory_space<vmem>>
      %dma_start3A_95 = arith.constant 0 : i32
      %dma_start3A_96 = arith.constant 0 : i32
      %dma_start3A_97 = tpu.memref_slice %arg3[%add3A, %dma_start3A_95, %dma_start3A_96] : memref<2880x2x112xi32, #tpu.memory_space<hbm>> -> memref<1x2x112xi32, #tpu.memory_space<hbm>>
      %dma_start3A_98 = tpu.memref_squeeze %dma_start3A_97 : memref<1x2x112xi32, #tpu.memory_space<hbm>> -> memref<2x112xi32, #tpu.memory_space<hbm>>
      tpu.enqueue_dma source(%dma_start3A_98 : memref<2x112xi32, #tpu.memory_space<hbm>>) target(%dma_start3A_94 : memref<2x112xi32, #tpu.memory_space<vmem>>) target_semaphore(%run_scoped3A_82 : memref<!tpu.dma_semaphore, #tpu.memory_space<semaphore_mem>>)
      %dma_wait3A = arith.constant 0 : i32
      %dma_wait3A_99 = arith.constant 0 : i32
      %dma_wait3A_100 = tpu.memref_slice %arg8[%run_scoped3A, %dma_wait3A, %dma_wait3A_99] : memref<2x2x112xi32, #tpu.memory_space<vmem>> -> memref<1x2x112xi32, #tpu.memory_space<vmem>>
      %dma_wait3A_101 = tpu.memref_squeeze %dma_wait3A_100 : memref<1x2x112xi32, #tpu.memory_space<vmem>> -> memref<2x112xi32, #tpu.memory_space<vmem>>
      %dma_wait3A_102 = arith.constant 0 : i32
      %dma_wait3A_103 = arith.constant 0 : i32
      %dma_wait3A_104 = tpu.memref_slice %arg3[%add3A, %dma_wait3A_102, %dma_wait3A_103] : memref<2880x2x112xi32, #tpu.memory_space<hbm>> -> memref<1x2x112xi32, #tpu.memory_space<hbm>>
      %dma_wait3A_105 = tpu.memref_squeeze %dma_wait3A_104 : memref<1x2x112xi32, #tpu.memory_space<hbm>> -> memref<2x112xi32, #tpu.memory_space<hbm>>
      %dma_wait3A_106 = arith.constant 0 : i32
      %dma_wait3A_107 = arith.constant 0 : i32
      %dma_wait3A_108 = tpu.memref_slice %arg8[%run_scoped3A, %dma_wait3A_106, %dma_wait3A_107] : memref<2x2x112xi32, #tpu.memory_space<vmem>> -> memref<1x2x112xi32, #tpu.memory_space<vmem>>
      %dma_wait3A_109 = tpu.memref_squeeze %dma_wait3A_108 : memref<1x2x112xi32, #tpu.memory_space<vmem>> -> memref<2x112xi32, #tpu.memory_space<vmem>>
      %dma_wait3A_110 = arith.constant 0 : i32
      %dma_wait3A_111 = arith.constant 0 : i32
      %dma_wait3A_112 = tpu.memref_slice %arg3[%add3A, %dma_wait3A_110, %dma_wait3A_111] : memref<2880x2x112xi32, #tpu.memory_space<hbm>> -> memref<1x2x112xi32, #tpu.memory_space<hbm>>
      %dma_wait3A_113 = tpu.memref_squeeze %dma_wait3A_112 : memref<1x2x112xi32, #tpu.memory_space<hbm>> -> memref<2x112xi32, #tpu.memory_space<hbm>>
      tpu.wait_dma2 semaphore(%run_scoped3A_82 : memref<!tpu.dma_semaphore, #tpu.memory_space<semaphore_mem>>) src(%dma_wait3A_113 : memref<2x112xi32, #tpu.memory_space<hbm>>) dst(%dma_wait3A_109 : memref<2x112xi32, #tpu.memory_space<vmem>>)
      tpu.yield
    }) : () -> ()
    %dma_start3A = arith.constant 0 : i32
    %dma_start3A_18 = arith.constant 0 : i32
    %dma_start3A_19 = arith.constant 0 : i32
    %dma_start3A_20 = arith.constant 0 : i32
    %dma_start3A_21 = arith.constant 0 : i32
    %dma_start3A_22 = arith.constant 0 : i32
    %dma_start3A_23 = tpu.memref_slice %arg7[%dma_start3A_19, %dma_start3A_21, %dma_start3A_22] : memref<2x112x128xf32, #tpu.memory_space<vmem>> -> memref<1x112x128xf32, #tpu.memory_space<vmem>>
    %dma_start3A_24 = tpu.memref_squeeze %dma_start3A_23 : memref<1x112x128xf32, #tpu.memory_space<vmem>> -> memref<112x128xf32, #tpu.memory_space<vmem>>
    %dma_start3A_25 = arith.constant 0 : i32
    %dma_start3A_26 = tpu.memref_slice %arg8[%dma_start3A, %dma_start3A_18, %dma_start3A_25] : memref<2x2x112xi32, #tpu.memory_space<vmem>> -> memref<1x1x112xi32, #tpu.memory_space<vmem>>
    %dma_start3A_27 = tpu.memref_squeeze %dma_start3A_26 : memref<1x1x112xi32, #tpu.memory_space<vmem>> -> memref<112xi32, #tpu.memory_space<vmem>>
    %dma_start3A_28 = arith.constant 0 : i32
    %dma_start3A_29 = arith.constant 0 : i32
    %dma_start3A_30 = tpu.memref_slice %arg2[%dma_start3A_28, %dma_start3A_29] : memref<12288x128xf32, #tpu.memory_space<hbm>> -> memref<12288x128xf32, #tpu.memory_space<hbm>>
    %dma_start3A_31 = tpu.memref_slice %arg9[%dma_start3A_20] : memref<2x!tpu.dma_semaphore, #tpu.memory_space<semaphore_mem>> -> memref<1x!tpu.dma_semaphore, #tpu.memory_space<semaphore_mem>>
    %dma_start3A_32 = tpu.memref_squeeze %dma_start3A_31 : memref<1x!tpu.dma_semaphore, #tpu.memory_space<semaphore_mem>> -> memref<!tpu.dma_semaphore, #tpu.memory_space<semaphore_mem>>
    tpu.enqueue_indirect_dma source(%dma_start3A_30 : memref<12288x128xf32, #tpu.memory_space<hbm>>) target(%dma_start3A_24 : memref<112x128xf32, #tpu.memory_space<vmem>>) offsets(%dma_start3A_27 : memref<112xi32, #tpu.memory_space<vmem>>) semaphore(%dma_start3A_32 : memref<!tpu.dma_semaphore, #tpu.memory_space<semaphore_mem>>)
    %add3A_33 = arith.constant 1 : i32
    %add3A_34 = arith.addi %add3A, %add3A_33 : i32
    %dma_start3A_35 = arith.constant 1 : i32
    %dma_start3A_36 = arith.constant 0 : i32
    %dma_start3A_37 = arith.constant 0 : i32
    %dma_start3A_38 = tpu.memref_slice %arg8[%dma_start3A_35, %dma_start3A_36, %dma_start3A_37] : memref<2x2x112xi32, #tpu.memory_space<vmem>> -> memref<1x2x112xi32, #tpu.memory_space<vmem>>
    %dma_start3A_39 = tpu.memref_squeeze %dma_start3A_38 : memref<1x2x112xi32, #tpu.memory_space<vmem>> -> memref<2x112xi32, #tpu.memory_space<vmem>>
    %dma_start3A_40 = arith.constant 0 : i32
    %dma_start3A_41 = arith.constant 0 : i32
    %dma_start3A_42 = tpu.memref_slice %arg3[%add3A_34, %dma_start3A_40, %dma_start3A_41] : memref<2880x2x112xi32, #tpu.memory_space<hbm>> -> memref<1x2x112xi32, #tpu.memory_space<hbm>>
    %dma_start3A_43 = tpu.memref_squeeze %dma_start3A_42 : memref<1x2x112xi32, #tpu.memory_space<hbm>> -> memref<2x112xi32, #tpu.memory_space<hbm>>
    %dma_start3A_44 = arith.constant 0 : i32
    %dma_start3A_45 = arith.constant 0 : i32
    %dma_start3A_46 = tpu.memref_slice %arg8[%dma_start3A_35, %dma_start3A_44, %dma_start3A_45] : memref<2x2x112xi32, #tpu.memory_space<vmem>> -> memref<1x2x112xi32, #tpu.memory_space<vmem>>
    %dma_start3A_47 = tpu.memref_squeeze %dma_start3A_46 : memref<1x2x112xi32, #tpu.memory_space<vmem>> -> memref<2x112xi32, #tpu.memory_space<vmem>>
    %dma_start3A_48 = arith.constant 0 : i32
    %dma_start3A_49 = arith.constant 0 : i32
    %dma_start3A_50 = tpu.memref_slice %arg3[%add3A_34, %dma_start3A_48, %dma_start3A_49] : memref<2880x2x112xi32, #tpu.memory_space<hbm>> -> memref<1x2x112xi32, #tpu.memory_space<hbm>>
    %dma_start3A_51 = tpu.memref_squeeze %dma_start3A_50 : memref<1x2x112xi32, #tpu.memory_space<hbm>> -> memref<2x112xi32, #tpu.memory_space<hbm>>
    tpu.enqueue_dma source(%dma_start3A_51 : memref<2x112xi32, #tpu.memory_space<hbm>>) target(%dma_start3A_47 : memref<2x112xi32, #tpu.memory_space<vmem>>) target_semaphore(%arg10 : memref<!tpu.dma_semaphore, #tpu.memory_space<semaphore_mem>>)
    %jit3A_52 = arith.constant 2 : i32
    %div3A = arith.divsi %select_n3A, %jit3A_52 : i32
    %sign3A = arith.constant 0 : i32
    %sign3A_53 = arith.cmpi sgt, %select_n3A, %sign3A : i32
    %sign3A_54 = arith.extui %sign3A_53 : i1 to i32
    %sign3A_55 = arith.constant 0 : i32
    %sign3A_56 = arith.cmpi slt, %select_n3A, %sign3A_55 : i32
    %sign3A_57 = arith.extui %sign3A_56 : i1 to i32
    %sign3A_58 = arith.subi %sign3A_54, %sign3A_57 : i32
    %sign3A_59 = arith.constant 0 : i32
    %sign3A_60 = arith.cmpi sgt, %jit3A_52, %sign3A_59 : i32
    %sign3A_61 = arith.extui %sign3A_60 : i1 to i32
    %sign3A_62 = arith.constant 0 : i32
    %sign3A_63 = arith.cmpi slt, %jit3A_52, %sign3A_62 : i32
    %sign3A_64 = arith.extui %sign3A_63 : i1 to i32
    %sign3A_65 = arith.subi %sign3A_61, %sign3A_64 : i32
    %ne3A = arith.cmpi ne, %sign3A_58, %sign3A_65 : i32
    %rem3A = arith.remsi %select_n3A, %jit3A_52 : i32
    %ne3A_66 = arith.constant 0 : i32
    %ne3A_67 = arith.cmpi ne, %rem3A, %ne3A_66 : i32
    %and3A = arith.andi %ne3A, %ne3A_67 : i1
    %sub3A = arith.constant 1 : i32
    %sub3A_68 = arith.subi %div3A, %sub3A : i32
    %select_n3A_69 = arith.select %and3A, %sub3A_68, %div3A : i32
    %while3A = arith.constant 0 : i32
    %while3A_70 = arith.subi %select_n3A_69, %while3A : i32
    %while3A_71 = arith.addi %while3A, %while3A_70 : i32
    %while3A_72 = arith.constant 1 : i32
    %while3A_73 = arith.divsi %while3A_70, %while3A_72 : i32
    %while3A_74 = arith.muli %while3A_73, %while3A_72 : i32
    %while3A_75 = arith.addi %while3A, %while3A_74 : i32
    %while3A_76 = arith.constant 1 : i32
    scf.for %while3A_82 = %while3A to %while3A_75 step %while3A_76  : i32 {
      %mul3A_83 = arith.constant 2 : i32
      %mul3A_84 = arith.muli %while3A_82, %mul3A_83 : i32
      %add3A_85 = arith.constant 0 : i32
      %add3A_86 = arith.addi %mul3A_84, %add3A_85 : i32
      %add3A_87 = arith.constant 1 : i32
      %add3A_88 = arith.addi %add3A_86, %add3A_87 : i32
      %lt3A = arith.cmpi slt, %add3A_88, %select_n3A : i32
      %convert_element_type3A_89 = arith.extui %lt3A : i1 to i32
      %cond3A_90 = arith.constant 0 : i32
      %cond3A_91 = arith.cmpi ne, %convert_element_type3A_89, %cond3A_90 : i32
      scf.if %cond3A_91 {
        %dma_wait3A_151 = arith.constant 1 : i32
        %dma_wait3A_152 = arith.constant 0 : i32
        %dma_wait3A_153 = arith.constant 0 : i32
        %dma_wait3A_154 = tpu.memref_slice %arg8[%dma_wait3A_151, %dma_wait3A_152, %dma_wait3A_153] : memref<2x2x112xi32, #tpu.memory_space<vmem>> -> memref<1x2x112xi32, #tpu.memory_space<vmem>>
        %dma_wait3A_155 = tpu.memref_squeeze %dma_wait3A_154 : memref<1x2x112xi32, #tpu.memory_space<vmem>> -> memref<2x112xi32, #tpu.memory_space<vmem>>
        %dma_wait3A_156 = arith.constant 0 : i32
        %dma_wait3A_157 = arith.constant 0 : i32
        %dma_wait3A_158 = tpu.memref_slice %arg3[%add3A, %dma_wait3A_156, %dma_wait3A_157] : memref<2880x2x112xi32, #tpu.memory_space<hbm>> -> memref<1x2x112xi32, #tpu.memory_space<hbm>>
        %dma_wait3A_159 = tpu.memref_squeeze %dma_wait3A_158 : memref<1x2x112xi32, #tpu.memory_space<hbm>> -> memref<2x112xi32, #tpu.memory_space<hbm>>
        %dma_wait3A_160 = arith.constant 0 : i32
        %dma_wait3A_161 = arith.constant 0 : i32
        %dma_wait3A_162 = tpu.memref_slice %arg8[%dma_wait3A_151, %dma_wait3A_160, %dma_wait3A_161] : memref<2x2x112xi32, #tpu.memory_space<vmem>> -> memref<1x2x112xi32, #tpu.memory_space<vmem>>
        %dma_wait3A_163 = tpu.memref_squeeze %dma_wait3A_162 : memref<1x2x112xi32, #tpu.memory_space<vmem>> -> memref<2x112xi32, #tpu.memory_space<vmem>>
        %dma_wait3A_164 = arith.constant 0 : i32
        %dma_wait3A_165 = arith.constant 0 : i32
        %dma_wait3A_166 = tpu.memref_slice %arg3[%add3A, %dma_wait3A_164, %dma_wait3A_165] : memref<2880x2x112xi32, #tpu.memory_space<hbm>> -> memref<1x2x112xi32, #tpu.memory_space<hbm>>
        %dma_wait3A_167 = tpu.memref_squeeze %dma_wait3A_166 : memref<1x2x112xi32, #tpu.memory_space<hbm>> -> memref<2x112xi32, #tpu.memory_space<hbm>>
        tpu.wait_dma2 semaphore(%arg10 : memref<!tpu.dma_semaphore, #tpu.memory_space<semaphore_mem>>) src(%dma_wait3A_167 : memref<2x112xi32, #tpu.memory_space<hbm>>) dst(%dma_wait3A_163 : memref<2x112xi32, #tpu.memory_space<vmem>>)
        %dma_start3A_168 = arith.constant 1 : i32
        %dma_start3A_169 = arith.constant 0 : i32
        %dma_start3A_170 = arith.constant 1 : i32
        %dma_start3A_171 = arith.constant 1 : i32
        %dma_start3A_172 = arith.constant 0 : i32
        %dma_start3A_173 = arith.constant 0 : i32
        %dma_start3A_174 = tpu.memref_slice %arg7[%dma_start3A_170, %dma_start3A_172, %dma_start3A_173] : memref<2x112x128xf32, #tpu.memory_space<vmem>> -> memref<1x112x128xf32, #tpu.memory_space<vmem>>
        %dma_start3A_175 = tpu.memref_squeeze %dma_start3A_174 : memref<1x112x128xf32, #tpu.memory_space<vmem>> -> memref<112x128xf32, #tpu.memory_space<vmem>>
        %dma_start3A_176 = arith.constant 0 : i32
        %dma_start3A_177 = tpu.memref_slice %arg8[%dma_start3A_168, %dma_start3A_169, %dma_start3A_176] : memref<2x2x112xi32, #tpu.memory_space<vmem>> -> memref<1x1x112xi32, #tpu.memory_space<vmem>>
        %dma_start3A_178 = tpu.memref_squeeze %dma_start3A_177 : memref<1x1x112xi32, #tpu.memory_space<vmem>> -> memref<112xi32, #tpu.memory_space<vmem>>
        %dma_start3A_179 = arith.constant 0 : i32
        %dma_start3A_180 = arith.constant 0 : i32
        %dma_start3A_181 = tpu.memref_slice %arg2[%dma_start3A_179, %dma_start3A_180] : memref<12288x128xf32, #tpu.memory_space<hbm>> -> memref<12288x128xf32, #tpu.memory_space<hbm>>
        %dma_start3A_182 = tpu.memref_slice %arg9[%dma_start3A_171] : memref<2x!tpu.dma_semaphore, #tpu.memory_space<semaphore_mem>> -> memref<1x!tpu.dma_semaphore, #tpu.memory_space<semaphore_mem>>
        %dma_start3A_183 = tpu.memref_squeeze %dma_start3A_182 : memref<1x!tpu.dma_semaphore, #tpu.memory_space<semaphore_mem>> -> memref<!tpu.dma_semaphore, #tpu.memory_space<semaphore_mem>>
        tpu.enqueue_indirect_dma source(%dma_start3A_181 : memref<12288x128xf32, #tpu.memory_space<hbm>>) target(%dma_start3A_175 : memref<112x128xf32, #tpu.memory_space<vmem>>) offsets(%dma_start3A_178 : memref<112xi32, #tpu.memory_space<vmem>>) semaphore(%dma_start3A_183 : memref<!tpu.dma_semaphore, #tpu.memory_space<semaphore_mem>>)
      } else {
      }
      %dma_wait3A = arith.constant 0 : i32
      %dma_wait3A_92 = arith.constant 0 : i32
      %dma_wait3A_93 = arith.constant 0 : i32
      %dma_wait3A_94 = arith.constant 0 : i32
      %dma_wait3A_95 = arith.constant 0 : i32
      %dma_wait3A_96 = arith.constant 0 : i32
      %dma_wait3A_97 = tpu.memref_slice %arg7[%dma_wait3A_93, %dma_wait3A_95, %dma_wait3A_96] : memref<2x112x128xf32, #tpu.memory_space<vmem>> -> memref<1x112x128xf32, #tpu.memory_space<vmem>>
      %dma_wait3A_98 = tpu.memref_squeeze %dma_wait3A_97 : memref<1x112x128xf32, #tpu.memory_space<vmem>> -> memref<112x128xf32, #tpu.memory_space<vmem>>
      %dma_wait3A_99 = arith.constant 0 : i32
      %dma_wait3A_100 = tpu.memref_slice %arg8[%dma_wait3A, %dma_wait3A_92, %dma_wait3A_99] : memref<2x2x112xi32, #tpu.memory_space<vmem>> -> memref<1x1x112xi32, #tpu.memory_space<vmem>>
      %dma_wait3A_101 = tpu.memref_squeeze %dma_wait3A_100 : memref<1x1x112xi32, #tpu.memory_space<vmem>> -> memref<112xi32, #tpu.memory_space<vmem>>
      %dma_wait3A_102 = arith.constant 0 : i32
      %dma_wait3A_103 = arith.constant 0 : i32
      %dma_wait3A_104 = tpu.memref_slice %arg2[%dma_wait3A_102, %dma_wait3A_103] : memref<12288x128xf32, #tpu.memory_space<hbm>> -> memref<12288x128xf32, #tpu.memory_space<hbm>>
      %dma_wait3A_105 = tpu.memref_slice %arg9[%dma_wait3A_94] : memref<2x!tpu.dma_semaphore, #tpu.memory_space<semaphore_mem>> -> memref<1x!tpu.dma_semaphore, #tpu.memory_space<semaphore_mem>>
      %dma_wait3A_106 = tpu.memref_squeeze %dma_wait3A_105 : memref<1x!tpu.dma_semaphore, #tpu.memory_space<semaphore_mem>> -> memref<!tpu.dma_semaphore, #tpu.memory_space<semaphore_mem>>
      tpu.wait_indirect_dma semaphore(%dma_wait3A_106 : memref<!tpu.dma_semaphore, #tpu.memory_space<semaphore_mem>>) src(%dma_wait3A_104 : memref<12288x128xf32, #tpu.memory_space<hbm>>) dst(%dma_wait3A_98 : memref<112x128xf32, #tpu.memory_space<vmem>>)
      %run_scoped3A_107 = arith.constant 0 : i32
      %run_scoped3A_108 = arith.constant 0 : i32
      %run_scoped3A_109 = arith.constant 1 : i32
      "tpu.region"() ({
        %run_scoped3A_151 = tpu.sem_alloc : memref<!tpu.dma_semaphore, #tpu.memory_space<semaphore_mem>>
        %dma_start3A_152 = arith.constant 0 : i32
        %dma_start3A_153 = arith.constant 0 : i32
        %dma_start3A_154 = tpu.memref_slice %arg7[%run_scoped3A_107, %dma_start3A_152, %dma_start3A_153] : memref<2x112x128xf32, #tpu.memory_space<vmem>> -> memref<1x112x128xf32, #tpu.memory_space<vmem>>
        %dma_start3A_155 = tpu.memref_squeeze %dma_start3A_154 : memref<1x112x128xf32, #tpu.memory_space<vmem>> -> memref<112x128xf32, #tpu.memory_space<vmem>>
        %dma_start3A_156 = arith.constant 0 : i32
        %dma_start3A_157 = tpu.memref_slice %arg8[%run_scoped3A_108, %run_scoped3A_109, %dma_start3A_156] : memref<2x2x112xi32, #tpu.memory_space<vmem>> -> memref<1x1x112xi32, #tpu.memory_space<vmem>>
        %dma_start3A_158 = tpu.memref_squeeze %dma_start3A_157 : memref<1x1x112xi32, #tpu.memory_space<vmem>> -> memref<112xi32, #tpu.memory_space<vmem>>
        %dma_start3A_159 = arith.constant 0 : i32
        %dma_start3A_160 = arith.constant 0 : i32
        %dma_start3A_161 = tpu.memref_slice %arg6[%dma_start3A_159, %dma_start3A_160] : memref<12288x128xf32, #tpu.memory_space<vmem_shared>> -> memref<12288x128xf32, #tpu.memory_space<vmem_shared>>
        tpu.enqueue_indirect_dma source(%dma_start3A_155 : memref<112x128xf32, #tpu.memory_space<vmem>>) target(%dma_start3A_161 : memref<12288x128xf32, #tpu.memory_space<vmem_shared>>) offsets(%dma_start3A_158 : memref<112xi32, #tpu.memory_space<vmem>>) semaphore(%run_scoped3A_151 : memref<!tpu.dma_semaphore, #tpu.memory_space<semaphore_mem>>) {add = true}
        %dma_wait3A_162 = arith.constant 0 : i32
        %dma_wait3A_163 = arith.constant 0 : i32
        %dma_wait3A_164 = tpu.memref_slice %arg7[%run_scoped3A_107, %dma_wait3A_162, %dma_wait3A_163] : memref<2x112x128xf32, #tpu.memory_space<vmem>> -> memref<1x112x128xf32, #tpu.memory_space<vmem>>
        %dma_wait3A_165 = tpu.memref_squeeze %dma_wait3A_164 : memref<1x112x128xf32, #tpu.memory_space<vmem>> -> memref<112x128xf32, #tpu.memory_space<vmem>>
        %dma_wait3A_166 = arith.constant 0 : i32
        %dma_wait3A_167 = tpu.memref_slice %arg8[%run_scoped3A_108, %run_scoped3A_109, %dma_wait3A_166] : memref<2x2x112xi32, #tpu.memory_space<vmem>> -> memref<1x1x112xi32, #tpu.memory_space<vmem>>
        %dma_wait3A_168 = tpu.memref_squeeze %dma_wait3A_167 : memref<1x1x112xi32, #tpu.memory_space<vmem>> -> memref<112xi32, #tpu.memory_space<vmem>>
        %dma_wait3A_169 = arith.constant 0 : i32
        %dma_wait3A_170 = arith.constant 0 : i32
        %dma_wait3A_171 = tpu.memref_slice %arg6[%dma_wait3A_169, %dma_wait3A_170] : memref<12288x128xf32, #tpu.memory_space<vmem_shared>> -> memref<12288x128xf32, #tpu.memory_space<vmem_shared>>
        tpu.wait_indirect_dma semaphore(%run_scoped3A_151 : memref<!tpu.dma_semaphore, #tpu.memory_space<semaphore_mem>>) src(%dma_wait3A_165 : memref<112x128xf32, #tpu.memory_space<vmem>>) dst(%dma_wait3A_171 : memref<12288x128xf32, #tpu.memory_space<vmem_shared>>)
        tpu.yield
      }) : () -> ()
      %add3A_110 = arith.constant 2 : i32
      %add3A_111 = arith.addi %add3A_86, %add3A_110 : i32
      %lt3A_112 = arith.cmpi slt, %add3A_111, %select_n3A : i32
      %convert_element_type3A_113 = arith.extui %lt3A_112 : i1 to i32
      %cond3A_114 = arith.constant 0 : i32
      %cond3A_115 = arith.cmpi ne, %convert_element_type3A_113, %cond3A_114 : i32
      scf.if %cond3A_115 {
        %add3A_151 = arith.addi %add3A, %add3A_86 : i32
        %add3A_152 = arith.constant 2 : i32
        %add3A_153 = arith.addi %add3A_151, %add3A_152 : i32
        %dma_start3A_154 = arith.constant 0 : i32
        %dma_start3A_155 = arith.constant 0 : i32
        %dma_start3A_156 = arith.constant 0 : i32
        %dma_start3A_157 = tpu.memref_slice %arg8[%dma_start3A_154, %dma_start3A_155, %dma_start3A_156] : memref<2x2x112xi32, #tpu.memory_space<vmem>> -> memref<1x2x112xi32, #tpu.memory_space<vmem>>
        %dma_start3A_158 = tpu.memref_squeeze %dma_start3A_157 : memref<1x2x112xi32, #tpu.memory_space<vmem>> -> memref<2x112xi32, #tpu.memory_space<vmem>>
        %dma_start3A_159 = arith.constant 0 : i32
        %dma_start3A_160 = arith.constant 0 : i32
        %dma_start3A_161 = tpu.memref_slice %arg3[%add3A_153, %dma_start3A_159, %dma_start3A_160] : memref<2880x2x112xi32, #tpu.memory_space<hbm>> -> memref<1x2x112xi32, #tpu.memory_space<hbm>>
        %dma_start3A_162 = tpu.memref_squeeze %dma_start3A_161 : memref<1x2x112xi32, #tpu.memory_space<hbm>> -> memref<2x112xi32, #tpu.memory_space<hbm>>
        %dma_start3A_163 = arith.constant 0 : i32
        %dma_start3A_164 = arith.constant 0 : i32
        %dma_start3A_165 = tpu.memref_slice %arg8[%dma_start3A_154, %dma_start3A_163, %dma_start3A_164] : memref<2x2x112xi32, #tpu.memory_space<vmem>> -> memref<1x2x112xi32, #tpu.memory_space<vmem>>
        %dma_start3A_166 = tpu.memref_squeeze %dma_start3A_165 : memref<1x2x112xi32, #tpu.memory_space<vmem>> -> memref<2x112xi32, #tpu.memory_space<vmem>>
        %dma_start3A_167 = arith.constant 0 : i32
        %dma_start3A_168 = arith.constant 0 : i32
        %dma_start3A_169 = tpu.memref_slice %arg3[%add3A_153, %dma_start3A_167, %dma_start3A_168] : memref<2880x2x112xi32, #tpu.memory_space<hbm>> -> memref<1x2x112xi32, #tpu.memory_space<hbm>>
        %dma_start3A_170 = tpu.memref_squeeze %dma_start3A_169 : memref<1x2x112xi32, #tpu.memory_space<hbm>> -> memref<2x112xi32, #tpu.memory_space<hbm>>
        tpu.enqueue_dma source(%dma_start3A_170 : memref<2x112xi32, #tpu.memory_space<hbm>>) target(%dma_start3A_166 : memref<2x112xi32, #tpu.memory_space<vmem>>) target_semaphore(%arg10 : memref<!tpu.dma_semaphore, #tpu.memory_space<semaphore_mem>>)
      } else {
      }
      %mul3A_116 = arith.constant 2 : i32
      %mul3A_117 = arith.muli %while3A_82, %mul3A_116 : i32
      %add3A_118 = arith.constant 1 : i32
      %add3A_119 = arith.addi %mul3A_117, %add3A_118 : i32
      %add3A_120 = arith.constant 1 : i32
      %add3A_121 = arith.addi %add3A_119, %add3A_120 : i32
      %lt3A_122 = arith.cmpi slt, %add3A_121, %select_n3A : i32
      %convert_element_type3A_123 = arith.extui %lt3A_122 : i1 to i32
      %cond3A_124 = arith.constant 0 : i32
      %cond3A_125 = arith.cmpi ne, %convert_element_type3A_123, %cond3A_124 : i32
      scf.if %cond3A_125 {
        %dma_wait3A_151 = arith.constant 0 : i32
        %dma_wait3A_152 = arith.constant 0 : i32
        %dma_wait3A_153 = arith.constant 0 : i32
        %dma_wait3A_154 = tpu.memref_slice %arg8[%dma_wait3A_151, %dma_wait3A_152, %dma_wait3A_153] : memref<2x2x112xi32, #tpu.memory_space<vmem>> -> memref<1x2x112xi32, #tpu.memory_space<vmem>>
        %dma_wait3A_155 = tpu.memref_squeeze %dma_wait3A_154 : memref<1x2x112xi32, #tpu.memory_space<vmem>> -> memref<2x112xi32, #tpu.memory_space<vmem>>
        %dma_wait3A_156 = arith.constant 0 : i32
        %dma_wait3A_157 = arith.constant 0 : i32
        %dma_wait3A_158 = tpu.memref_slice %arg3[%add3A, %dma_wait3A_156, %dma_wait3A_157] : memref<2880x2x112xi32, #tpu.memory_space<hbm>> -> memref<1x2x112xi32, #tpu.memory_space<hbm>>
        %dma_wait3A_159 = tpu.memref_squeeze %dma_wait3A_158 : memref<1x2x112xi32, #tpu.memory_space<hbm>> -> memref<2x112xi32, #tpu.memory_space<hbm>>
        %dma_wait3A_160 = arith.constant 0 : i32
        %dma_wait3A_161 = arith.constant 0 : i32
        %dma_wait3A_162 = tpu.memref_slice %arg8[%dma_wait3A_151, %dma_wait3A_160, %dma_wait3A_161] : memref<2x2x112xi32, #tpu.memory_space<vmem>> -> memref<1x2x112xi32, #tpu.memory_space<vmem>>
        %dma_wait3A_163 = tpu.memref_squeeze %dma_wait3A_162 : memref<1x2x112xi32, #tpu.memory_space<vmem>> -> memref<2x112xi32, #tpu.memory_space<vmem>>
        %dma_wait3A_164 = arith.constant 0 : i32
        %dma_wait3A_165 = arith.constant 0 : i32
        %dma_wait3A_166 = tpu.memref_slice %arg3[%add3A, %dma_wait3A_164, %dma_wait3A_165] : memref<2880x2x112xi32, #tpu.memory_space<hbm>> -> memref<1x2x112xi32, #tpu.memory_space<hbm>>
        %dma_wait3A_167 = tpu.memref_squeeze %dma_wait3A_166 : memref<1x2x112xi32, #tpu.memory_space<hbm>> -> memref<2x112xi32, #tpu.memory_space<hbm>>
        tpu.wait_dma2 semaphore(%arg10 : memref<!tpu.dma_semaphore, #tpu.memory_space<semaphore_mem>>) src(%dma_wait3A_167 : memref<2x112xi32, #tpu.memory_space<hbm>>) dst(%dma_wait3A_163 : memref<2x112xi32, #tpu.memory_space<vmem>>)
        %dma_start3A_168 = arith.constant 0 : i32
        %dma_start3A_169 = arith.constant 0 : i32
        %dma_start3A_170 = arith.constant 0 : i32
        %dma_start3A_171 = arith.constant 0 : i32
        %dma_start3A_172 = arith.constant 0 : i32
        %dma_start3A_173 = arith.constant 0 : i32
        %dma_start3A_174 = tpu.memref_slice %arg7[%dma_start3A_170, %dma_start3A_172, %dma_start3A_173] : memref<2x112x128xf32, #tpu.memory_space<vmem>> -> memref<1x112x128xf32, #tpu.memory_space<vmem>>
        %dma_start3A_175 = tpu.memref_squeeze %dma_start3A_174 : memref<1x112x128xf32, #tpu.memory_space<vmem>> -> memref<112x128xf32, #tpu.memory_space<vmem>>
        %dma_start3A_176 = arith.constant 0 : i32
        %dma_start3A_177 = tpu.memref_slice %arg8[%dma_start3A_168, %dma_start3A_169, %dma_start3A_176] : memref<2x2x112xi32, #tpu.memory_space<vmem>> -> memref<1x1x112xi32, #tpu.memory_space<vmem>>
        %dma_start3A_178 = tpu.memref_squeeze %dma_start3A_177 : memref<1x1x112xi32, #tpu.memory_space<vmem>> -> memref<112xi32, #tpu.memory_space<vmem>>
        %dma_start3A_179 = arith.constant 0 : i32
        %dma_start3A_180 = arith.constant 0 : i32
        %dma_start3A_181 = tpu.memref_slice %arg2[%dma_start3A_179, %dma_start3A_180] : memref<12288x128xf32, #tpu.memory_space<hbm>> -> memref<12288x128xf32, #tpu.memory_space<hbm>>
        %dma_start3A_182 = tpu.memref_slice %arg9[%dma_start3A_171] : memref<2x!tpu.dma_semaphore, #tpu.memory_space<semaphore_mem>> -> memref<1x!tpu.dma_semaphore, #tpu.memory_space<semaphore_mem>>
        %dma_start3A_183 = tpu.memref_squeeze %dma_start3A_182 : memref<1x!tpu.dma_semaphore, #tpu.memory_space<semaphore_mem>> -> memref<!tpu.dma_semaphore, #tpu.memory_space<semaphore_mem>>
        tpu.enqueue_indirect_dma source(%dma_start3A_181 : memref<12288x128xf32, #tpu.memory_space<hbm>>) target(%dma_start3A_175 : memref<112x128xf32, #tpu.memory_space<vmem>>) offsets(%dma_start3A_178 : memref<112xi32, #tpu.memory_space<vmem>>) semaphore(%dma_start3A_183 : memref<!tpu.dma_semaphore, #tpu.memory_space<semaphore_mem>>)
      } else {
      }
      %dma_wait3A_126 = arith.constant 1 : i32
      %dma_wait3A_127 = arith.constant 0 : i32
      %dma_wait3A_128 = arith.constant 1 : i32
      %dma_wait3A_129 = arith.constant 1 : i32
      %dma_wait3A_130 = arith.constant 0 : i32
      %dma_wait3A_131 = arith.constant 0 : i32
      %dma_wait3A_132 = tpu.memref_slice %arg7[%dma_wait3A_128, %dma_wait3A_130, %dma_wait3A_131] : memref<2x112x128xf32, #tpu.memory_space<vmem>> -> memref<1x112x128xf32, #tpu.memory_space<vmem>>
      %dma_wait3A_133 = tpu.memref_squeeze %dma_wait3A_132 : memref<1x112x128xf32, #tpu.memory_space<vmem>> -> memref<112x128xf32, #tpu.memory_space<vmem>>
      %dma_wait3A_134 = arith.constant 0 : i32
      %dma_wait3A_135 = tpu.memref_slice %arg8[%dma_wait3A_126, %dma_wait3A_127, %dma_wait3A_134] : memref<2x2x112xi32, #tpu.memory_space<vmem>> -> memref<1x1x112xi32, #tpu.memory_space<vmem>>
      %dma_wait3A_136 = tpu.memref_squeeze %dma_wait3A_135 : memref<1x1x112xi32, #tpu.memory_space<vmem>> -> memref<112xi32, #tpu.memory_space<vmem>>
      %dma_wait3A_137 = arith.constant 0 : i32
      %dma_wait3A_138 = arith.constant 0 : i32
      %dma_wait3A_139 = tpu.memref_slice %arg2[%dma_wait3A_137, %dma_wait3A_138] : memref<12288x128xf32, #tpu.memory_space<hbm>> -> memref<12288x128xf32, #tpu.memory_space<hbm>>
      %dma_wait3A_140 = tpu.memref_slice %arg9[%dma_wait3A_129] : memref<2x!tpu.dma_semaphore, #tpu.memory_space<semaphore_mem>> -> memref<1x!tpu.dma_semaphore, #tpu.memory_space<semaphore_mem>>
      %dma_wait3A_141 = tpu.memref_squeeze %dma_wait3A_140 : memref<1x!tpu.dma_semaphore, #tpu.memory_space<semaphore_mem>> -> memref<!tpu.dma_semaphore, #tpu.memory_space<semaphore_mem>>
      tpu.wait_indirect_dma semaphore(%dma_wait3A_141 : memref<!tpu.dma_semaphore, #tpu.memory_space<semaphore_mem>>) src(%dma_wait3A_139 : memref<12288x128xf32, #tpu.memory_space<hbm>>) dst(%dma_wait3A_133 : memref<112x128xf32, #tpu.memory_space<vmem>>)
      %run_scoped3A_142 = arith.constant 1 : i32
      %run_scoped3A_143 = arith.constant 1 : i32
      %run_scoped3A_144 = arith.constant 1 : i32
      "tpu.region"() ({
        %run_scoped3A_151 = tpu.sem_alloc : memref<!tpu.dma_semaphore, #tpu.memory_space<semaphore_mem>>
        %dma_start3A_152 = arith.constant 0 : i32
        %dma_start3A_153 = arith.constant 0 : i32
        %dma_start3A_154 = tpu.memref_slice %arg7[%run_scoped3A_142, %dma_start3A_152, %dma_start3A_153] : memref<2x112x128xf32, #tpu.memory_space<vmem>> -> memref<1x112x128xf32, #tpu.memory_space<vmem>>
        %dma_start3A_155 = tpu.memref_squeeze %dma_start3A_154 : memref<1x112x128xf32, #tpu.memory_space<vmem>> -> memref<112x128xf32, #tpu.memory_space<vmem>>
        %dma_start3A_156 = arith.constant 0 : i32
        %dma_start3A_157 = tpu.memref_slice %arg8[%run_scoped3A_143, %run_scoped3A_144, %dma_start3A_156] : memref<2x2x112xi32, #tpu.memory_space<vmem>> -> memref<1x1x112xi32, #tpu.memory_space<vmem>>
        %dma_start3A_158 = tpu.memref_squeeze %dma_start3A_157 : memref<1x1x112xi32, #tpu.memory_space<vmem>> -> memref<112xi32, #tpu.memory_space<vmem>>
        %dma_start3A_159 = arith.constant 0 : i32
        %dma_start3A_160 = arith.constant 0 : i32
        %dma_start3A_161 = tpu.memref_slice %arg6[%dma_start3A_159, %dma_start3A_160] : memref<12288x128xf32, #tpu.memory_space<vmem_shared>> -> memref<12288x128xf32, #tpu.memory_space<vmem_shared>>
        tpu.enqueue_indirect_dma source(%dma_start3A_155 : memref<112x128xf32, #tpu.memory_space<vmem>>) target(%dma_start3A_161 : memref<12288x128xf32, #tpu.memory_space<vmem_shared>>) offsets(%dma_start3A_158 : memref<112xi32, #tpu.memory_space<vmem>>) semaphore(%run_scoped3A_151 : memref<!tpu.dma_semaphore, #tpu.memory_space<semaphore_mem>>) {add = true}
        %dma_wait3A_162 = arith.constant 0 : i32
        %dma_wait3A_163 = arith.constant 0 : i32
        %dma_wait3A_164 = tpu.memref_slice %arg7[%run_scoped3A_142, %dma_wait3A_162, %dma_wait3A_163] : memref<2x112x128xf32, #tpu.memory_space<vmem>> -> memref<1x112x128xf32, #tpu.memory_space<vmem>>
        %dma_wait3A_165 = tpu.memref_squeeze %dma_wait3A_164 : memref<1x112x128xf32, #tpu.memory_space<vmem>> -> memref<112x128xf32, #tpu.memory_space<vmem>>
        %dma_wait3A_166 = arith.constant 0 : i32
        %dma_wait3A_167 = tpu.memref_slice %arg8[%run_scoped3A_143, %run_scoped3A_144, %dma_wait3A_166] : memref<2x2x112xi32, #tpu.memory_space<vmem>> -> memref<1x1x112xi32, #tpu.memory_space<vmem>>
        %dma_wait3A_168 = tpu.memref_squeeze %dma_wait3A_167 : memref<1x1x112xi32, #tpu.memory_space<vmem>> -> memref<112xi32, #tpu.memory_space<vmem>>
        %dma_wait3A_169 = arith.constant 0 : i32
        %dma_wait3A_170 = arith.constant 0 : i32
        %dma_wait3A_171 = tpu.memref_slice %arg6[%dma_wait3A_169, %dma_wait3A_170] : memref<12288x128xf32, #tpu.memory_space<vmem_shared>> -> memref<12288x128xf32, #tpu.memory_space<vmem_shared>>
        tpu.wait_indirect_dma semaphore(%run_scoped3A_151 : memref<!tpu.dma_semaphore, #tpu.memory_space<semaphore_mem>>) src(%dma_wait3A_165 : memref<112x128xf32, #tpu.memory_space<vmem>>) dst(%dma_wait3A_171 : memref<12288x128xf32, #tpu.memory_space<vmem_shared>>)
        tpu.yield
      }) : () -> ()
      %add3A_145 = arith.constant 2 : i32
      %add3A_146 = arith.addi %add3A_119, %add3A_145 : i32
      %lt3A_147 = arith.cmpi slt, %add3A_146, %select_n3A : i32
      %convert_element_type3A_148 = arith.extui %lt3A_147 : i1 to i32
      %cond3A_149 = arith.constant 0 : i32
      %cond3A_150 = arith.cmpi ne, %convert_element_type3A_148, %cond3A_149 : i32
      scf.if %cond3A_150 {
        %add3A_151 = arith.addi %add3A, %add3A_119 : i32
        %add3A_152 = arith.constant 2 : i32
        %add3A_153 = arith.addi %add3A_151, %add3A_152 : i32
        %dma_start3A_154 = arith.constant 1 : i32
        %dma_start3A_155 = arith.constant 0 : i32
        %dma_start3A_156 = arith.constant 0 : i32
        %dma_start3A_157 = tpu.memref_slice %arg8[%dma_start3A_154, %dma_start3A_155, %dma_start3A_156] : memref<2x2x112xi32, #tpu.memory_space<vmem>> -> memref<1x2x112xi32, #tpu.memory_space<vmem>>
        %dma_start3A_158 = tpu.memref_squeeze %dma_start3A_157 : memref<1x2x112xi32, #tpu.memory_space<vmem>> -> memref<2x112xi32, #tpu.memory_space<vmem>>
        %dma_start3A_159 = arith.constant 0 : i32
        %dma_start3A_160 = arith.constant 0 : i32
        %dma_start3A_161 = tpu.memref_slice %arg3[%add3A_153, %dma_start3A_159, %dma_start3A_160] : memref<2880x2x112xi32, #tpu.memory_space<hbm>> -> memref<1x2x112xi32, #tpu.memory_space<hbm>>
        %dma_start3A_162 = tpu.memref_squeeze %dma_start3A_161 : memref<1x2x112xi32, #tpu.memory_space<hbm>> -> memref<2x112xi32, #tpu.memory_space<hbm>>
        %dma_start3A_163 = arith.constant 0 : i32
        %dma_start3A_164 = arith.constant 0 : i32
        %dma_start3A_165 = tpu.memref_slice %arg8[%dma_start3A_154, %dma_start3A_163, %dma_start3A_164] : memref<2x2x112xi32, #tpu.memory_space<vmem>> -> memref<1x2x112xi32, #tpu.memory_space<vmem>>
        %dma_start3A_166 = tpu.memref_squeeze %dma_start3A_165 : memref<1x2x112xi32, #tpu.memory_space<vmem>> -> memref<2x112xi32, #tpu.memory_space<vmem>>
        %dma_start3A_167 = arith.constant 0 : i32
        %dma_start3A_168 = arith.constant 0 : i32
        %dma_start3A_169 = tpu.memref_slice %arg3[%add3A_153, %dma_start3A_167, %dma_start3A_168] : memref<2880x2x112xi32, #tpu.memory_space<hbm>> -> memref<1x2x112xi32, #tpu.memory_space<hbm>>
        %dma_start3A_170 = tpu.memref_squeeze %dma_start3A_169 : memref<1x2x112xi32, #tpu.memory_space<hbm>> -> memref<2x112xi32, #tpu.memory_space<hbm>>
        tpu.enqueue_dma source(%dma_start3A_170 : memref<2x112xi32, #tpu.memory_space<hbm>>) target(%dma_start3A_166 : memref<2x112xi32, #tpu.memory_space<vmem>>) target_semaphore(%arg10 : memref<!tpu.dma_semaphore, #tpu.memory_space<semaphore_mem>>)
      } else {
      }
    }
    %while3A_77 = arith.constant 1 : i32
    scf.for %while3A_82 = %while3A_75 to %while3A_71 step %while3A_77  : i32 {
      %mul3A_83 = arith.constant 2 : i32
      %mul3A_84 = arith.muli %while3A_82, %mul3A_83 : i32
      %add3A_85 = arith.constant 0 : i32
      %add3A_86 = arith.addi %mul3A_84, %add3A_85 : i32
      %add3A_87 = arith.constant 1 : i32
      %add3A_88 = arith.addi %add3A_86, %add3A_87 : i32
      %lt3A = arith.cmpi slt, %add3A_88, %select_n3A : i32
      %convert_element_type3A_89 = arith.extui %lt3A : i1 to i32
      %cond3A_90 = arith.constant 0 : i32
      %cond3A_91 = arith.cmpi ne, %convert_element_type3A_89, %cond3A_90 : i32
      scf.if %cond3A_91 {
        %dma_wait3A_151 = arith.constant 1 : i32
        %dma_wait3A_152 = arith.constant 0 : i32
        %dma_wait3A_153 = arith.constant 0 : i32
        %dma_wait3A_154 = tpu.memref_slice %arg8[%dma_wait3A_151, %dma_wait3A_152, %dma_wait3A_153] : memref<2x2x112xi32, #tpu.memory_space<vmem>> -> memref<1x2x112xi32, #tpu.memory_space<vmem>>
        %dma_wait3A_155 = tpu.memref_squeeze %dma_wait3A_154 : memref<1x2x112xi32, #tpu.memory_space<vmem>> -> memref<2x112xi32, #tpu.memory_space<vmem>>
        %dma_wait3A_156 = arith.constant 0 : i32
        %dma_wait3A_157 = arith.constant 0 : i32
        %dma_wait3A_158 = tpu.memref_slice %arg3[%add3A, %dma_wait3A_156, %dma_wait3A_157] : memref<2880x2x112xi32, #tpu.memory_space<hbm>> -> memref<1x2x112xi32, #tpu.memory_space<hbm>>
        %dma_wait3A_159 = tpu.memref_squeeze %dma_wait3A_158 : memref<1x2x112xi32, #tpu.memory_space<hbm>> -> memref<2x112xi32, #tpu.memory_space<hbm>>
        %dma_wait3A_160 = arith.constant 0 : i32
        %dma_wait3A_161 = arith.constant 0 : i32
        %dma_wait3A_162 = tpu.memref_slice %arg8[%dma_wait3A_151, %dma_wait3A_160, %dma_wait3A_161] : memref<2x2x112xi32, #tpu.memory_space<vmem>> -> memref<1x2x112xi32, #tpu.memory_space<vmem>>
        %dma_wait3A_163 = tpu.memref_squeeze %dma_wait3A_162 : memref<1x2x112xi32, #tpu.memory_space<vmem>> -> memref<2x112xi32, #tpu.memory_space<vmem>>
        %dma_wait3A_164 = arith.constant 0 : i32
        %dma_wait3A_165 = arith.constant 0 : i32
        %dma_wait3A_166 = tpu.memref_slice %arg3[%add3A, %dma_wait3A_164, %dma_wait3A_165] : memref<2880x2x112xi32, #tpu.memory_space<hbm>> -> memref<1x2x112xi32, #tpu.memory_space<hbm>>
        %dma_wait3A_167 = tpu.memref_squeeze %dma_wait3A_166 : memref<1x2x112xi32, #tpu.memory_space<hbm>> -> memref<2x112xi32, #tpu.memory_space<hbm>>
        tpu.wait_dma2 semaphore(%arg10 : memref<!tpu.dma_semaphore, #tpu.memory_space<semaphore_mem>>) src(%dma_wait3A_167 : memref<2x112xi32, #tpu.memory_space<hbm>>) dst(%dma_wait3A_163 : memref<2x112xi32, #tpu.memory_space<vmem>>)
        %dma_start3A_168 = arith.constant 1 : i32
        %dma_start3A_169 = arith.constant 0 : i32
        %dma_start3A_170 = arith.constant 1 : i32
        %dma_start3A_171 = arith.constant 1 : i32
        %dma_start3A_172 = arith.constant 0 : i32
        %dma_start3A_173 = arith.constant 0 : i32
        %dma_start3A_174 = tpu.memref_slice %arg7[%dma_start3A_170, %dma_start3A_172, %dma_start3A_173] : memref<2x112x128xf32, #tpu.memory_space<vmem>> -> memref<1x112x128xf32, #tpu.memory_space<vmem>>
        %dma_start3A_175 = tpu.memref_squeeze %dma_start3A_174 : memref<1x112x128xf32, #tpu.memory_space<vmem>> -> memref<112x128xf32, #tpu.memory_space<vmem>>
        %dma_start3A_176 = arith.constant 0 : i32
        %dma_start3A_177 = tpu.memref_slice %arg8[%dma_start3A_168, %dma_start3A_169, %dma_start3A_176] : memref<2x2x112xi32, #tpu.memory_space<vmem>> -> memref<1x1x112xi32, #tpu.memory_space<vmem>>
        %dma_start3A_178 = tpu.memref_squeeze %dma_start3A_177 : memref<1x1x112xi32, #tpu.memory_space<vmem>> -> memref<112xi32, #tpu.memory_space<vmem>>
        %dma_start3A_179 = arith.constant 0 : i32
        %dma_start3A_180 = arith.constant 0 : i32
        %dma_start3A_181 = tpu.memref_slice %arg2[%dma_start3A_179, %dma_start3A_180] : memref<12288x128xf32, #tpu.memory_space<hbm>> -> memref<12288x128xf32, #tpu.memory_space<hbm>>
        %dma_start3A_182 = tpu.memref_slice %arg9[%dma_start3A_171] : memref<2x!tpu.dma_semaphore, #tpu.memory_space<semaphore_mem>> -> memref<1x!tpu.dma_semaphore, #tpu.memory_space<semaphore_mem>>
        %dma_start3A_183 = tpu.memref_squeeze %dma_start3A_182 : memref<1x!tpu.dma_semaphore, #tpu.memory_space<semaphore_mem>> -> memref<!tpu.dma_semaphore, #tpu.memory_space<semaphore_mem>>
        tpu.enqueue_indirect_dma source(%dma_start3A_181 : memref<12288x128xf32, #tpu.memory_space<hbm>>) target(%dma_start3A_175 : memref<112x128xf32, #tpu.memory_space<vmem>>) offsets(%dma_start3A_178 : memref<112xi32, #tpu.memory_space<vmem>>) semaphore(%dma_start3A_183 : memref<!tpu.dma_semaphore, #tpu.memory_space<semaphore_mem>>)
      } else {
      }
      %dma_wait3A = arith.constant 0 : i32
      %dma_wait3A_92 = arith.constant 0 : i32
      %dma_wait3A_93 = arith.constant 0 : i32
      %dma_wait3A_94 = arith.constant 0 : i32
      %dma_wait3A_95 = arith.constant 0 : i32
      %dma_wait3A_96 = arith.constant 0 : i32
      %dma_wait3A_97 = tpu.memref_slice %arg7[%dma_wait3A_93, %dma_wait3A_95, %dma_wait3A_96] : memref<2x112x128xf32, #tpu.memory_space<vmem>> -> memref<1x112x128xf32, #tpu.memory_space<vmem>>
      %dma_wait3A_98 = tpu.memref_squeeze %dma_wait3A_97 : memref<1x112x128xf32, #tpu.memory_space<vmem>> -> memref<112x128xf32, #tpu.memory_space<vmem>>
      %dma_wait3A_99 = arith.constant 0 : i32
      %dma_wait3A_100 = tpu.memref_slice %arg8[%dma_wait3A, %dma_wait3A_92, %dma_wait3A_99] : memref<2x2x112xi32, #tpu.memory_space<vmem>> -> memref<1x1x112xi32, #tpu.memory_space<vmem>>
      %dma_wait3A_101 = tpu.memref_squeeze %dma_wait3A_100 : memref<1x1x112xi32, #tpu.memory_space<vmem>> -> memref<112xi32, #tpu.memory_space<vmem>>
      %dma_wait3A_102 = arith.constant 0 : i32
      %dma_wait3A_103 = arith.constant 0 : i32
      %dma_wait3A_104 = tpu.memref_slice %arg2[%dma_wait3A_102, %dma_wait3A_103] : memref<12288x128xf32, #tpu.memory_space<hbm>> -> memref<12288x128xf32, #tpu.memory_space<hbm>>
      %dma_wait3A_105 = tpu.memref_slice %arg9[%dma_wait3A_94] : memref<2x!tpu.dma_semaphore, #tpu.memory_space<semaphore_mem>> -> memref<1x!tpu.dma_semaphore, #tpu.memory_space<semaphore_mem>>
      %dma_wait3A_106 = tpu.memref_squeeze %dma_wait3A_105 : memref<1x!tpu.dma_semaphore, #tpu.memory_space<semaphore_mem>> -> memref<!tpu.dma_semaphore, #tpu.memory_space<semaphore_mem>>
      tpu.wait_indirect_dma semaphore(%dma_wait3A_106 : memref<!tpu.dma_semaphore, #tpu.memory_space<semaphore_mem>>) src(%dma_wait3A_104 : memref<12288x128xf32, #tpu.memory_space<hbm>>) dst(%dma_wait3A_98 : memref<112x128xf32, #tpu.memory_space<vmem>>)
      %run_scoped3A_107 = arith.constant 0 : i32
      %run_scoped3A_108 = arith.constant 0 : i32
      %run_scoped3A_109 = arith.constant 1 : i32
      "tpu.region"() ({
        %run_scoped3A_151 = tpu.sem_alloc : memref<!tpu.dma_semaphore, #tpu.memory_space<semaphore_mem>>
        %dma_start3A_152 = arith.constant 0 : i32
        %dma_start3A_153 = arith.constant 0 : i32
        %dma_start3A_154 = tpu.memref_slice %arg7[%run_scoped3A_107, %dma_start3A_152, %dma_start3A_153] : memref<2x112x128xf32, #tpu.memory_space<vmem>> -> memref<1x112x128xf32, #tpu.memory_space<vmem>>
        %dma_start3A_155 = tpu.memref_squeeze %dma_start3A_154 : memref<1x112x128xf32, #tpu.memory_space<vmem>> -> memref<112x128xf32, #tpu.memory_space<vmem>>
        %dma_start3A_156 = arith.constant 0 : i32
        %dma_start3A_157 = tpu.memref_slice %arg8[%run_scoped3A_108, %run_scoped3A_109, %dma_start3A_156] : memref<2x2x112xi32, #tpu.memory_space<vmem>> -> memref<1x1x112xi32, #tpu.memory_space<vmem>>
        %dma_start3A_158 = tpu.memref_squeeze %dma_start3A_157 : memref<1x1x112xi32, #tpu.memory_space<vmem>> -> memref<112xi32, #tpu.memory_space<vmem>>
        %dma_start3A_159 = arith.constant 0 : i32
        %dma_start3A_160 = arith.constant 0 : i32
        %dma_start3A_161 = tpu.memref_slice %arg6[%dma_start3A_159, %dma_start3A_160] : memref<12288x128xf32, #tpu.memory_space<vmem_shared>> -> memref<12288x128xf32, #tpu.memory_space<vmem_shared>>
        tpu.enqueue_indirect_dma source(%dma_start3A_155 : memref<112x128xf32, #tpu.memory_space<vmem>>) target(%dma_start3A_161 : memref<12288x128xf32, #tpu.memory_space<vmem_shared>>) offsets(%dma_start3A_158 : memref<112xi32, #tpu.memory_space<vmem>>) semaphore(%run_scoped3A_151 : memref<!tpu.dma_semaphore, #tpu.memory_space<semaphore_mem>>) {add = true}
        %dma_wait3A_162 = arith.constant 0 : i32
        %dma_wait3A_163 = arith.constant 0 : i32
        %dma_wait3A_164 = tpu.memref_slice %arg7[%run_scoped3A_107, %dma_wait3A_162, %dma_wait3A_163] : memref<2x112x128xf32, #tpu.memory_space<vmem>> -> memref<1x112x128xf32, #tpu.memory_space<vmem>>
        %dma_wait3A_165 = tpu.memref_squeeze %dma_wait3A_164 : memref<1x112x128xf32, #tpu.memory_space<vmem>> -> memref<112x128xf32, #tpu.memory_space<vmem>>
        %dma_wait3A_166 = arith.constant 0 : i32
        %dma_wait3A_167 = tpu.memref_slice %arg8[%run_scoped3A_108, %run_scoped3A_109, %dma_wait3A_166] : memref<2x2x112xi32, #tpu.memory_space<vmem>> -> memref<1x1x112xi32, #tpu.memory_space<vmem>>
        %dma_wait3A_168 = tpu.memref_squeeze %dma_wait3A_167 : memref<1x1x112xi32, #tpu.memory_space<vmem>> -> memref<112xi32, #tpu.memory_space<vmem>>
        %dma_wait3A_169 = arith.constant 0 : i32
        %dma_wait3A_170 = arith.constant 0 : i32
        %dma_wait3A_171 = tpu.memref_slice %arg6[%dma_wait3A_169, %dma_wait3A_170] : memref<12288x128xf32, #tpu.memory_space<vmem_shared>> -> memref<12288x128xf32, #tpu.memory_space<vmem_shared>>
        tpu.wait_indirect_dma semaphore(%run_scoped3A_151 : memref<!tpu.dma_semaphore, #tpu.memory_space<semaphore_mem>>) src(%dma_wait3A_165 : memref<112x128xf32, #tpu.memory_space<vmem>>) dst(%dma_wait3A_171 : memref<12288x128xf32, #tpu.memory_space<vmem_shared>>)
        tpu.yield
      }) : () -> ()
      %add3A_110 = arith.constant 2 : i32
      %add3A_111 = arith.addi %add3A_86, %add3A_110 : i32
      %lt3A_112 = arith.cmpi slt, %add3A_111, %select_n3A : i32
      %convert_element_type3A_113 = arith.extui %lt3A_112 : i1 to i32
      %cond3A_114 = arith.constant 0 : i32
      %cond3A_115 = arith.cmpi ne, %convert_element_type3A_113, %cond3A_114 : i32
      scf.if %cond3A_115 {
        %add3A_151 = arith.addi %add3A, %add3A_86 : i32
        %add3A_152 = arith.constant 2 : i32
        %add3A_153 = arith.addi %add3A_151, %add3A_152 : i32
        %dma_start3A_154 = arith.constant 0 : i32
        %dma_start3A_155 = arith.constant 0 : i32
        %dma_start3A_156 = arith.constant 0 : i32
        %dma_start3A_157 = tpu.memref_slice %arg8[%dma_start3A_154, %dma_start3A_155, %dma_start3A_156] : memref<2x2x112xi32, #tpu.memory_space<vmem>> -> memref<1x2x112xi32, #tpu.memory_space<vmem>>
        %dma_start3A_158 = tpu.memref_squeeze %dma_start3A_157 : memref<1x2x112xi32, #tpu.memory_space<vmem>> -> memref<2x112xi32, #tpu.memory_space<vmem>>
        %dma_start3A_159 = arith.constant 0 : i32
        %dma_start3A_160 = arith.constant 0 : i32
        %dma_start3A_161 = tpu.memref_slice %arg3[%add3A_153, %dma_start3A_159, %dma_start3A_160] : memref<2880x2x112xi32, #tpu.memory_space<hbm>> -> memref<1x2x112xi32, #tpu.memory_space<hbm>>
        %dma_start3A_162 = tpu.memref_squeeze %dma_start3A_161 : memref<1x2x112xi32, #tpu.memory_space<hbm>> -> memref<2x112xi32, #tpu.memory_space<hbm>>
        %dma_start3A_163 = arith.constant 0 : i32
        %dma_start3A_164 = arith.constant 0 : i32
        %dma_start3A_165 = tpu.memref_slice %arg8[%dma_start3A_154, %dma_start3A_163, %dma_start3A_164] : memref<2x2x112xi32, #tpu.memory_space<vmem>> -> memref<1x2x112xi32, #tpu.memory_space<vmem>>
        %dma_start3A_166 = tpu.memref_squeeze %dma_start3A_165 : memref<1x2x112xi32, #tpu.memory_space<vmem>> -> memref<2x112xi32, #tpu.memory_space<vmem>>
        %dma_start3A_167 = arith.constant 0 : i32
        %dma_start3A_168 = arith.constant 0 : i32
        %dma_start3A_169 = tpu.memref_slice %arg3[%add3A_153, %dma_start3A_167, %dma_start3A_168] : memref<2880x2x112xi32, #tpu.memory_space<hbm>> -> memref<1x2x112xi32, #tpu.memory_space<hbm>>
        %dma_start3A_170 = tpu.memref_squeeze %dma_start3A_169 : memref<1x2x112xi32, #tpu.memory_space<hbm>> -> memref<2x112xi32, #tpu.memory_space<hbm>>
        tpu.enqueue_dma source(%dma_start3A_170 : memref<2x112xi32, #tpu.memory_space<hbm>>) target(%dma_start3A_166 : memref<2x112xi32, #tpu.memory_space<vmem>>) target_semaphore(%arg10 : memref<!tpu.dma_semaphore, #tpu.memory_space<semaphore_mem>>)
      } else {
      }
      %mul3A_116 = arith.constant 2 : i32
      %mul3A_117 = arith.muli %while3A_82, %mul3A_116 : i32
      %add3A_118 = arith.constant 1 : i32
      %add3A_119 = arith.addi %mul3A_117, %add3A_118 : i32
      %add3A_120 = arith.constant 1 : i32
      %add3A_121 = arith.addi %add3A_119, %add3A_120 : i32
      %lt3A_122 = arith.cmpi slt, %add3A_121, %select_n3A : i32
      %convert_element_type3A_123 = arith.extui %lt3A_122 : i1 to i32
      %cond3A_124 = arith.constant 0 : i32
      %cond3A_125 = arith.cmpi ne, %convert_element_type3A_123, %cond3A_124 : i32
      scf.if %cond3A_125 {
        %dma_wait3A_151 = arith.constant 0 : i32
        %dma_wait3A_152 = arith.constant 0 : i32
        %dma_wait3A_153 = arith.constant 0 : i32
        %dma_wait3A_154 = tpu.memref_slice %arg8[%dma_wait3A_151, %dma_wait3A_152, %dma_wait3A_153] : memref<2x2x112xi32, #tpu.memory_space<vmem>> -> memref<1x2x112xi32, #tpu.memory_space<vmem>>
        %dma_wait3A_155 = tpu.memref_squeeze %dma_wait3A_154 : memref<1x2x112xi32, #tpu.memory_space<vmem>> -> memref<2x112xi32, #tpu.memory_space<vmem>>
        %dma_wait3A_156 = arith.constant 0 : i32
        %dma_wait3A_157 = arith.constant 0 : i32
        %dma_wait3A_158 = tpu.memref_slice %arg3[%add3A, %dma_wait3A_156, %dma_wait3A_157] : memref<2880x2x112xi32, #tpu.memory_space<hbm>> -> memref<1x2x112xi32, #tpu.memory_space<hbm>>
        %dma_wait3A_159 = tpu.memref_squeeze %dma_wait3A_158 : memref<1x2x112xi32, #tpu.memory_space<hbm>> -> memref<2x112xi32, #tpu.memory_space<hbm>>
        %dma_wait3A_160 = arith.constant 0 : i32
        %dma_wait3A_161 = arith.constant 0 : i32
        %dma_wait3A_162 = tpu.memref_slice %arg8[%dma_wait3A_151, %dma_wait3A_160, %dma_wait3A_161] : memref<2x2x112xi32, #tpu.memory_space<vmem>> -> memref<1x2x112xi32, #tpu.memory_space<vmem>>
        %dma_wait3A_163 = tpu.memref_squeeze %dma_wait3A_162 : memref<1x2x112xi32, #tpu.memory_space<vmem>> -> memref<2x112xi32, #tpu.memory_space<vmem>>
        %dma_wait3A_164 = arith.constant 0 : i32
        %dma_wait3A_165 = arith.constant 0 : i32
        %dma_wait3A_166 = tpu.memref_slice %arg3[%add3A, %dma_wait3A_164, %dma_wait3A_165] : memref<2880x2x112xi32, #tpu.memory_space<hbm>> -> memref<1x2x112xi32, #tpu.memory_space<hbm>>
        %dma_wait3A_167 = tpu.memref_squeeze %dma_wait3A_166 : memref<1x2x112xi32, #tpu.memory_space<hbm>> -> memref<2x112xi32, #tpu.memory_space<hbm>>
        tpu.wait_dma2 semaphore(%arg10 : memref<!tpu.dma_semaphore, #tpu.memory_space<semaphore_mem>>) src(%dma_wait3A_167 : memref<2x112xi32, #tpu.memory_space<hbm>>) dst(%dma_wait3A_163 : memref<2x112xi32, #tpu.memory_space<vmem>>)
        %dma_start3A_168 = arith.constant 0 : i32
        %dma_start3A_169 = arith.constant 0 : i32
        %dma_start3A_170 = arith.constant 0 : i32
        %dma_start3A_171 = arith.constant 0 : i32
        %dma_start3A_172 = arith.constant 0 : i32
        %dma_start3A_173 = arith.constant 0 : i32
        %dma_start3A_174 = tpu.memref_slice %arg7[%dma_start3A_170, %dma_start3A_172, %dma_start3A_173] : memref<2x112x128xf32, #tpu.memory_space<vmem>> -> memref<1x112x128xf32, #tpu.memory_space<vmem>>
        %dma_start3A_175 = tpu.memref_squeeze %dma_start3A_174 : memref<1x112x128xf32, #tpu.memory_space<vmem>> -> memref<112x128xf32, #tpu.memory_space<vmem>>
        %dma_start3A_176 = arith.constant 0 : i32
        %dma_start3A_177 = tpu.memref_slice %arg8[%dma_start3A_168, %dma_start3A_169, %dma_start3A_176] : memref<2x2x112xi32, #tpu.memory_space<vmem>> -> memref<1x1x112xi32, #tpu.memory_space<vmem>>
        %dma_start3A_178 = tpu.memref_squeeze %dma_start3A_177 : memref<1x1x112xi32, #tpu.memory_space<vmem>> -> memref<112xi32, #tpu.memory_space<vmem>>
        %dma_start3A_179 = arith.constant 0 : i32
        %dma_start3A_180 = arith.constant 0 : i32
        %dma_start3A_181 = tpu.memref_slice %arg2[%dma_start3A_179, %dma_start3A_180] : memref<12288x128xf32, #tpu.memory_space<hbm>> -> memref<12288x128xf32, #tpu.memory_space<hbm>>
        %dma_start3A_182 = tpu.memref_slice %arg9[%dma_start3A_171] : memref<2x!tpu.dma_semaphore, #tpu.memory_space<semaphore_mem>> -> memref<1x!tpu.dma_semaphore, #tpu.memory_space<semaphore_mem>>
        %dma_start3A_183 = tpu.memref_squeeze %dma_start3A_182 : memref<1x!tpu.dma_semaphore, #tpu.memory_space<semaphore_mem>> -> memref<!tpu.dma_semaphore, #tpu.memory_space<semaphore_mem>>
        tpu.enqueue_indirect_dma source(%dma_start3A_181 : memref<12288x128xf32, #tpu.memory_space<hbm>>) target(%dma_start3A_175 : memref<112x128xf32, #tpu.memory_space<vmem>>) offsets(%dma_start3A_178 : memref<112xi32, #tpu.memory_space<vmem>>) semaphore(%dma_start3A_183 : memref<!tpu.dma_semaphore, #tpu.memory_space<semaphore_mem>>)
      } else {
      }
      %dma_wait3A_126 = arith.constant 1 : i32
      %dma_wait3A_127 = arith.constant 0 : i32
      %dma_wait3A_128 = arith.constant 1 : i32
      %dma_wait3A_129 = arith.constant 1 : i32
      %dma_wait3A_130 = arith.constant 0 : i32
      %dma_wait3A_131 = arith.constant 0 : i32
      %dma_wait3A_132 = tpu.memref_slice %arg7[%dma_wait3A_128, %dma_wait3A_130, %dma_wait3A_131] : memref<2x112x128xf32, #tpu.memory_space<vmem>> -> memref<1x112x128xf32, #tpu.memory_space<vmem>>
      %dma_wait3A_133 = tpu.memref_squeeze %dma_wait3A_132 : memref<1x112x128xf32, #tpu.memory_space<vmem>> -> memref<112x128xf32, #tpu.memory_space<vmem>>
      %dma_wait3A_134 = arith.constant 0 : i32
      %dma_wait3A_135 = tpu.memref_slice %arg8[%dma_wait3A_126, %dma_wait3A_127, %dma_wait3A_134] : memref<2x2x112xi32, #tpu.memory_space<vmem>> -> memref<1x1x112xi32, #tpu.memory_space<vmem>>
      %dma_wait3A_136 = tpu.memref_squeeze %dma_wait3A_135 : memref<1x1x112xi32, #tpu.memory_space<vmem>> -> memref<112xi32, #tpu.memory_space<vmem>>
      %dma_wait3A_137 = arith.constant 0 : i32
      %dma_wait3A_138 = arith.constant 0 : i32
      %dma_wait3A_139 = tpu.memref_slice %arg2[%dma_wait3A_137, %dma_wait3A_138] : memref<12288x128xf32, #tpu.memory_space<hbm>> -> memref<12288x128xf32, #tpu.memory_space<hbm>>
      %dma_wait3A_140 = tpu.memref_slice %arg9[%dma_wait3A_129] : memref<2x!tpu.dma_semaphore, #tpu.memory_space<semaphore_mem>> -> memref<1x!tpu.dma_semaphore, #tpu.memory_space<semaphore_mem>>
      %dma_wait3A_141 = tpu.memref_squeeze %dma_wait3A_140 : memref<1x!tpu.dma_semaphore, #tpu.memory_space<semaphore_mem>> -> memref<!tpu.dma_semaphore, #tpu.memory_space<semaphore_mem>>
      tpu.wait_indirect_dma semaphore(%dma_wait3A_141 : memref<!tpu.dma_semaphore, #tpu.memory_space<semaphore_mem>>) src(%dma_wait3A_139 : memref<12288x128xf32, #tpu.memory_space<hbm>>) dst(%dma_wait3A_133 : memref<112x128xf32, #tpu.memory_space<vmem>>)
      %run_scoped3A_142 = arith.constant 1 : i32
      %run_scoped3A_143 = arith.constant 1 : i32
      %run_scoped3A_144 = arith.constant 1 : i32
      "tpu.region"() ({
        %run_scoped3A_151 = tpu.sem_alloc : memref<!tpu.dma_semaphore, #tpu.memory_space<semaphore_mem>>
        %dma_start3A_152 = arith.constant 0 : i32
        %dma_start3A_153 = arith.constant 0 : i32
        %dma_start3A_154 = tpu.memref_slice %arg7[%run_scoped3A_142, %dma_start3A_152, %dma_start3A_153] : memref<2x112x128xf32, #tpu.memory_space<vmem>> -> memref<1x112x128xf32, #tpu.memory_space<vmem>>
        %dma_start3A_155 = tpu.memref_squeeze %dma_start3A_154 : memref<1x112x128xf32, #tpu.memory_space<vmem>> -> memref<112x128xf32, #tpu.memory_space<vmem>>
        %dma_start3A_156 = arith.constant 0 : i32
        %dma_start3A_157 = tpu.memref_slice %arg8[%run_scoped3A_143, %run_scoped3A_144, %dma_start3A_156] : memref<2x2x112xi32, #tpu.memory_space<vmem>> -> memref<1x1x112xi32, #tpu.memory_space<vmem>>
        %dma_start3A_158 = tpu.memref_squeeze %dma_start3A_157 : memref<1x1x112xi32, #tpu.memory_space<vmem>> -> memref<112xi32, #tpu.memory_space<vmem>>
        %dma_start3A_159 = arith.constant 0 : i32
        %dma_start3A_160 = arith.constant 0 : i32
        %dma_start3A_161 = tpu.memref_slice %arg6[%dma_start3A_159, %dma_start3A_160] : memref<12288x128xf32, #tpu.memory_space<vmem_shared>> -> memref<12288x128xf32, #tpu.memory_space<vmem_shared>>
        tpu.enqueue_indirect_dma source(%dma_start3A_155 : memref<112x128xf32, #tpu.memory_space<vmem>>) target(%dma_start3A_161 : memref<12288x128xf32, #tpu.memory_space<vmem_shared>>) offsets(%dma_start3A_158 : memref<112xi32, #tpu.memory_space<vmem>>) semaphore(%run_scoped3A_151 : memref<!tpu.dma_semaphore, #tpu.memory_space<semaphore_mem>>) {add = true}
        %dma_wait3A_162 = arith.constant 0 : i32
        %dma_wait3A_163 = arith.constant 0 : i32
        %dma_wait3A_164 = tpu.memref_slice %arg7[%run_scoped3A_142, %dma_wait3A_162, %dma_wait3A_163] : memref<2x112x128xf32, #tpu.memory_space<vmem>> -> memref<1x112x128xf32, #tpu.memory_space<vmem>>
        %dma_wait3A_165 = tpu.memref_squeeze %dma_wait3A_164 : memref<1x112x128xf32, #tpu.memory_space<vmem>> -> memref<112x128xf32, #tpu.memory_space<vmem>>
        %dma_wait3A_166 = arith.constant 0 : i32
        %dma_wait3A_167 = tpu.memref_slice %arg8[%run_scoped3A_143, %run_scoped3A_144, %dma_wait3A_166] : memref<2x2x112xi32, #tpu.memory_space<vmem>> -> memref<1x1x112xi32, #tpu.memory_space<vmem>>
        %dma_wait3A_168 = tpu.memref_squeeze %dma_wait3A_167 : memref<1x1x112xi32, #tpu.memory_space<vmem>> -> memref<112xi32, #tpu.memory_space<vmem>>
        %dma_wait3A_169 = arith.constant 0 : i32
        %dma_wait3A_170 = arith.constant 0 : i32
        %dma_wait3A_171 = tpu.memref_slice %arg6[%dma_wait3A_169, %dma_wait3A_170] : memref<12288x128xf32, #tpu.memory_space<vmem_shared>> -> memref<12288x128xf32, #tpu.memory_space<vmem_shared>>
        tpu.wait_indirect_dma semaphore(%run_scoped3A_151 : memref<!tpu.dma_semaphore, #tpu.memory_space<semaphore_mem>>) src(%dma_wait3A_165 : memref<112x128xf32, #tpu.memory_space<vmem>>) dst(%dma_wait3A_171 : memref<12288x128xf32, #tpu.memory_space<vmem_shared>>)
        tpu.yield
      }) : () -> ()
      %add3A_145 = arith.constant 2 : i32
      %add3A_146 = arith.addi %add3A_119, %add3A_145 : i32
      %lt3A_147 = arith.cmpi slt, %add3A_146, %select_n3A : i32
      %convert_element_type3A_148 = arith.extui %lt3A_147 : i1 to i32
      %cond3A_149 = arith.constant 0 : i32
      %cond3A_150 = arith.cmpi ne, %convert_element_type3A_148, %cond3A_149 : i32
      scf.if %cond3A_150 {
        %add3A_151 = arith.addi %add3A, %add3A_119 : i32
        %add3A_152 = arith.constant 2 : i32
        %add3A_153 = arith.addi %add3A_151, %add3A_152 : i32
        %dma_start3A_154 = arith.constant 1 : i32
        %dma_start3A_155 = arith.constant 0 : i32
        %dma_start3A_156 = arith.constant 0 : i32
        %dma_start3A_157 = tpu.memref_slice %arg8[%dma_start3A_154, %dma_start3A_155, %dma_start3A_156] : memref<2x2x112xi32, #tpu.memory_space<vmem>> -> memref<1x2x112xi32, #tpu.memory_space<vmem>>
        %dma_start3A_158 = tpu.memref_squeeze %dma_start3A_157 : memref<1x2x112xi32, #tpu.memory_space<vmem>> -> memref<2x112xi32, #tpu.memory_space<vmem>>
        %dma_start3A_159 = arith.constant 0 : i32
        %dma_start3A_160 = arith.constant 0 : i32
        %dma_start3A_161 = tpu.memref_slice %arg3[%add3A_153, %dma_start3A_159, %dma_start3A_160] : memref<2880x2x112xi32, #tpu.memory_space<hbm>> -> memref<1x2x112xi32, #tpu.memory_space<hbm>>
        %dma_start3A_162 = tpu.memref_squeeze %dma_start3A_161 : memref<1x2x112xi32, #tpu.memory_space<hbm>> -> memref<2x112xi32, #tpu.memory_space<hbm>>
        %dma_start3A_163 = arith.constant 0 : i32
        %dma_start3A_164 = arith.constant 0 : i32
        %dma_start3A_165 = tpu.memref_slice %arg8[%dma_start3A_154, %dma_start3A_163, %dma_start3A_164] : memref<2x2x112xi32, #tpu.memory_space<vmem>> -> memref<1x2x112xi32, #tpu.memory_space<vmem>>
        %dma_start3A_166 = tpu.memref_squeeze %dma_start3A_165 : memref<1x2x112xi32, #tpu.memory_space<vmem>> -> memref<2x112xi32, #tpu.memory_space<vmem>>
        %dma_start3A_167 = arith.constant 0 : i32
        %dma_start3A_168 = arith.constant 0 : i32
        %dma_start3A_169 = tpu.memref_slice %arg3[%add3A_153, %dma_start3A_167, %dma_start3A_168] : memref<2880x2x112xi32, #tpu.memory_space<hbm>> -> memref<1x2x112xi32, #tpu.memory_space<hbm>>
        %dma_start3A_170 = tpu.memref_squeeze %dma_start3A_169 : memref<1x2x112xi32, #tpu.memory_space<hbm>> -> memref<2x112xi32, #tpu.memory_space<hbm>>
        tpu.enqueue_dma source(%dma_start3A_170 : memref<2x112xi32, #tpu.memory_space<hbm>>) target(%dma_start3A_166 : memref<2x112xi32, #tpu.memory_space<vmem>>) target_semaphore(%arg10 : memref<!tpu.dma_semaphore, #tpu.memory_space<semaphore_mem>>)
      } else {
      }
    }
    %barrier3A_78 = arith.constant 0 : index
    tpu.barrier barrier_id(%barrier3A_78)
    %mul3A_79 = arith.constant 12288 : i32
    %mul3A_80 = arith.muli %arg0, %mul3A_79 : i32
    %add3A_81 = arith.addi %mul3A_80, %mul3A_0 : i32
    "tpu.region"() ({
      %run_scoped3A_82 = tpu.sem_alloc : memref<!tpu.dma_semaphore, #tpu.memory_space<semaphore_mem>>
      %dma_start3A_83 = arith.constant 0 : i32
      %dma_start3A_84 = tpu.memref_slice %arg5[%add3A_81, %dma_start3A_83] : memref<24576x128xf32, #tpu.memory_space<hbm>> -> memref<768x128xf32, #tpu.memory_space<hbm>>
      %dma_start3A_85 = arith.constant 0 : i32
      %dma_start3A_86 = tpu.memref_slice %arg6[%mul3A_0, %dma_start3A_85] : memref<12288x128xf32, #tpu.memory_space<vmem_shared>> -> memref<768x128xf32, #tpu.memory_space<vmem_shared>>
      tpu.enqueue_dma source(%dma_start3A_86 : memref<768x128xf32, #tpu.memory_space<vmem_shared>>) target(%dma_start3A_84 : memref<768x128xf32, #tpu.memory_space<hbm>>) target_semaphore(%run_scoped3A_82 : memref<!tpu.dma_semaphore, #tpu.memory_space<semaphore_mem>>)
      %dma_wait3A = arith.constant 0 : i32
      %dma_wait3A_87 = tpu.memref_slice %arg5[%add3A_81, %dma_wait3A] : memref<24576x128xf32, #tpu.memory_space<hbm>> -> memref<768x128xf32, #tpu.memory_space<hbm>>
      %dma_wait3A_88 = arith.constant 0 : i32
      %dma_wait3A_89 = tpu.memref_slice %arg6[%mul3A_0, %dma_wait3A_88] : memref<12288x128xf32, #tpu.memory_space<vmem_shared>> -> memref<768x128xf32, #tpu.memory_space<vmem_shared>>
      tpu.wait_dma2 semaphore(%run_scoped3A_82 : memref<!tpu.dma_semaphore, #tpu.memory_space<semaphore_mem>>) src(%dma_wait3A_89 : memref<768x128xf32, #tpu.memory_space<vmem_shared>>) dst(%dma_wait3A_87 : memref<768x128xf32, #tpu.memory_space<hbm>>)
      tpu.yield
    }) : () -> ()
    return
  }
}

#map = affine_map<(d0, d1) -> (0, 0, 0)>
#map1 = affine_map<(d0, d1) -> (0, 0)>
module attributes {stable_mosaic.version = 14 : i64} {
  func.func @deg_kernel(%arg0: i32, %arg1: i32, %arg2: memref<2880x2x112xi32, #tpu.memory_space<hbm>>, %arg3: memref<24576x16xf32, #tpu.memory_space<hbm>>, %arg4: memref<12288x16xf32, #tpu.memory_space<vmem_shared>>, %arg5: memref<768x16xf32, #tpu.memory_space<vmem>>, %arg6: memref<112x16xf32, #tpu.memory_space<vmem>>, %arg7: memref<2x112xi32, #tpu.memory_space<vmem>>, %arg8: memref<!tpu.dma_semaphore, #tpu.memory_space<semaphore_mem>>) attributes {dimension_semantics = [#tpu.dimension_semantics<core_parallel>, #tpu.dimension_semantics<subcore_parallel>], iteration_bounds = array<i64: 2, 16>, scalar_prefetch = 0 : i64, scratch_operands = 5 : i64, tpu.core_type = #tpu.core_type<sc_vector_subcore>, window_params = [{transform_indices = #map}, {transform_indices = #map1}]} {
    %mul3A = arith.constant 2 : i32
    %mul3A_0 = arith.muli %arg1, %mul3A : i32
    %add3A = arith.addi %mul3A_0, %arg0 : i32
    %mul3A_1 = arith.constant 768 : i32
    %mul3A_2 = arith.muli %arg1, %mul3A_1 : i32
    %broadcast_in_dim3A = arith.constant 0.000000e+00 : f32
    %broadcast_in_dim3A_3 = vector.broadcast %broadcast_in_dim3A : f32 to vector<16xf32>
    %broadcast_in_dim3A_4 = arith.constant 1.000000e+00 : f32
    %broadcast_in_dim3A_5 = vector.broadcast %broadcast_in_dim3A_4 : f32 to vector<16xf32>
    %scan3A = arith.constant 0 : i32
    %scan3A_6 = arith.constant 768 : i32
    %scan3A_7 = arith.addi %scan3A, %scan3A_6 : i32
    %scan3A_8 = arith.constant 1 : i32
    scf.for %scan3A_42 = %scan3A to %scan3A_7 step %scan3A_8  : i32 {
      %swap3A = arith.index_cast %scan3A_42 : i32 to index
      %swap3A_43 = arith.constant 0 : index
      %swap3A_44 = tpu.vector_load %arg5[%swap3A, %swap3A_43] {strides = array<i32>} : memref<768x16xf32, #tpu.memory_space<vmem>>, vector<1x16xf32>,
      %swap3A_45 = vector.shape_cast %swap3A_44 : vector<1x16xf32> to vector<16xf32>
      %swap3A_46 = vector.shape_cast %broadcast_in_dim3A_3 : vector<16xf32> to vector<1x16xf32>
      tpu.vector_store %arg5[%swap3A, %swap3A_43], %swap3A_46 {strides = array<i32>} : memref<768x16xf32, #tpu.memory_space<vmem>>, vector<1x16xf32>,
    }
    %scan3A_9 = arith.constant 768 : i32
    %scan3A_10 = arith.constant 0 : i32
    %scan3A_11 = arith.constant 112 : i32
    %scan3A_12 = arith.addi %scan3A_10, %scan3A_11 : i32
    %scan3A_13 = arith.constant 1 : i32
    scf.for %scan3A_42 = %scan3A_10 to %scan3A_12 step %scan3A_13  : i32 {
      %swap3A = arith.index_cast %scan3A_42 : i32 to index
      %swap3A_43 = arith.constant 0 : index
      %swap3A_44 = tpu.vector_load %arg6[%swap3A, %swap3A_43] {strides = array<i32>} : memref<112x16xf32, #tpu.memory_space<vmem>>, vector<1x16xf32>,
      %swap3A_45 = vector.shape_cast %swap3A_44 : vector<1x16xf32> to vector<16xf32>
      %swap3A_46 = vector.shape_cast %broadcast_in_dim3A_5 : vector<16xf32> to vector<1x16xf32>
      tpu.vector_store %arg6[%swap3A, %swap3A_43], %swap3A_46 {strides = array<i32>} : memref<112x16xf32, #tpu.memory_space<vmem>>, vector<1x16xf32>,
    }
    %scan3A_14 = arith.constant 112 : i32
    "tpu.region"() ({
      %run_scoped3A_42 = tpu.sem_alloc : memref<!tpu.dma_semaphore, #tpu.memory_space<semaphore_mem>>
      %dma_start3A_43 = arith.constant 0 : i32
      %dma_start3A_44 = tpu.memref_slice %arg4[%mul3A_2, %dma_start3A_43] : memref<12288x16xf32, #tpu.memory_space<vmem_shared>> -> memref<768x16xf32, #tpu.memory_space<vmem_shared>>
      %dma_start3A_45 = arith.constant 0 : i32
      %dma_start3A_46 = tpu.memref_slice %arg4[%mul3A_2, %dma_start3A_45] : memref<12288x16xf32, #tpu.memory_space<vmem_shared>> -> memref<768x16xf32, #tpu.memory_space<vmem_shared>>
      tpu.enqueue_dma source(%arg5 : memref<768x16xf32, #tpu.memory_space<vmem>>) target(%dma_start3A_46 : memref<768x16xf32, #tpu.memory_space<vmem_shared>>) target_semaphore(%run_scoped3A_42 : memref<!tpu.dma_semaphore, #tpu.memory_space<semaphore_mem>>)
      %dma_wait3A = arith.constant 0 : i32
      %dma_wait3A_47 = tpu.memref_slice %arg4[%mul3A_2, %dma_wait3A] : memref<12288x16xf32, #tpu.memory_space<vmem_shared>> -> memref<768x16xf32, #tpu.memory_space<vmem_shared>>
      %dma_wait3A_48 = arith.constant 0 : i32
      %dma_wait3A_49 = tpu.memref_slice %arg4[%mul3A_2, %dma_wait3A_48] : memref<12288x16xf32, #tpu.memory_space<vmem_shared>> -> memref<768x16xf32, #tpu.memory_space<vmem_shared>>
      tpu.wait_dma2 semaphore(%run_scoped3A_42 : memref<!tpu.dma_semaphore, #tpu.memory_space<semaphore_mem>>) src(%arg5 : memref<768x16xf32, #tpu.memory_space<vmem>>) dst(%dma_wait3A_49 : memref<768x16xf32, #tpu.memory_space<vmem_shared>>)
      tpu.yield
    }) : () -> ()
    %barrier3A = arith.constant 0 : index
    tpu.barrier barrier_id(%barrier3A)
    %mul3A_15 = arith.constant 90 : i32
    %mul3A_16 = arith.muli %add3A, %mul3A_15 : i32
    %run_scoped3A = arith.constant 1 : i32
    %run_scoped3A_17 = arith.constant 0 : i32
    "tpu.region"() ({
      %run_scoped3A_42 = tpu.sem_alloc : memref<!tpu.dma_semaphore, #tpu.memory_space<semaphore_mem>>
      %dma_start3A_43 = arith.constant 0 : i32
      %dma_start3A_44 = tpu.memref_slice %arg7[%run_scoped3A_17, %dma_start3A_43] : memref<2x112xi32, #tpu.memory_space<vmem>> -> memref<1x112xi32, #tpu.memory_space<vmem>>
      %dma_start3A_45 = tpu.memref_squeeze %dma_start3A_44 : memref<1x112xi32, #tpu.memory_space<vmem>> -> memref<112xi32, #tpu.memory_space<vmem>>
      %dma_start3A_46 = arith.constant 0 : i32
      %dma_start3A_47 = tpu.memref_slice %arg2[%mul3A_16, %run_scoped3A, %dma_start3A_46] : memref<2880x2x112xi32, #tpu.memory_space<hbm>> -> memref<1x1x112xi32, #tpu.memory_space<hbm>>
      %dma_start3A_48 = tpu.memref_squeeze %dma_start3A_47 : memref<1x1x112xi32, #tpu.memory_space<hbm>> -> memref<112xi32, #tpu.memory_space<hbm>>
      %dma_start3A_49 = arith.constant 0 : i32
      %dma_start3A_50 = tpu.memref_slice %arg7[%run_scoped3A_17, %dma_start3A_49] : memref<2x112xi32, #tpu.memory_space<vmem>> -> memref<1x112xi32, #tpu.memory_space<vmem>>
      %dma_start3A_51 = tpu.memref_squeeze %dma_start3A_50 : memref<1x112xi32, #tpu.memory_space<vmem>> -> memref<112xi32, #tpu.memory_space<vmem>>
      %dma_start3A_52 = arith.constant 0 : i32
      %dma_start3A_53 = tpu.memref_slice %arg2[%mul3A_16, %run_scoped3A, %dma_start3A_52] : memref<2880x2x112xi32, #tpu.memory_space<hbm>> -> memref<1x1x112xi32, #tpu.memory_space<hbm>>
      %dma_start3A_54 = tpu.memref_squeeze %dma_start3A_53 : memref<1x1x112xi32, #tpu.memory_space<hbm>> -> memref<112xi32, #tpu.memory_space<hbm>>
      tpu.enqueue_dma source(%dma_start3A_54 : memref<112xi32, #tpu.memory_space<hbm>>) target(%dma_start3A_51 : memref<112xi32, #tpu.memory_space<vmem>>) target_semaphore(%run_scoped3A_42 : memref<!tpu.dma_semaphore, #tpu.memory_space<semaphore_mem>>)
      %dma_wait3A = arith.constant 0 : i32
      %dma_wait3A_55 = tpu.memref_slice %arg7[%run_scoped3A_17, %dma_wait3A] : memref<2x112xi32, #tpu.memory_space<vmem>> -> memref<1x112xi32, #tpu.memory_space<vmem>>
      %dma_wait3A_56 = tpu.memref_squeeze %dma_wait3A_55 : memref<1x112xi32, #tpu.memory_space<vmem>> -> memref<112xi32, #tpu.memory_space<vmem>>
      %dma_wait3A_57 = arith.constant 0 : i32
      %dma_wait3A_58 = tpu.memref_slice %arg2[%mul3A_16, %run_scoped3A, %dma_wait3A_57] : memref<2880x2x112xi32, #tpu.memory_space<hbm>> -> memref<1x1x112xi32, #tpu.memory_space<hbm>>
      %dma_wait3A_59 = tpu.memref_squeeze %dma_wait3A_58 : memref<1x1x112xi32, #tpu.memory_space<hbm>> -> memref<112xi32, #tpu.memory_space<hbm>>
      %dma_wait3A_60 = arith.constant 0 : i32
      %dma_wait3A_61 = tpu.memref_slice %arg7[%run_scoped3A_17, %dma_wait3A_60] : memref<2x112xi32, #tpu.memory_space<vmem>> -> memref<1x112xi32, #tpu.memory_space<vmem>>
      %dma_wait3A_62 = tpu.memref_squeeze %dma_wait3A_61 : memref<1x112xi32, #tpu.memory_space<vmem>> -> memref<112xi32, #tpu.memory_space<vmem>>
      %dma_wait3A_63 = arith.constant 0 : i32
      %dma_wait3A_64 = tpu.memref_slice %arg2[%mul3A_16, %run_scoped3A, %dma_wait3A_63] : memref<2880x2x112xi32, #tpu.memory_space<hbm>> -> memref<1x1x112xi32, #tpu.memory_space<hbm>>
      %dma_wait3A_65 = tpu.memref_squeeze %dma_wait3A_64 : memref<1x1x112xi32, #tpu.memory_space<hbm>> -> memref<112xi32, #tpu.memory_space<hbm>>
      tpu.wait_dma2 semaphore(%run_scoped3A_42 : memref<!tpu.dma_semaphore, #tpu.memory_space<semaphore_mem>>) src(%dma_wait3A_65 : memref<112xi32, #tpu.memory_space<hbm>>) dst(%dma_wait3A_62 : memref<112xi32, #tpu.memory_space<vmem>>)
      tpu.yield
    }) : () -> ()
    %add3A_18 = arith.constant 1 : i32
    %add3A_19 = arith.addi %mul3A_16, %add3A_18 : i32
    %dma_start3A = arith.constant 1 : i32
    %dma_start3A_20 = arith.constant 1 : i32
    %dma_start3A_21 = arith.constant 0 : i32
    %dma_start3A_22 = tpu.memref_slice %arg7[%dma_start3A_20, %dma_start3A_21] : memref<2x112xi32, #tpu.memory_space<vmem>> -> memref<1x112xi32, #tpu.memory_space<vmem>>
    %dma_start3A_23 = tpu.memref_squeeze %dma_start3A_22 : memref<1x112xi32, #tpu.memory_space<vmem>> -> memref<112xi32, #tpu.memory_space<vmem>>
    %dma_start3A_24 = arith.constant 0 : i32
    %dma_start3A_25 = tpu.memref_slice %arg2[%add3A_19, %dma_start3A, %dma_start3A_24] : memref<2880x2x112xi32, #tpu.memory_space<hbm>> -> memref<1x1x112xi32, #tpu.memory_space<hbm>>
    %dma_start3A_26 = tpu.memref_squeeze %dma_start3A_25 : memref<1x1x112xi32, #tpu.memory_space<hbm>> -> memref<112xi32, #tpu.memory_space<hbm>>
    %dma_start3A_27 = arith.constant 0 : i32
    %dma_start3A_28 = tpu.memref_slice %arg7[%dma_start3A_20, %dma_start3A_27] : memref<2x112xi32, #tpu.memory_space<vmem>> -> memref<1x112xi32, #tpu.memory_space<vmem>>
    %dma_start3A_29 = tpu.memref_squeeze %dma_start3A_28 : memref<1x112xi32, #tpu.memory_space<vmem>> -> memref<112xi32, #tpu.memory_space<vmem>>
    %dma_start3A_30 = arith.constant 0 : i32
    %dma_start3A_31 = tpu.memref_slice %arg2[%add3A_19, %dma_start3A, %dma_start3A_30] : memref<2880x2x112xi32, #tpu.memory_space<hbm>> -> memref<1x1x112xi32, #tpu.memory_space<hbm>>
    %dma_start3A_32 = tpu.memref_squeeze %dma_start3A_31 : memref<1x1x112xi32, #tpu.memory_space<hbm>> -> memref<112xi32, #tpu.memory_space<hbm>>
    tpu.enqueue_dma source(%dma_start3A_32 : memref<112xi32, #tpu.memory_space<hbm>>) target(%dma_start3A_29 : memref<112xi32, #tpu.memory_space<vmem>>) target_semaphore(%arg8 : memref<!tpu.dma_semaphore, #tpu.memory_space<semaphore_mem>>)
    %scan3A_33 = arith.constant 0 : i32
    %scan3A_34 = arith.constant 45 : i32
    %scan3A_35 = arith.addi %scan3A_33, %scan3A_34 : i32
    %scan3A_36 = arith.constant 1 : i32
    scf.for %scan3A_42 = %scan3A_33 to %scan3A_35 step %scan3A_36  : i32 {
      %mul3A_43 = arith.constant 2 : i32
      %mul3A_44 = arith.muli %scan3A_42, %mul3A_43 : i32
      %add3A_45 = arith.constant 0 : i32
      %add3A_46 = arith.addi %mul3A_44, %add3A_45 : i32
      %add3A_47 = arith.constant 1 : i32
      %add3A_48 = arith.addi %add3A_46, %add3A_47 : i32
      %lt3A = arith.constant 90 : i32
      %lt3A_49 = arith.cmpi slt, %add3A_48, %lt3A : i32
      %convert_element_type3A = arith.extui %lt3A_49 : i1 to i32
      %cond3A = arith.constant 0 : i32
      %cond3A_50 = arith.cmpi ne, %convert_element_type3A, %cond3A : i32
      scf.if %cond3A_50 {
        %dma_wait3A = arith.constant 1 : i32
        %dma_wait3A_78 = arith.constant 1 : i32
        %dma_wait3A_79 = arith.constant 0 : i32
        %dma_wait3A_80 = tpu.memref_slice %arg7[%dma_wait3A_78, %dma_wait3A_79] : memref<2x112xi32, #tpu.memory_space<vmem>> -> memref<1x112xi32, #tpu.memory_space<vmem>>
        %dma_wait3A_81 = tpu.memref_squeeze %dma_wait3A_80 : memref<1x112xi32, #tpu.memory_space<vmem>> -> memref<112xi32, #tpu.memory_space<vmem>>
        %dma_wait3A_82 = arith.constant 0 : i32
        %dma_wait3A_83 = tpu.memref_slice %arg2[%mul3A_16, %dma_wait3A, %dma_wait3A_82] : memref<2880x2x112xi32, #tpu.memory_space<hbm>> -> memref<1x1x112xi32, #tpu.memory_space<hbm>>
        %dma_wait3A_84 = tpu.memref_squeeze %dma_wait3A_83 : memref<1x1x112xi32, #tpu.memory_space<hbm>> -> memref<112xi32, #tpu.memory_space<hbm>>
        %dma_wait3A_85 = arith.constant 0 : i32
        %dma_wait3A_86 = tpu.memref_slice %arg7[%dma_wait3A_78, %dma_wait3A_85] : memref<2x112xi32, #tpu.memory_space<vmem>> -> memref<1x112xi32, #tpu.memory_space<vmem>>
        %dma_wait3A_87 = tpu.memref_squeeze %dma_wait3A_86 : memref<1x112xi32, #tpu.memory_space<vmem>> -> memref<112xi32, #tpu.memory_space<vmem>>
        %dma_wait3A_88 = arith.constant 0 : i32
        %dma_wait3A_89 = tpu.memref_slice %arg2[%mul3A_16, %dma_wait3A, %dma_wait3A_88] : memref<2880x2x112xi32, #tpu.memory_space<hbm>> -> memref<1x1x112xi32, #tpu.memory_space<hbm>>
        %dma_wait3A_90 = tpu.memref_squeeze %dma_wait3A_89 : memref<1x1x112xi32, #tpu.memory_space<hbm>> -> memref<112xi32, #tpu.memory_space<hbm>>
        tpu.wait_dma2 semaphore(%arg8 : memref<!tpu.dma_semaphore, #tpu.memory_space<semaphore_mem>>) src(%dma_wait3A_90 : memref<112xi32, #tpu.memory_space<hbm>>) dst(%dma_wait3A_87 : memref<112xi32, #tpu.memory_space<vmem>>)
      } else {
      }
      %run_scoped3A_51 = arith.constant 0 : i32
      "tpu.region"() ({
        %run_scoped3A_78 = tpu.sem_alloc : memref<!tpu.dma_semaphore, #tpu.memory_space<semaphore_mem>>
        %dma_start3A_79 = arith.constant 0 : i32
        %dma_start3A_80 = tpu.memref_slice %arg7[%run_scoped3A_51, %dma_start3A_79] : memref<2x112xi32, #tpu.memory_space<vmem>> -> memref<1x112xi32, #tpu.memory_space<vmem>>
        %dma_start3A_81 = tpu.memref_squeeze %dma_start3A_80 : memref<1x112xi32, #tpu.memory_space<vmem>> -> memref<112xi32, #tpu.memory_space<vmem>>
        %dma_start3A_82 = arith.constant 0 : i32
        %dma_start3A_83 = arith.constant 0 : i32
        %dma_start3A_84 = tpu.memref_slice %arg4[%dma_start3A_82, %dma_start3A_83] : memref<12288x16xf32, #tpu.memory_space<vmem_shared>> -> memref<12288x16xf32, #tpu.memory_space<vmem_shared>>
        tpu.enqueue_indirect_dma source(%arg6 : memref<112x16xf32, #tpu.memory_space<vmem>>) target(%dma_start3A_84 : memref<12288x16xf32, #tpu.memory_space<vmem_shared>>) offsets(%dma_start3A_81 : memref<112xi32, #tpu.memory_space<vmem>>) semaphore(%run_scoped3A_78 : memref<!tpu.dma_semaphore, #tpu.memory_space<semaphore_mem>>) {add = true}
        %dma_wait3A = arith.constant 0 : i32
        %dma_wait3A_85 = tpu.memref_slice %arg7[%run_scoped3A_51, %dma_wait3A] : memref<2x112xi32, #tpu.memory_space<vmem>> -> memref<1x112xi32, #tpu.memory_space<vmem>>
        %dma_wait3A_86 = tpu.memref_squeeze %dma_wait3A_85 : memref<1x112xi32, #tpu.memory_space<vmem>> -> memref<112xi32, #tpu.memory_space<vmem>>
        %dma_wait3A_87 = arith.constant 0 : i32
        %dma_wait3A_88 = arith.constant 0 : i32
        %dma_wait3A_89 = tpu.memref_slice %arg4[%dma_wait3A_87, %dma_wait3A_88] : memref<12288x16xf32, #tpu.memory_space<vmem_shared>> -> memref<12288x16xf32, #tpu.memory_space<vmem_shared>>
        tpu.wait_indirect_dma semaphore(%run_scoped3A_78 : memref<!tpu.dma_semaphore, #tpu.memory_space<semaphore_mem>>) src(%arg6 : memref<112x16xf32, #tpu.memory_space<vmem>>) dst(%dma_wait3A_89 : memref<12288x16xf32, #tpu.memory_space<vmem_shared>>)
        tpu.yield
      }) : () -> ()
      %add3A_52 = arith.constant 2 : i32
      %add3A_53 = arith.addi %add3A_46, %add3A_52 : i32
      %lt3A_54 = arith.constant 90 : i32
      %lt3A_55 = arith.cmpi slt, %add3A_53, %lt3A_54 : i32
      %convert_element_type3A_56 = arith.extui %lt3A_55 : i1 to i32
      %cond3A_57 = arith.constant 0 : i32
      %cond3A_58 = arith.cmpi ne, %convert_element_type3A_56, %cond3A_57 : i32
      scf.if %cond3A_58 {
        %add3A_78 = arith.addi %mul3A_16, %add3A_46 : i32
        %add3A_79 = arith.constant 2 : i32
        %add3A_80 = arith.addi %add3A_78, %add3A_79 : i32
        %dma_start3A_81 = arith.constant 1 : i32
        %dma_start3A_82 = arith.constant 0 : i32
        %dma_start3A_83 = arith.constant 0 : i32
        %dma_start3A_84 = tpu.memref_slice %arg7[%dma_start3A_82, %dma_start3A_83] : memref<2x112xi32, #tpu.memory_space<vmem>> -> memref<1x112xi32, #tpu.memory_space<vmem>>
        %dma_start3A_85 = tpu.memref_squeeze %dma_start3A_84 : memref<1x112xi32, #tpu.memory_space<vmem>> -> memref<112xi32, #tpu.memory_space<vmem>>
        %dma_start3A_86 = arith.constant 0 : i32
        %dma_start3A_87 = tpu.memref_slice %arg2[%add3A_80, %dma_start3A_81, %dma_start3A_86] : memref<2880x2x112xi32, #tpu.memory_space<hbm>> -> memref<1x1x112xi32, #tpu.memory_space<hbm>>
        %dma_start3A_88 = tpu.memref_squeeze %dma_start3A_87 : memref<1x1x112xi32, #tpu.memory_space<hbm>> -> memref<112xi32, #tpu.memory_space<hbm>>
        %dma_start3A_89 = arith.constant 0 : i32
        %dma_start3A_90 = tpu.memref_slice %arg7[%dma_start3A_82, %dma_start3A_89] : memref<2x112xi32, #tpu.memory_space<vmem>> -> memref<1x112xi32, #tpu.memory_space<vmem>>
        %dma_start3A_91 = tpu.memref_squeeze %dma_start3A_90 : memref<1x112xi32, #tpu.memory_space<vmem>> -> memref<112xi32, #tpu.memory_space<vmem>>
        %dma_start3A_92 = arith.constant 0 : i32
        %dma_start3A_93 = tpu.memref_slice %arg2[%add3A_80, %dma_start3A_81, %dma_start3A_92] : memref<2880x2x112xi32, #tpu.memory_space<hbm>> -> memref<1x1x112xi32, #tpu.memory_space<hbm>>
        %dma_start3A_94 = tpu.memref_squeeze %dma_start3A_93 : memref<1x1x112xi32, #tpu.memory_space<hbm>> -> memref<112xi32, #tpu.memory_space<hbm>>
        tpu.enqueue_dma source(%dma_start3A_94 : memref<112xi32, #tpu.memory_space<hbm>>) target(%dma_start3A_91 : memref<112xi32, #tpu.memory_space<vmem>>) target_semaphore(%arg8 : memref<!tpu.dma_semaphore, #tpu.memory_space<semaphore_mem>>)
      } else {
      }
      %mul3A_59 = arith.constant 2 : i32
      %mul3A_60 = arith.muli %scan3A_42, %mul3A_59 : i32
      %add3A_61 = arith.constant 1 : i32
      %add3A_62 = arith.addi %mul3A_60, %add3A_61 : i32
      %add3A_63 = arith.constant 1 : i32
      %add3A_64 = arith.addi %add3A_62, %add3A_63 : i32
      %lt3A_65 = arith.constant 90 : i32
      %lt3A_66 = arith.cmpi slt, %add3A_64, %lt3A_65 : i32
      %convert_element_type3A_67 = arith.extui %lt3A_66 : i1 to i32
      %cond3A_68 = arith.constant 0 : i32
      %cond3A_69 = arith.cmpi ne, %convert_element_type3A_67, %cond3A_68 : i32
      scf.if %cond3A_69 {
        %dma_wait3A = arith.constant 1 : i32
        %dma_wait3A_78 = arith.constant 0 : i32
        %dma_wait3A_79 = arith.constant 0 : i32
        %dma_wait3A_80 = tpu.memref_slice %arg7[%dma_wait3A_78, %dma_wait3A_79] : memref<2x112xi32, #tpu.memory_space<vmem>> -> memref<1x112xi32, #tpu.memory_space<vmem>>
        %dma_wait3A_81 = tpu.memref_squeeze %dma_wait3A_80 : memref<1x112xi32, #tpu.memory_space<vmem>> -> memref<112xi32, #tpu.memory_space<vmem>>
        %dma_wait3A_82 = arith.constant 0 : i32
        %dma_wait3A_83 = tpu.memref_slice %arg2[%mul3A_16, %dma_wait3A, %dma_wait3A_82] : memref<2880x2x112xi32, #tpu.memory_space<hbm>> -> memref<1x1x112xi32, #tpu.memory_space<hbm>>
        %dma_wait3A_84 = tpu.memref_squeeze %dma_wait3A_83 : memref<1x1x112xi32, #tpu.memory_space<hbm>> -> memref<112xi32, #tpu.memory_space<hbm>>
        %dma_wait3A_85 = arith.constant 0 : i32
        %dma_wait3A_86 = tpu.memref_slice %arg7[%dma_wait3A_78, %dma_wait3A_85] : memref<2x112xi32, #tpu.memory_space<vmem>> -> memref<1x112xi32, #tpu.memory_space<vmem>>
        %dma_wait3A_87 = tpu.memref_squeeze %dma_wait3A_86 : memref<1x112xi32, #tpu.memory_space<vmem>> -> memref<112xi32, #tpu.memory_space<vmem>>
        %dma_wait3A_88 = arith.constant 0 : i32
        %dma_wait3A_89 = tpu.memref_slice %arg2[%mul3A_16, %dma_wait3A, %dma_wait3A_88] : memref<2880x2x112xi32, #tpu.memory_space<hbm>> -> memref<1x1x112xi32, #tpu.memory_space<hbm>>
        %dma_wait3A_90 = tpu.memref_squeeze %dma_wait3A_89 : memref<1x1x112xi32, #tpu.memory_space<hbm>> -> memref<112xi32, #tpu.memory_space<hbm>>
        tpu.wait_dma2 semaphore(%arg8 : memref<!tpu.dma_semaphore, #tpu.memory_space<semaphore_mem>>) src(%dma_wait3A_90 : memref<112xi32, #tpu.memory_space<hbm>>) dst(%dma_wait3A_87 : memref<112xi32, #tpu.memory_space<vmem>>)
      } else {
      }
      %run_scoped3A_70 = arith.constant 1 : i32
      "tpu.region"() ({
        %run_scoped3A_78 = tpu.sem_alloc : memref<!tpu.dma_semaphore, #tpu.memory_space<semaphore_mem>>
        %dma_start3A_79 = arith.constant 0 : i32
        %dma_start3A_80 = tpu.memref_slice %arg7[%run_scoped3A_70, %dma_start3A_79] : memref<2x112xi32, #tpu.memory_space<vmem>> -> memref<1x112xi32, #tpu.memory_space<vmem>>
        %dma_start3A_81 = tpu.memref_squeeze %dma_start3A_80 : memref<1x112xi32, #tpu.memory_space<vmem>> -> memref<112xi32, #tpu.memory_space<vmem>>
        %dma_start3A_82 = arith.constant 0 : i32
        %dma_start3A_83 = arith.constant 0 : i32
        %dma_start3A_84 = tpu.memref_slice %arg4[%dma_start3A_82, %dma_start3A_83] : memref<12288x16xf32, #tpu.memory_space<vmem_shared>> -> memref<12288x16xf32, #tpu.memory_space<vmem_shared>>
        tpu.enqueue_indirect_dma source(%arg6 : memref<112x16xf32, #tpu.memory_space<vmem>>) target(%dma_start3A_84 : memref<12288x16xf32, #tpu.memory_space<vmem_shared>>) offsets(%dma_start3A_81 : memref<112xi32, #tpu.memory_space<vmem>>) semaphore(%run_scoped3A_78 : memref<!tpu.dma_semaphore, #tpu.memory_space<semaphore_mem>>) {add = true}
        %dma_wait3A = arith.constant 0 : i32
        %dma_wait3A_85 = tpu.memref_slice %arg7[%run_scoped3A_70, %dma_wait3A] : memref<2x112xi32, #tpu.memory_space<vmem>> -> memref<1x112xi32, #tpu.memory_space<vmem>>
        %dma_wait3A_86 = tpu.memref_squeeze %dma_wait3A_85 : memref<1x112xi32, #tpu.memory_space<vmem>> -> memref<112xi32, #tpu.memory_space<vmem>>
        %dma_wait3A_87 = arith.constant 0 : i32
        %dma_wait3A_88 = arith.constant 0 : i32
        %dma_wait3A_89 = tpu.memref_slice %arg4[%dma_wait3A_87, %dma_wait3A_88] : memref<12288x16xf32, #tpu.memory_space<vmem_shared>> -> memref<12288x16xf32, #tpu.memory_space<vmem_shared>>
        tpu.wait_indirect_dma semaphore(%run_scoped3A_78 : memref<!tpu.dma_semaphore, #tpu.memory_space<semaphore_mem>>) src(%arg6 : memref<112x16xf32, #tpu.memory_space<vmem>>) dst(%dma_wait3A_89 : memref<12288x16xf32, #tpu.memory_space<vmem_shared>>)
        tpu.yield
      }) : () -> ()
      %add3A_71 = arith.constant 2 : i32
      %add3A_72 = arith.addi %add3A_62, %add3A_71 : i32
      %lt3A_73 = arith.constant 90 : i32
      %lt3A_74 = arith.cmpi slt, %add3A_72, %lt3A_73 : i32
      %convert_element_type3A_75 = arith.extui %lt3A_74 : i1 to i32
      %cond3A_76 = arith.constant 0 : i32
      %cond3A_77 = arith.cmpi ne, %convert_element_type3A_75, %cond3A_76 : i32
      scf.if %cond3A_77 {
        %add3A_78 = arith.addi %mul3A_16, %add3A_62 : i32
        %add3A_79 = arith.constant 2 : i32
        %add3A_80 = arith.addi %add3A_78, %add3A_79 : i32
        %dma_start3A_81 = arith.constant 1 : i32
        %dma_start3A_82 = arith.constant 1 : i32
        %dma_start3A_83 = arith.constant 0 : i32
        %dma_start3A_84 = tpu.memref_slice %arg7[%dma_start3A_82, %dma_start3A_83] : memref<2x112xi32, #tpu.memory_space<vmem>> -> memref<1x112xi32, #tpu.memory_space<vmem>>
        %dma_start3A_85 = tpu.memref_squeeze %dma_start3A_84 : memref<1x112xi32, #tpu.memory_space<vmem>> -> memref<112xi32, #tpu.memory_space<vmem>>
        %dma_start3A_86 = arith.constant 0 : i32
        %dma_start3A_87 = tpu.memref_slice %arg2[%add3A_80, %dma_start3A_81, %dma_start3A_86] : memref<2880x2x112xi32, #tpu.memory_space<hbm>> -> memref<1x1x112xi32, #tpu.memory_space<hbm>>
        %dma_start3A_88 = tpu.memref_squeeze %dma_start3A_87 : memref<1x1x112xi32, #tpu.memory_space<hbm>> -> memref<112xi32, #tpu.memory_space<hbm>>
        %dma_start3A_89 = arith.constant 0 : i32
        %dma_start3A_90 = tpu.memref_slice %arg7[%dma_start3A_82, %dma_start3A_89] : memref<2x112xi32, #tpu.memory_space<vmem>> -> memref<1x112xi32, #tpu.memory_space<vmem>>
        %dma_start3A_91 = tpu.memref_squeeze %dma_start3A_90 : memref<1x112xi32, #tpu.memory_space<vmem>> -> memref<112xi32, #tpu.memory_space<vmem>>
        %dma_start3A_92 = arith.constant 0 : i32
        %dma_start3A_93 = tpu.memref_slice %arg2[%add3A_80, %dma_start3A_81, %dma_start3A_92] : memref<2880x2x112xi32, #tpu.memory_space<hbm>> -> memref<1x1x112xi32, #tpu.memory_space<hbm>>
        %dma_start3A_94 = tpu.memref_squeeze %dma_start3A_93 : memref<1x1x112xi32, #tpu.memory_space<hbm>> -> memref<112xi32, #tpu.memory_space<hbm>>
        tpu.enqueue_dma source(%dma_start3A_94 : memref<112xi32, #tpu.memory_space<hbm>>) target(%dma_start3A_91 : memref<112xi32, #tpu.memory_space<vmem>>) target_semaphore(%arg8 : memref<!tpu.dma_semaphore, #tpu.memory_space<semaphore_mem>>)
      } else {
      }
    }
    %scan3A_37 = arith.constant 45 : i32
    %barrier3A_38 = arith.constant 0 : index
    tpu.barrier barrier_id(%barrier3A_38)
    %mul3A_39 = arith.constant 12288 : i32
    %mul3A_40 = arith.muli %arg0, %mul3A_39 : i32
    %add3A_41 = arith.addi %mul3A_40, %mul3A_2 : i32
    "tpu.region"() ({
      %run_scoped3A_42 = tpu.sem_alloc : memref<!tpu.dma_semaphore, #tpu.memory_space<semaphore_mem>>
      %dma_start3A_43 = arith.constant 0 : i32
      %dma_start3A_44 = tpu.memref_slice %arg3[%add3A_41, %dma_start3A_43] : memref<24576x16xf32, #tpu.memory_space<hbm>> -> memref<768x16xf32, #tpu.memory_space<hbm>>
      %dma_start3A_45 = arith.constant 0 : i32
      %dma_start3A_46 = tpu.memref_slice %arg4[%mul3A_2, %dma_start3A_45] : memref<12288x16xf32, #tpu.memory_space<vmem_shared>> -> memref<768x16xf32, #tpu.memory_space<vmem_shared>>
      tpu.enqueue_dma source(%dma_start3A_46 : memref<768x16xf32, #tpu.memory_space<vmem_shared>>) target(%dma_start3A_44 : memref<768x16xf32, #tpu.memory_space<hbm>>) target_semaphore(%run_scoped3A_42 : memref<!tpu.dma_semaphore, #tpu.memory_space<semaphore_mem>>)
      %dma_wait3A = arith.constant 0 : i32
      %dma_wait3A_47 = tpu.memref_slice %arg3[%add3A_41, %dma_wait3A] : memref<24576x16xf32, #tpu.memory_space<hbm>> -> memref<768x16xf32, #tpu.memory_space<hbm>>
      %dma_wait3A_48 = arith.constant 0 : i32
      %dma_wait3A_49 = tpu.memref_slice %arg4[%mul3A_2, %dma_wait3A_48] : memref<12288x16xf32, #tpu.memory_space<vmem_shared>> -> memref<768x16xf32, #tpu.memory_space<vmem_shared>>
      tpu.wait_dma2 semaphore(%run_scoped3A_42 : memref<!tpu.dma_semaphore, #tpu.memory_space<semaphore_mem>>) src(%dma_wait3A_49 : memref<768x16xf32, #tpu.memory_space<vmem_shared>>) dst(%dma_wait3A_47 : memref<768x16xf32, #tpu.memory_space<hbm>>)
      tpu.yield
    }) : () -> ()
    return
  }
}

module attributes {stable_mosaic.version = 14 : i64} {
  func.func @body(%arg0: i32, %arg1: memref<256x128xf32, #tpu.memory_space<vmem>>, %arg2: memref<128x128xf32, #tpu.memory_space<vmem>>, %arg3: memref<256x128xf32, #tpu.memory_space<vmem>>) attributes {dimension_semantics = [#tpu.dimension_semantics<arbitrary>], iteration_bounds = array<i64: 48>, scalar_prefetch = 0 : i64, scratch_operands = 0 : i64, tpu.core_type = #tpu.core_type<tc>, window_params = [{transform_indices = @transform_0, window_bounds = array<i64: 256, 128>}, {pipeline_mode = #tpu.pipeline_mode<synchronous>, transform_indices = @transform_1, window_bounds = array<i64: 128, 128>}, {transform_indices = @transform_2, window_bounds = array<i64: 256, 128>}]} {
    %get3A = arith.constant 0 : index
    %get3A_0 = arith.constant 0 : index
    %get3A_1 = vector.load %arg1[%get3A, %get3A_0] : memref<256x128xf32, #tpu.memory_space<vmem>>, vector<256x128xf32>
    %get3A_2 = arith.constant 0 : index
    %get3A_3 = arith.constant 0 : index
    %get3A_4 = vector.load %arg2[%get3A_2, %get3A_3] : memref<128x128xf32, #tpu.memory_space<vmem>>, vector<128x128xf32>
    %dot_general3A = arith.constant dense<0.000000e+00> : vector<256x128xf32>
    %dot_general3A_5 = tpu.matmul %get3A_1, %get3A_4, %dot_general3A {dimension_numbers = #tpu.dot_dimension_numbers<[1], [0], [0], [1], [0, 0, 1, 1], [], []>, transpose_lhs_hint = false} : vector<256x128xf32>, vector<128x128xf32>, vector<256x128xf32> -> vector<256x128xf32>
    %swap3A = arith.constant 0 : index
    %swap3A_6 = arith.constant 0 : index
    %swap3A_7 = vector.load %arg3[%swap3A, %swap3A_6] : memref<256x128xf32, #tpu.memory_space<vmem>>, vector<256x128xf32>
    tpu.vector_store %arg3[%swap3A, %swap3A_6], %dot_general3A_5 {strides = array<i32>} : memref<256x128xf32, #tpu.memory_space<vmem>>, vector<256x128xf32>,
    return
  }
  func.func @transform_0(%arg0: i32) -> (i32, i32) {
    %c0_i32 = arith.constant 0 : i32
    %c0_i32_0 = arith.constant 0 : i32
    return %arg0, %c0_i32 : i32, i32
  }
  func.func @transform_1(%arg0: i32) -> (i32, i32) {
    %c0_i32 = arith.constant 0 : i32
    %c0_i32_0 = arith.constant 0 : i32
    %c0_i32_1 = arith.constant 0 : i32
    return %c0_i32, %c0_i32_0 : i32, i32
  }
  func.func @transform_2(%arg0: i32) -> (i32, i32) {
    %c0_i32 = arith.constant 0 : i32
    %c0_i32_0 = arith.constant 0 : i32
    return %arg0, %c0_i32 : i32, i32
  }
}

module attributes {stable_mosaic.version = 14 : i64} {
  func.func @body(%arg0: i32, %arg1: memref<2x256x16xf32, #tpu.memory_space<vmem>>, %arg2: memref<256x128xf32, #tpu.memory_space<vmem>>, %arg3: memref<256x128xf32, #tpu.memory_space<vmem>>, %arg4: memref<256x128xf32, #tpu.memory_space<vmem>>) attributes {dimension_semantics = [#tpu.dimension_semantics<arbitrary>], iteration_bounds = array<i64: 48>, scalar_prefetch = 0 : i64, scratch_operands = 0 : i64, tpu.core_type = #tpu.core_type<tc>, window_params = [{transform_indices = @transform_0, window_bounds = array<i64: 2, 256, 16>}, {transform_indices = @transform_1, window_bounds = array<i64: 256, 128>}, {transform_indices = @transform_2, window_bounds = array<i64: 256, 128>}, {transform_indices = @transform_3, window_bounds = array<i64: 256, 128>}]} {
    %get3A = arith.constant 0 : index
    %get3A_0 = arith.constant 0 : index
    %get3A_1 = arith.constant 0 : index
    %get3A_2 = vector.load %arg1[%get3A, %get3A_0, %get3A_1] : memref<2x256x16xf32, #tpu.memory_space<vmem>>, vector<1x256x1xf32>
    %get3A_3 = vector.shape_cast %get3A_2 : vector<1x256x1xf32> to vector<256x1xf32>
    %get3A_4 = arith.constant 1 : index
    %get3A_5 = arith.constant 0 : index
    %get3A_6 = arith.constant 0 : index
    %get3A_7 = vector.load %arg1[%get3A_4, %get3A_5, %get3A_6] : memref<2x256x16xf32, #tpu.memory_space<vmem>>, vector<1x256x1xf32>
    %get3A_8 = vector.shape_cast %get3A_7 : vector<1x256x1xf32> to vector<256x1xf32>
    %add3A = arith.addf %get3A_3, %get3A_8 : vector<256x1xf32>
    %add3A_9 = arith.constant 1.000000e+00 : f32
    %add3A_10 = vector.broadcast %add3A_9 : f32 to vector<256x1xf32>
    %add3A_11 = arith.addf %add3A, %add3A_10 : vector<256x1xf32>
    %rsqrt3A = math.rsqrt %add3A_11 : vector<256x1xf32>
    %get3A_12 = arith.constant 0 : index
    %get3A_13 = arith.constant 0 : index
    %get3A_14 = vector.load %arg2[%get3A_12, %get3A_13] : memref<256x128xf32, #tpu.memory_space<vmem>>, vector<256x128xf32>
    %mul3A = vector.broadcast %rsqrt3A : vector<256x1xf32> to vector<256x128xf32>
    %mul3A_15 = arith.mulf %get3A_14, %mul3A : vector<256x128xf32>
    %swap3A = arith.constant 0 : index
    %swap3A_16 = arith.constant 0 : index
    %swap3A_17 = vector.load %arg3[%swap3A, %swap3A_16] : memref<256x128xf32, #tpu.memory_space<vmem>>, vector<256x128xf32>
    tpu.vector_store %arg3[%swap3A, %swap3A_16], %mul3A_15 {strides = array<i32>} : memref<256x128xf32, #tpu.memory_space<vmem>>, vector<256x128xf32>,
    %broadcast_in_dim3A = vector.shape_cast %rsqrt3A : vector<256x1xf32> to vector<256x1xf32>
    %broadcast_in_dim3A_18 = vector.broadcast %broadcast_in_dim3A : vector<256x1xf32> to vector<256x128xf32>
    %swap3A_19 = arith.constant 0 : index
    %swap3A_20 = arith.constant 0 : index
    %swap3A_21 = vector.load %arg4[%swap3A_19, %swap3A_20] : memref<256x128xf32, #tpu.memory_space<vmem>>, vector<256x128xf32>
    tpu.vector_store %arg4[%swap3A_19, %swap3A_20], %broadcast_in_dim3A_18 {strides = array<i32>} : memref<256x128xf32, #tpu.memory_space<vmem>>, vector<256x128xf32>,
    return
  }
  func.func @transform_0(%arg0: i32) -> (i32, i32, i32) {
    %c0_i32 = arith.constant 0 : i32
    %c0_i32_0 = arith.constant 0 : i32
    %c0_i32_1 = arith.constant 0 : i32
    return %c0_i32, %arg0, %c0_i32_0 : i32, i32, i32
  }
  func.func @transform_1(%arg0: i32) -> (i32, i32) {
    %c0_i32 = arith.constant 0 : i32
    %c0_i32_0 = arith.constant 0 : i32
    return %arg0, %c0_i32 : i32, i32
  }
  func.func @transform_2(%arg0: i32) -> (i32, i32) {
    %c0_i32 = arith.constant 0 : i32
    %c0_i32_0 = arith.constant 0 : i32
    return %arg0, %c0_i32 : i32, i32
  }
  func.func @transform_3(%arg0: i32) -> (i32, i32) {
    %c0_i32 = arith.constant 0 : i32
    %c0_i32_0 = arith.constant 0 : i32
    return %arg0, %c0_i32 : i32, i32
  }
}

module attributes {stable_mosaic.version = 14 : i64} {
  func.func @body(%arg0: i32, %arg1: memref<256x128xf32, #tpu.memory_space<vmem>>, %arg2: memref<256x128xf32, #tpu.memory_space<vmem>>, %arg3: memref<256x128xf32, #tpu.memory_space<vmem>>, %arg4: memref<1x128xf32, #tpu.memory_space<vmem>>, %arg5: memref<128x128xf32, #tpu.memory_space<vmem>>, %arg6: memref<256x128xf32, #tpu.memory_space<vmem>>) attributes {dimension_semantics = [#tpu.dimension_semantics<arbitrary>], iteration_bounds = array<i64: 48>, scalar_prefetch = 0 : i64, scratch_operands = 0 : i64, tpu.core_type = #tpu.core_type<tc>, window_params = [{transform_indices = @transform_0, window_bounds = array<i64: 256, 128>}, {transform_indices = @transform_1, window_bounds = array<i64: 256, 128>}, {transform_indices = @transform_2, window_bounds = array<i64: 256, 128>}, {pipeline_mode = #tpu.pipeline_mode<synchronous>, transform_indices = @transform_3, window_bounds = array<i64: 1, 128>}, {pipeline_mode = #tpu.pipeline_mode<synchronous>, transform_indices = @transform_4, window_bounds = array<i64: 128, 128>}, {transform_indices = @transform_5, window_bounds = array<i64: 256, 128>}]} {
    %get3A = arith.constant 0 : index
    %get3A_0 = arith.constant 0 : index
    %get3A_1 = vector.load %arg3[%get3A, %get3A_0] : memref<256x128xf32, #tpu.memory_space<vmem>>, vector<256x128xf32>
    %get3A_2 = arith.constant 0 : index
    %get3A_3 = arith.constant 0 : index
    %get3A_4 = vector.load %arg1[%get3A_2, %get3A_3] : memref<256x128xf32, #tpu.memory_space<vmem>>, vector<256x128xf32>
    %get3A_5 = arith.constant 0 : index
    %get3A_6 = arith.constant 0 : index
    %get3A_7 = vector.load %arg2[%get3A_5, %get3A_6] : memref<256x128xf32, #tpu.memory_space<vmem>>, vector<256x128xf32>
    %add3A = arith.addf %get3A_4, %get3A_7 : vector<256x128xf32>
    %mul3A = arith.mulf %add3A, %get3A_1 : vector<256x128xf32>
    %get3A_8 = arith.constant 0 : index
    %get3A_9 = arith.constant 0 : index
    %get3A_10 = vector.load %arg4[%get3A_8, %get3A_9] : memref<1x128xf32, #tpu.memory_space<vmem>>, vector<1x128xf32>
    %add3A_11 = vector.broadcast %get3A_10 : vector<1x128xf32> to vector<256x128xf32>
    %add3A_12 = arith.addf %mul3A, %add3A_11 : vector<256x128xf32>
    %max3A = arith.constant 0.000000e+00 : f32
    %max3A_13 = vector.broadcast %max3A : f32 to vector<256x128xf32>
    %max3A_14 = arith.maximumf %add3A_12, %max3A_13 : vector<256x128xf32>
    %get3A_15 = arith.constant 0 : index
    %get3A_16 = arith.constant 0 : index
    %get3A_17 = vector.load %arg5[%get3A_15, %get3A_16] : memref<128x128xf32, #tpu.memory_space<vmem>>, vector<128x128xf32>
    %dot_general3A = arith.constant dense<0.000000e+00> : vector<256x128xf32>
    %dot_general3A_18 = tpu.matmul %max3A_14, %get3A_17, %dot_general3A {dimension_numbers = #tpu.dot_dimension_numbers<[1], [0], [0], [1], [0, 0, 1, 1], [], []>, transpose_lhs_hint = false} : vector<256x128xf32>, vector<128x128xf32>, vector<256x128xf32> -> vector<256x128xf32>
    %mul3A_19 = arith.mulf %dot_general3A_18, %get3A_1 : vector<256x128xf32>
    %swap3A = arith.constant 0 : index
    %swap3A_20 = arith.constant 0 : index
    %swap3A_21 = vector.load %arg6[%swap3A, %swap3A_20] : memref<256x128xf32, #tpu.memory_space<vmem>>, vector<256x128xf32>
    tpu.vector_store %arg6[%swap3A, %swap3A_20], %mul3A_19 {strides = array<i32>} : memref<256x128xf32, #tpu.memory_space<vmem>>, vector<256x128xf32>,
    return
  }
  func.func @transform_0(%arg0: i32) -> (i32, i32) {
    %c0_i32 = arith.constant 0 : i32
    %c0_i32_0 = arith.constant 0 : i32
    return %arg0, %c0_i32 : i32, i32
  }
  func.func @transform_1(%arg0: i32) -> (i32, i32) {
    %add3A = arith.constant 48 : i32
    %add3A_0 = arith.addi %arg0, %add3A : i32
    %c0_i32 = arith.constant 0 : i32
    %c0_i32_1 = arith.constant 0 : i32
    return %add3A_0, %c0_i32 : i32, i32
  }
  func.func @transform_2(%arg0: i32) -> (i32, i32) {
    %c0_i32 = arith.constant 0 : i32
    %c0_i32_0 = arith.constant 0 : i32
    return %arg0, %c0_i32 : i32, i32
  }
  func.func @transform_3(%arg0: i32) -> (i32, i32) {
    %c0_i32 = arith.constant 0 : i32
    %c0_i32_0 = arith.constant 0 : i32
    %c0_i32_1 = arith.constant 0 : i32
    return %c0_i32, %c0_i32_0 : i32, i32
  }
  func.func @transform_4(%arg0: i32) -> (i32, i32) {
    %c0_i32 = arith.constant 0 : i32
    %c0_i32_0 = arith.constant 0 : i32
    %c0_i32_1 = arith.constant 0 : i32
    return %c0_i32, %c0_i32_0 : i32, i32
  }
  func.func @transform_5(%arg0: i32) -> (i32, i32) {
    %c0_i32 = arith.constant 0 : i32
    %c0_i32_0 = arith.constant 0 : i32
    return %arg0, %c0_i32 : i32, i32
  }
}

module attributes {stable_mosaic.version = 14 : i64} {
  func.func @body(%arg0: i32, %arg1: memref<400x128xf32, #tpu.memory_space<vmem>>, %arg2: memref<400x128xf32, #tpu.memory_space<vmem>>, %arg3: memref<400x128xf32, #tpu.memory_space<vmem>>, %arg4: memref<1x128xf32, #tpu.memory_space<vmem>>, %arg5: memref<400x128xf32, #tpu.memory_space<vmem>>) attributes {dimension_semantics = [#tpu.dimension_semantics<arbitrary>], iteration_bounds = array<i64: 25>, scalar_prefetch = 0 : i64, scratch_operands = 0 : i64, tpu.core_type = #tpu.core_type<tc>, window_params = [{transform_indices = @transform_0, window_bounds = array<i64: 400, 128>}, {transform_indices = @transform_1, window_bounds = array<i64: 400, 128>}, {transform_indices = @transform_2, window_bounds = array<i64: 400, 128>}, {pipeline_mode = #tpu.pipeline_mode<synchronous>, transform_indices = @transform_3, window_bounds = array<i64: 1, 128>}, {transform_indices = @transform_4, window_bounds = array<i64: 400, 128>}]} {
    %get3A = arith.constant 0 : index
    %get3A_0 = arith.constant 0 : index
    %get3A_1 = vector.load %arg1[%get3A, %get3A_0] : memref<400x128xf32, #tpu.memory_space<vmem>>, vector<400x128xf32>
    %get3A_2 = arith.constant 0 : index
    %get3A_3 = arith.constant 0 : index
    %get3A_4 = vector.load %arg2[%get3A_2, %get3A_3] : memref<400x128xf32, #tpu.memory_space<vmem>>, vector<400x128xf32>
    %add3A = arith.addf %get3A_1, %get3A_4 : vector<400x128xf32>
    %get3A_5 = arith.constant 0 : index
    %get3A_6 = arith.constant 0 : index
    %get3A_7 = vector.load %arg3[%get3A_5, %get3A_6] : memref<400x128xf32, #tpu.memory_space<vmem>>, vector<400x128xf32>
    %mul3A = arith.mulf %add3A, %get3A_7 : vector<400x128xf32>
    %get3A_8 = arith.constant 0 : index
    %get3A_9 = arith.constant 0 : index
    %get3A_10 = vector.load %arg4[%get3A_8, %get3A_9] : memref<1x128xf32, #tpu.memory_space<vmem>>, vector<1x128xf32>
    %add3A_11 = vector.broadcast %get3A_10 : vector<1x128xf32> to vector<400x128xf32>
    %add3A_12 = arith.addf %mul3A, %add3A_11 : vector<400x128xf32>
    %reduce_max3A = arith.constant dense<0xFF800000> : vector<400xf32>
    %reduce_max3A_13 = vector.multi_reduction <maximumf>, %add3A_12, %reduce_max3A [1] : vector<400x128xf32> to vector<400xf32>
    %broadcast_in_dim3A = vector.shape_cast %reduce_max3A_13 : vector<400xf32> to vector<400x1xf32>
    %sub3A = vector.broadcast %broadcast_in_dim3A : vector<400x1xf32> to vector<400x128xf32>
    %sub3A_14 = arith.subf %add3A_12, %sub3A : vector<400x128xf32>
    %exp3A = math.exp %sub3A_14 : vector<400x128xf32>
    %reduce_sum3A = arith.constant dense<0.000000e+00> : vector<400xf32>
    %reduce_sum3A_15 = vector.multi_reduction <add>, %exp3A, %reduce_sum3A [1] : vector<400x128xf32> to vector<400xf32>
    %broadcast_in_dim3A_16 = vector.shape_cast %reduce_sum3A_15 : vector<400xf32> to vector<400x1xf32>
    %sub3A_17 = vector.broadcast %broadcast_in_dim3A : vector<400x1xf32> to vector<400x128xf32>
    %sub3A_18 = arith.subf %add3A_12, %sub3A_17 : vector<400x128xf32>
    %log3A = math.log %broadcast_in_dim3A_16 : vector<400x1xf32>
    %sub3A_19 = vector.broadcast %log3A : vector<400x1xf32> to vector<400x128xf32>
    %sub3A_20 = arith.subf %sub3A_18, %sub3A_19 : vector<400x128xf32>
    %swap3A = arith.constant 0 : index
    %swap3A_21 = arith.constant 0 : index
    %swap3A_22 = vector.load %arg5[%swap3A, %swap3A_21] : memref<400x128xf32, #tpu.memory_space<vmem>>, vector<400x128xf32>
    tpu.vector_store %arg5[%swap3A, %swap3A_21], %sub3A_20 {strides = array<i32>} : memref<400x128xf32, #tpu.memory_space<vmem>>, vector<400x128xf32>,
    return
  }
  func.func @transform_0(%arg0: i32) -> (i32, i32) {
    %c0_i32 = arith.constant 0 : i32
    %c0_i32_0 = arith.constant 0 : i32
    return %arg0, %c0_i32 : i32, i32
  }
  func.func @transform_1(%arg0: i32) -> (i32, i32) {
    %add3A = arith.constant 30 : i32
    %add3A_0 = arith.addi %arg0, %add3A : i32
    %c0_i32 = arith.constant 0 : i32
    %c0_i32_1 = arith.constant 0 : i32
    return %add3A_0, %c0_i32 : i32, i32
  }
  func.func @transform_2(%arg0: i32) -> (i32, i32) {
    %c0_i32 = arith.constant 0 : i32
    %c0_i32_0 = arith.constant 0 : i32
    return %arg0, %c0_i32 : i32, i32
  }
  func.func @transform_3(%arg0: i32) -> (i32, i32) {
    %c0_i32 = arith.constant 0 : i32
    %c0_i32_0 = arith.constant 0 : i32
    %c0_i32_1 = arith.constant 0 : i32
    return %c0_i32, %c0_i32_0 : i32, i32
  }
  func.func @transform_4(%arg0: i32) -> (i32, i32) {
    %c0_i32 = arith.constant 0 : i32
    %c0_i32_0 = arith.constant 0 : i32
    return %arg0, %c0_i32 : i32, i32
  }
}

</mosaic_0001>

<sc_bundles>
// kernel: kernel.12.cloned.1.call-start
scs
__scs_entry_jumppad:
0x0: {  	(pc) =	sbr.rel $0x88, $3  }
0x1: {  	(tag) =	ssettag $0x0;
	lr =	simm.s32 $0x1  }
0x2: {  	[smem:$0x3F9B] =	sst lr;
	_ =	strace $0xD0000000  }
0x3: {  	_ = 	snop  }
0x4: {  	_ = 	snop  }
0x5: {  	_ = 	snop  }
0x6: {  	_ = 	snop  }
0x7: {  	_ = 	snop  }
__scs_overlays_trampoline_lowered:
0x8: {  	[smem:$0x3FAA] =	sst s0  }
0x9: {  	[smem:$0x3FAB] =	sst s1  }
0xa: {  	[smem:$0x3FAC] =	sst s2  }
0xb: {  	[smem:$0x3FAD] =	sst s3  }
0xc: {  	[smem:$0x3FAE] =	sst s4  }
0xd: {  	[smem:$0x3FAF] =	sst s5  }
0xe: {  	[smem:$0x3FB0] =	sst s6  }
0xf: {  	[smem:$0x3FB1] =	sst s7  }
0x10: {  	[smem:$0x3FB2] =	sst s8  }
0x11: {  	[smem:$0x3FB3] =	sst s9;
	s0 =	simm.s32 @!p0 $0x0  }
0x12: {  	s1 =	sld [smem:$0x3F99];
	s0 =	simm.s32 @p0 $0x1  }
0x13: {  	[smem:$0x3FB4] =	sst s0;
	s0 =	simm.s32 @!p1 $0x0  }
0x14: {  	s2 =	sld [smem:$0x3F98];
	s0 =	simm.s32 @p1 $0x1  }
0x15: {  	[smem:$0x3FB5] =	sst s0;
	s0 =	simm.s32 @!p2 $0x0  }
0x16: {  	s3 =	sld [smem:$0x3FDB];
	s0 =	simm.s32 @p2 $0x1  }
0x17: {  	s4 =	simm.s32 $0x1BF5;
	[smem:$0x3FB7] =	sst s0  }
0x18: {  	s0 =	sld [smem:$0x3F9A];
	_ =	swait.ge [sflag:s4], $0x0  }
0x19: {  	s7 =	sld [smem:$0x3F9B]  }
0x1a: {  	s8 =	sadd.s32 $0xFFFFE003, lr  }
0x1b: {  	s9 =	sadd.s32 $0xFFFFFEF7, lr;
	s5 =	simm.s32 $0xFFFFFFFF;
	p2 =	slt.u32 s8, $0xFFFFF086  }
0x1c: {  	p1 =	slt.u32 s9, $0xF7A;
	s5 =	simm.s32 @!p2 $0x0  }
0x1d: {  	s5 =	simm.s32 @p1 $0x1;
	p0 =	seq.s32 s7, s2  }
0x1e: {  	s7 =	smul.u32 @!p0 $0xF7A, s2;
	p2 =	seq.s32 @!p0 s5, $0x0  }
0x1f: {  	s9 =	smul.u32 $0xF7A, s1;
	s8 =	simm.s32 @!p0 $0x1BF5;
	p2 =	por !p2, p0  }
0x20: {  	[sflag:s8] =	ssyncset.s32 @!p0 $0xFFFFF086;
	s6 =	sadd.s32 @!p0 s3, s7;
	s7 =	simm.s32 @!p0 $0x108  }
0x21: {  	s3 =	sadd.s32 s3, s9;
	s6 =	sadd.s32 @!p0 $0x88, s6;
	s7 =	simm.s32 @p2 $0x1082  }
0x22: {  	[simem:s7], [sflag:s8] =	dma.local @!p0 [hbm:s6], $0xF7A  }
0x23: {  	s9 =	sor.u32 $0xD0000000, s2;
	s6 =	simm.s32 $0x108;
	_ =	swait.ge @!p0 [sflag:s8], $0x0  }
0x24: {  	s3 =	sadd.s32 $0x88, s3;
	s6 =	simm.s32 @!p1 $0x1082;
	[sflag:s4] =	ssyncset.s32 $0xFFFFF086  }
0x25: {  	[simem:s6], [sflag:s4] =	dma.local [hbm:s3], $0xF7A  }
0x26: {  	[smem:$0x3F9B] =	sst s1;
	(tag) =	ssettag s2;
	_ =	strace s9  }
0x27: {  	s1 =	sld [smem:$0x3FAB]  }
0x28: {  	s2 =	sld [smem:$0x3FAC]  }
0x29: {  	s4 =	sld [smem:$0x3FAE]  }
0x2a: {  	p0 =	seq.s32 s5, $0x0;
	s5 =	sld [smem:$0x3FAF]  }
0x2b: {  	s6 =	sld [smem:$0x3FB0]  }
0x2c: {  	s7 =	sld [smem:$0x3FB1]  }
0x2d: {  	s3 =	simm.s32 $0x108;
	s8 =	sld [smem:$0x3FB2]  }
0x2e: {  	s3 =	simm.s32 @!p0 $0x1082;
	s9 =	sld [smem:$0x3FB3]  }
0x2f: {  	lr =	sadd.s32 s0, s3;
	s0 =	sld [smem:$0x3FAA]  }
0x30: {  	s3 =	sld [smem:$0x3FAD]  }
0x31: {  	[smem:$0x3FB6] =	sst s10  }
0x32: {  	s10 =	sld [smem:$0x3FB4];
	_ =	sdelay $0x3  }
0x33: {  	p0 =	seq.s32 s10, $0x1;
	s10 =	sld [smem:$0x3FB6];
	_ =	sdelay $0x3  }
0x34: {  	[smem:$0x3FB6] =	sst s10  }
0x35: {  	s10 =	sld [smem:$0x3FB5];
	_ =	sdelay $0x3  }
0x36: {  	p1 =	seq.s32 s10, $0x1;
	s10 =	sld [smem:$0x3FB6];
	_ =	sdelay $0x3  }
0x37: {  	[smem:$0x3FB6] =	sst s10  }
0x38: {  	s10 =	sld [smem:$0x3FB7]  }
0x39: {  	_ = 	snop;
	(pc) =	sbr.ind lr, $3  }
0x3a: {  	_ = 	snop  }
0x3b: {  	_ = 	snop  }
0x3c: {  	p2 =	seq.s32 s10, $0x1;
	s10 =	sld [smem:$0x3FB6]  }
0x3d: {  	_ =	shalt  }
0x3e: {  	_ =	shalt  }
0x3f: {  	_ =	shalt  }
0x40: {  	_ =	shalt  }
0x41: {  	_ =	shalt  }
0x42: {  	_ =	shalt  }
0x43: {  	_ =	shalt  }
0x44: {  	_ =	shalt  }
0x45: {  	_ =	shalt  }
0x46: {  	_ =	shalt  }
0x47: {  	_ =	shalt  }
0x48: {  	_ =	shalt  }
0x49: {  	_ =	shalt  }
0x4a: {  	_ =	shalt  }
0x4b: {  	_ =	shalt  }
0x4c: {  	_ =	shalt  }
0x4d: {  	_ =	shalt  }
0x4e: {  	_ =	shalt  }
0x4f: {  	_ =	shalt  }
0x50: {  	_ =	shalt  }
0x51: {  	_ =	shalt  }
0x52: {  	_ =	shalt  }
0x53: {  	_ =	shalt  }
0x54: {  	_ =	shalt  }
0x55: {  	_ =	shalt  }
0x56: {  	_ =	shalt  }
0x57: {  	_ =	shalt  }
0x58: {  	_ =	shalt  }
0x59: {  	_ =	shalt  }
0x5a: {  	_ =	shalt  }
0x5b: {  	_ =	shalt  }
0x5c: {  	_ =	shalt  }
0x5d: {  	_ =	shalt  }
0x5e: {  	_ =	shalt  }
0x5f: {  	_ =	shalt  }
0x60: {  	_ =	shalt  }
0x61: {  	_ =	shalt  }
0x62: {  	_ =	shalt  }
0x63: {  	_ =	shalt  }
0x64: {  	_ =	shalt  }
0x65: {  	_ =	shalt  }
0x66: {  	_ =	shalt  }
0x67: {  	_ =	shalt  }
0x68: {  	_ =	shalt  }
0x69: {  	_ =	shalt  }
0x6a: {  	_ =	shalt  }
0x6b: {  	_ =	shalt  }
0x6c: {  	_ =	shalt  }
0x6d: {  	_ =	shalt  }
0x6e: {  	_ =	shalt  }
0x6f: {  	_ =	shalt  }
0x70: {  	_ =	shalt  }
0x71: {  	_ =	shalt  }
0x72: {  	_ =	shalt  }
0x73: {  	_ =	shalt  }
0x74: {  	_ =	shalt  }
0x75: {  	_ =	shalt  }
0x76: {  	_ =	shalt  }
0x77: {  	_ =	shalt  }
0x78: {  	_ =	shalt  }
0x79: {  	_ =	shalt  }
0x7a: {  	_ =	shalt  }
0x7b: {  	_ =	shalt  }
0x7c: {  	_ =	shalt  }
0x7d: {  	_ =	shalt  }
0x7e: {  	_ =	shalt  }
0x7f: {  	_ =	shalt  }
0x80: {  	_ =	shalt  }
0x81: {  	_ =	shalt  }
0x82: {  	_ =	shalt  }
0x83: {  	_ =	shalt  }
0x84: {  	_ =	shalt  }
0x85: {  	_ =	shalt  }
0x86: {  	_ =	shalt  }
0x87: {  	_ =	shalt  }
.Lfunc_end0:
.L_simem_size_0:
called_computation.1_lowered:
.L_overlay_start_0:
0x88: {  	s2 =	sld [smem:$0x3FD9]  }
0x89: {  	s3 =	sld [smem:$0x3FFE];
	_ =	sdelay $0x1  }
0x8a: {  	s1 =	srdreg.scid  }
0x8b: {  	s0 =	sand.u32 $0x1, s1  }
0x8c: {  	s17 =	sshll.u32 s0, $0xA;
	s2 =	sadd.s32 s3, s2  }
0x8d: {  	s2 =	sadd.s32 s2, s17  }
0x8e: {  	[smem:$0x3FC2] =	sst s2  }
0x8f: {  	_ = 	snop  }
0x90: {  	s2 =	sld [smem:$0x3FD0];
	(tm) =	ssettm $0x1  }
0x91: {  	s18 =	sld [smem:$0x3FFB];
	_ =	sdelay $0x3  }
0x92: {  	_ =	strace s18  }
0x93: {  	s3 =	sld [smem:$0x3FFC];
	_ =	sdelay $0x3  }
0x94: {  	_ =	strace s3  }
0x95: {  	s3 =	sld [smem:$0x3FFD];
	_ =	sdelay $0x3  }
0x96: {  	_ =	strace s3  }
0x97: {  	_ =	strace $0x8FFFFFFF  }
0x98: {  	s19 =	sld [smem:$0x3FDB];
	_ =	sdelay $0x1  }
0x99: {  	s4 =	simm.s32 $_scs_section_size  }
0x9a: {  	s5 =	simm.s32 $_size__tile_overlayer_lowered;
	s6 =	simm.s32 $_tile_overlayer_lowered  }
0x9b: {  	s22 =	simm.s32 $0x1BFF;
	s21 =	sshll.u32 s6, $0x1;
	s3 =	sadd.s32 s4, s19  }
0x9c: {  	s7 =	simm.s32 $0x0;
	s20 =	sshll.u32 s5, $0x1;
	s5 =	sadd.s32 s21, s3  }
0x9d: {  	[timem:s7], [sflag:s22] =	dma.local [hbm:s5], s20  }
0x9e: {  	_ =	swait.ge [sflag:s22], s20  }
0x9f: {  	s4 =	ssub.s32 $0x0, s20;
	[sflag:s22] =	ssyncset.done $0x0  }
0xa0: {  	[sflag:s22] =	ssyncadd.s32 s4;
	_ =	sdelay $0x1  }
0xa1: {  	s23 =	simm.s32 $0x1B8B  }
0xa2: {  	_ =	swait.ge [sflag:s23], $0x1  }
0xa3: {  	[sflag:s23] =	ssyncset.done $0x0  }
0xa4: {  	s25 =	simm.s32 $0x1B8E;
	s24 =	sld [smem:$0x3FFE];
	[sflag:s23] =	ssyncadd.s32 $0xFFFFFFFF  }
0xa5: {  	s26 =	simm.s32 $execute0_lowered;
	[smem:$0x3FD2] =	sst s25  }
0xa6: {  	s5 =	sshll.u32 s26, $0x1;
	_ =	strace $0x80000049;
	[dreg:$0x1] =	wrdreg $0xFFFFFFFF  }
0xa7: {  	s28 =	simm.s32 $_size_execute0_lowered;
	s3 =	sadd.s32 s3, s5;
	[dreg:$0x0] =	wrdreg $0x0  }
0xa8: {  	s5 =	sshll.u32 s28, $0x1;
	[dreg:$0x2] =	wrdreg s3  }
0xa9: {  	[dreg:$0x3] =	wrdreg s5  }
0xaa: {  	[dreg:$0x4] =	wrdreg $0xC0  }
0xab: {  	_ =	task [dreg:s7], $0x5FFFF  }
0xac: {  	[dreg:$0x1] =	wrdreg $0xFFFFFFFF  }
0xad: {  	[dreg:$0x0] =	wrdreg $0x60  }
0xae: {  	[dreg:$0x2] =	wrdreg s24  }
0xaf: {  	[dreg:$0x3] =	wrdreg s2  }
0xb0: {  	[dreg:$0x4] =	wrdreg $0x0  }
0xb1: {  	[dreg:$0x5] =	wrdreg $0x9  }
0xb2: {  	_ =	task.clear_ibuf [dreg:s7], $0x6FFFF;
	_ =	strace $0x90000049  }
0xb3: {  	s29 =	simm.s32 $0x9;
	_ =	strace $0x8000004B  }
0xb4: {  	_ =	swait.ge [sflag:s29], $0x1  }
0xb5: {  	[sflag:s29] =	ssyncadd.s32 $0xFFFFFFFF  }
0xb6: {  	_ =	strace $0x9000004B  }
0xb7: {  	_ =	sfence  }
0xb8: {  	s30 =	sld [smem:$0x0];
	_ =	sdelay $0x2  }
0xb9: {  	s31 =	sshll.u32 s1, $0xD;
	s1 =	sshrl.u32 s1, $0x2  }
0xba: {  	s3 =	sand.u32 $0x4000, s31;
	s1 =	sadd.s32 s1, s30  }
0xbb: {  	s0 =	sor.u32 s3, s0;
	s1 =	sshll.u32 s1, $0x11  }
0xbc: {  	s0 =	sor.u32 s1, s0  }
0xbd: {  	s0 =	sadd.s32 $0x8F2B, s0  }
0xbe: {  	[sflag:s0] =	ssyncadd.remote.s32 $0x1  }
0xbf: {  	_ =	sfence.sel $0xFFFF  }
0xc0: {  	[dreg:$0x0] =	wrdreg $0xFFFFFFFF;
	(pc) =	sbr.abs _section_cstart, $3  }
0xc1: {  	[dreg:$0x1] =	wrdreg $0xFFFFFFFF  }
0xc2: {  	_ =	task.clear_ibuf [dreg:s7], $0x2FFFF;
	_ =	strace $0x9FFFFFFF  }
0xc3: {  	(tm) =	ssettm $0x7FFFFFFF  }
tec
execute0_lowered:
.L_overlay_start_1:
0x0: {  	(tag) =	ssettag $0x1  }
0x1: {  	s0 =	rddreg [dreg:$0x0]  }
0x2: {  	s1 =	rddreg [dreg:$0x1]  }
0x3: {  	s3 =	rddreg [dreg:$0x2];
	s4 =	simm.s32 $0x0  }
0x4: {  	s5 =	srdreg.scid;
	s2 =	stileid.u32;
	s17 =	simm.s32 $0x4  }
0x5: {  	s18 =	simm.s32 $0x1F000;
	s19 =	simm.s32 $0x70;
	s20 =	simm.s32 $0x18000  }
0x6: {  	s22 =	simm.s32 $0x1;
	s30 =	simm.s32 $0x1F080;
	s11 =	smul.u32 $0x3000, s2  }
0x7: {  	s23 =	simm.s32 $0x2;
	s31 =	simm.s32 $0x1B800;
	s10 =	smul.u32 $0x60000, s2  }
0x8: {  	[smem:$0x7FF] =	sst s4;
	s6 =	sand.u32 $0x1, s5;
	s14 =	smul.u32 $0xB4, s2  }
0x9: {  	s5 =	sadd.s32 $0x1E00, s0;
	s12 =	sadd.s32 $0x31E00, s0;
	s15 =	smul.u32 $0xB400, s2  }
0xa: {  	s29 =	sshll.u32 s2, $0x6;
	_ =	strace $0x8000004A;
	s7 =	smul.u32 $0x30000, s6  }
0xb: {  	s8 =	ssub.s32 $0x2, s6;
	s13 =	ssub.s32 $0x0, s6;
	[dreg:$0x4] =	wrdreg s30  }
0xc: {  	p0 =	seq.s32 s6, $0x0;
	s6 =	simm.s32 $0x84;
	[dreg:$0x6] =	wrdreg s31  }
0xd: {  	s9 =	sshrl.u32 s8, $0x1;
	s24 =	sshrl.u32 s10, $0x2;
	s6 =	simm.s32 @!p0 $0x30  }
0xe: {  	s26 =	sand.u32 $0x84, s13;
	s12 =	smov.u32 @p0 s5;
	s7 =	sadd.s32 s11, s7  }
0xf: {  	s9 =	ssub.s32 s8, s9;
	s16 =	sadd.s32 s24, s3;
	s25 =	sadd.s32 $0xFFFFFFFE, s6  }
0x10: {  	s10 =	sadd.s32 $0xFFFFFFFD, s6;
	s13 =	sadd.s32 s14, s26;
	s11 =	sadd.s32 s12, s11  }
0x11: {  	s24 =	simm.s32 $0x1F180;
	s0 =	sadd.s32 s7, s0;
	s7 =	sshrl.u32 s6, $0x1  }
0x12: {  	s9 =	smax.u32 s9, $0x1;
	[dreg:$0x5] =	wrdreg s25;
	s28 =	sshll.u32 s13, $0x5  }
0x13: {  	s13 =	sor.u32 $0x1C04, s29;
	s8 =	sadd.s32 $0x61E00, s0;
	s0 =	sshll.u32 s26, $0x8  }
0x14: {  	s16 =	sshrl.u32 s16, $0x3;
	s12 =	sadd.s32 s1, s28;
	s0 =	sadd.s32 s0, s15  }
0x15: {  	s25 =	simm.s32 $0x0;
	s14 =	sadd.s32 $0x20, s12;
	s15 =	sor.u32 $0x300, s0  }
.LBB2_1:
0x16: {  	[spmem:s16], [sflag:s13] =	dma.local [hbm:s11], $0x3000  }
0x17: {  	_ =	swait.ge [sflag:s17], $0x3000  }
0x18: {  	[sflag:s17] =	ssyncset.done $0x0  }
0x19: {  	[sflag:s17] =	ssyncadd.s32 $0xFFFFD000  }
0x1a: {  	s26 =	sadd.s32 $0xFFFFFFFF, s7;
	[bflag:$0x0] =	sbarrier.arrive $0xFFFF  }
0x1b: {  	[tilespmem:s18], [sflag:$0x4] =	stream.linear.gather [hbm4b:s12+s4], $0x100, $0x38;
	[tilespmem:$0x1F200] =	vst v63  }
0x1c: {  	p1 =	sne.s32 s26, $0x0;
	_ =	swait.ge [sflag:s17], $0x100  }
.Ltmp0:
0x1d: {  	[sflag:s17] =	ssyncset.done $0x0;
	(pc) =	sbr.rel @!p1 .LBB2_2-.Ltmp0, $4  }
0x1e: {  	[sflag:s17] =	ssyncadd.s32 $0xFFFFFF00  }
0x1f: {  	[tilespmem:s20], [sflag:$0x1] =	stream.indirect.gather [hbm4b:s5+s19], $0x80, s18, s19, $0xb8;
	[tilespmem:$0x1F200] =	vst v63  }
0x20: {  	s0 =	simm.s32 $0x1F100;
	p2 =	sle.u32 s6, $0x1;
	p0 =	por $0x0, $0x0  }
0x21: {  	[tilespmem:s0], [sflag:$0x3] =	stream.linear.gather [hbm4b:s14+s4], $0x100, $0x38;
	[tilespmem:$0x1F200] =	vst v63  }
0x22: {  	s0 =	simm.s32 @!p2 $0x3  }
0x23: {  	_ =	swait.ge @!p2 [sflag:s0], $0x100  }
0x24: {  	s28 =	simm.s32 @!p2 $0x1B800;
	[sflag:s0] =	ssyncset.done @!p2 $0x0  }
0x25: {  	s29 =	simm.s32 @!p2 $0x70;
	s30 =	simm.s32 @!p2 $0x1F100;
	[sflag:s0] =	ssyncadd.s32 @!p2 $0xFFFFFF00  }
0x26: {  	[tilespmem:s28], [sflag:$0x2] =	stream.indirect.gather @!p2 [hbm4b:s5+s29], $0x80, s30, s29, $0xb8;
	[tilespmem:$0x1F200] =	vst v63  }
0x27: {  	_ =	swait.ge [sflag:s22], $0x3800  }
0x28: {  	[sflag:s22] =	ssyncset.done $0x0  }
0x29: {  	s2 =	rddreg [dreg:$0x4];
	[sflag:s22] =	ssyncadd.s32 $0xFFFFC800  }
0x2a: {  	[spmem:s3] =	stream.indirect.scatter.add.f32 [tilespmem:s20], [sflag:$0x4], $0x80, s2, s19, $0xb8;
	[tilespmem:$0x1F200] =	vst v63  }
0x2b: {  	_ =	swait.ge [sflag:s17], $0x3800  }
0x2c: {  	s21 =	rddreg [dreg:$0x5]  }
0x2d: {  	p0 =	sle.u32 s21, $0x0  }
0x2e: {  	[sflag:s17] =	ssyncset.done $0x0;
	s0 =	sadd.s32 @!p0 $0xFFFFFF00, s15  }
0x2f: {  	[sflag:s17] =	ssyncadd.s32 $0xFFFFC800;
	s28 =	simm.s32 @!p0 $0x3;
	s0 =	sshrl.u32 @!p0 s0, $0x3  }
0x30: {  	s29 =	simm.s32 @!p0 $0x0;
	s30 =	simm.s32 @!p0 $0x1F000;
	s0 =	sadd.s32 @!p0 s1, s0  }
0x31: {  	[tilespmem:s30], [sflag:$0x3] =	stream.linear.gather @!p0 [hbm4b:s0+s29], $0x100, $0x38;
	[tilespmem:$0x1F200] =	vst v63  }
0x32: {  	_ =	swait.ge @!p0 [sflag:s28], $0x100  }
0x33: {  	[sflag:s28] =	ssyncset.done @!p0 $0x0  }
0x34: {  	s0 =	simm.s32 @!p0 $0x70;
	s29 =	simm.s32 @!p0 $0x18000;
	[sflag:s28] =	ssyncadd.s32 @!p0 $0xFFFFFF00  }
0x35: {  	[tilespmem:s29], [sflag:$0x1] =	stream.indirect.gather @!p0 [hbm4b:s5+s0], $0x80, s30, s0, $0xb8;
	[tilespmem:$0x1F200] =	vst v63  }
0x36: {  	p3 =	sle.u32 s10, $0x0;
	s29 =	sadd.s32 $0xFFFFFFFF, s26  }
0x37: {  	s31 =	simm.s32 @!p3 $0x1F100;
	p1 =	sne.s32 s29, $0x0  }
.Ltmp1:
0x38: {  	p2 =	sle.u32 s6, $0x3;
	_ =	swait.ge [sflag:s23], $0x3800;
	(pc) =	sbr.rel @!p1 .LBB2_5-.Ltmp1, $4  }
0x39: {  	s28 =	simm.s32 $0x2;
	s26 =	sadd.s32 $0x200, s15;
	[sflag:s23] =	ssyncset.done $0x0  }
0x3a: {  	s0 =	sshrl.u32 @!p3 s15, $0x3;
	s30 =	rddreg [dreg:$0x6];
	[sflag:s23] =	ssyncadd.s32 $0xFFFFC800  }
0x3b: {  	[spmem:s3] =	stream.indirect.scatter.add.f32 [tilespmem:s30], [sflag:$0x4], $0x80, s24, s19, $0xb8;
	[tilespmem:$0x1F200] =	vst v63  }
0x3c: {  	p0 =	por $0x1, $0x1;
	s0 =	sadd.s32 @!p3 s1, s0;
	_ =	swait.ge [sflag:s17], $0x3800  }
.LBB2_4:
0x3d: {  	[sflag:s17] =	ssyncset.done $0x0  }
0x3e: {  	s2 =	simm.s32 @!p2 $0x3;
	s21 =	simm.s32 @!p3 $0x0;
	[sflag:s17] =	ssyncadd.s32 $0xFFFFC800  }
0x3f: {  	[tilespmem:s31], [sflag:$0x3] =	stream.linear.gather @!p3 [hbm4b:s0+s21], $0x100, $0x38;
	[tilespmem:$0x1F200] =	vst v63  }
0x40: {  	_ =	swait.ge @!p2 [sflag:s2], $0x100  }
0x41: {  	s0 =	simm.s32 @!p2 $0x1B800;
	[sflag:s2] =	ssyncset.done @!p2 $0x0  }
0x42: {  	s21 =	simm.s32 @!p2 $0x70;
	s31 =	simm.s32 @!p2 $0x1F100;
	[sflag:s2] =	ssyncadd.s32 @!p2 $0xFFFFFF00  }
0x43: {  	[tilespmem:s0], [sflag:$0x2] =	stream.indirect.gather @!p2 [hbm4b:s5+s21], $0x80, s31, s21, $0xb8;
	[tilespmem:$0x1F200] =	vst v63  }
0x44: {  	_ =	swait.ge [sflag:s22], $0x3800  }
0x45: {  	[sflag:s22] =	ssyncset.done $0x0  }
0x46: {  	s2 =	rddreg [dreg:$0x4];
	[sflag:s22] =	ssyncadd.s32 $0xFFFFC800  }
0x47: {  	[spmem:s3] =	stream.indirect.scatter.add.f32 [tilespmem:s20], [sflag:$0x4], $0x80, s2, s19, $0xb8;
	[tilespmem:$0x1F200] =	vst v63  }
0x48: {  	_ =	swait.ge [sflag:s17], $0x3800  }
0x49: {  	s21 =	rddreg [dreg:$0x5]  }
0x4a: {  	p2 =	sge.u32 s28, s21  }
0x4b: {  	s29 =	sadd.s32 $0xFFFFFFFF, s29;
	[sflag:s17] =	ssyncset.done $0x0;
	s0 =	sadd.s32 @!p2 $0xFFFFFF00, s26  }
0x4c: {  	[sflag:s17] =	ssyncadd.s32 $0xFFFFC800;
	s2 =	simm.s32 @!p2 $0x3;
	s0 =	sshrl.u32 @!p2 s0, $0x3  }
0x4d: {  	s21 =	simm.s32 @!p2 $0x0;
	s31 =	simm.s32 @!p2 $0x1F000;
	s0 =	sadd.s32 @!p2 s1, s0  }
0x4e: {  	[tilespmem:s31], [sflag:$0x3] =	stream.linear.gather @!p2 [hbm4b:s0+s21], $0x100, $0x38;
	[tilespmem:$0x1F200] =	vst v63  }
0x4f: {  	s30 =	smov.u32 s26;
	p1 =	sne.s32 s29, $0x0;
	_ =	swait.ge @!p2 [sflag:s2], $0x100  }
0x50: {  	p3 =	sge.u32 s28, s10;
	s28 =	sadd.s32 $0x2, s28;
	[sflag:s2] =	ssyncset.done @!p2 $0x0  }
0x51: {  	s0 =	simm.s32 @!p2 $0x70;
	s21 =	simm.s32 @!p2 $0x18000;
	[sflag:s2] =	ssyncadd.s32 @!p2 $0xFFFFFF00  }
0x52: {  	[tilespmem:s21], [sflag:$0x1] =	stream.indirect.gather @!p2 [hbm4b:s5+s0], $0x80, s31, s0, $0xb8;
	[tilespmem:$0x1F200] =	vst v63  }
.Ltmp2:
0x53: {  	s26 =	sadd.s32 $0x200, s26;
	_ =	swait.ge [sflag:s23], $0x3800;
	(pc) =	sbr.rel @p1 .LBB2_4-.Ltmp2, $4  }
0x54: {  	s2 =	sadd.s32 $0x1, s28;
	s21 =	sshrl.u32 @!p3 s30, $0x3;
	[sflag:s23] =	ssyncset.done $0x0  }
0x55: {  	s31 =	simm.s32 @!p3 $0x1F100;
	s0 =	rddreg [dreg:$0x6];
	[sflag:s23] =	ssyncadd.s32 $0xFFFFC800  }
0x56: {  	[spmem:s3] =	stream.indirect.scatter.add.f32 [tilespmem:s0], [sflag:$0x4], $0x80, s24, s19, $0xb8;
	[tilespmem:$0x1F200] =	vst v63  }
0x57: {  	p2 =	sge.u32 s2, s6;
	s0 =	sadd.s32 @!p3 s1, s21;
	_ =	swait.ge [sflag:s17], $0x3800  }
.LBB2_5:
0x58: {  	[sflag:s17] =	ssyncset.done @p0 $0x0;
	p1 =	por p3, !p0  }
0x59: {  	s2 =	simm.s32 @!p2 $0x3;
	s21 =	simm.s32 @!p1 $0x0;
	[sflag:s17] =	ssyncadd.s32 @p0 $0xFFFFC800  }
0x5a: {  	[tilespmem:s31], [sflag:$0x3] =	stream.linear.gather @!p1 [hbm4b:s0+s21], $0x100, $0x38;
	[tilespmem:$0x1F200] =	vst v63  }
0x5b: {  	_ =	swait.ge @!p2 [sflag:s2], $0x100  }
0x5c: {  	s29 =	simm.s32 @!p2 $0x1F100;
	[sflag:s2] =	ssyncset.done @!p2 $0x0  }
0x5d: {  	s0 =	simm.s32 @!p2 $0x1B800;
	s21 =	simm.s32 @!p2 $0x70;
	[sflag:s2] =	ssyncadd.s32 @!p2 $0xFFFFFF00  }
0x5e: {  	[tilespmem:s0], [sflag:$0x2] =	stream.indirect.gather @!p2 [hbm4b:s5+s21], $0x80, s29, s21, $0xb8;
	[tilespmem:$0x1F200] =	vst v63  }
0x5f: {  	_ =	swait.ge [sflag:s22], $0x3800  }
0x60: {  	[sflag:s22] =	ssyncset.done $0x0  }
0x61: {  	s29 =	rddreg [dreg:$0x4];
	[sflag:s22] =	ssyncadd.s32 $0xFFFFC800  }
0x62: {  	[spmem:s3] =	stream.indirect.scatter.add.f32 [tilespmem:s20], [sflag:$0x4], $0x80, s29, s19, $0xb8;
	[tilespmem:$0x1F200] =	vst v63  }
0x63: {  	_ =	swait.ge [sflag:s17], $0x3800  }
0x64: {  	s30 =	rddreg [dreg:$0x5]  }
0x65: {  	p0 =	sge.u32 s28, s30  }
0x66: {  	[sflag:s17] =	ssyncset.done $0x0;
	s0 =	sadd.s32 @!p0 $0xFFFFFF00, s26  }
0x67: {  	[sflag:s17] =	ssyncadd.s32 $0xFFFFC800;
	s2 =	simm.s32 @!p0 $0x3;
	s0 =	sshrl.u32 @!p0 s0, $0x3  }
0x68: {  	s21 =	simm.s32 @!p0 $0x0;
	s29 =	simm.s32 @!p0 $0x1F000;
	s0 =	sadd.s32 @!p0 s1, s0  }
0x69: {  	[tilespmem:s29], [sflag:$0x3] =	stream.linear.gather @!p0 [hbm4b:s0+s21], $0x100, $0x38;
	[tilespmem:$0x1F200] =	vst v63  }
0x6a: {  	_ =	swait.ge @!p0 [sflag:s2], $0x100  }
0x6b: {  	[sflag:s2] =	ssyncset.done @!p0 $0x0  }
0x6c: {  	s0 =	simm.s32 @!p0 $0x70;
	s21 =	simm.s32 @!p0 $0x18000;
	[sflag:s2] =	ssyncadd.s32 @!p0 $0xFFFFFF00  }
0x6d: {  	[tilespmem:s21], [sflag:$0x1] =	stream.indirect.gather @!p0 [hbm4b:s5+s0], $0x80, s29, s0, $0xb8;
	[tilespmem:$0x1F200] =	vst v63  }
0x6e: {  	_ =	swait.ge [sflag:s23], $0x3800  }
0x6f: {  	[sflag:s23] =	ssyncset.done $0x0  }
0x70: {  	s31 =	rddreg [dreg:$0x6];
	[sflag:s23] =	ssyncadd.s32 $0xFFFFC800  }
0x71: {  	[spmem:s3] =	stream.indirect.scatter.add.f32 [tilespmem:s31], [sflag:$0x4], $0x80, s24, s19, $0xb8;
	[tilespmem:$0x1F200] =	vst v63  }
0x72: {  	s25 =	sadd.s32 $0x1, s25;
	p0 =	sge.u32 s28, s10;
	_ =	swait.ge [sflag:s17], $0x3800  }
0x73: {  	s0 =	sshrl.u32 @!p0 s26, $0x3;
	s2 =	simm.s32 @!p0 $0x1F100;
	[sflag:s17] =	ssyncset.done $0x0  }
0x74: {  	s21 =	simm.s32 @!p0 $0x0;
	s0 =	sadd.s32 @!p0 s1, s0;
	[sflag:s17] =	ssyncadd.s32 $0xFFFFC800  }
0x75: {  	[tilespmem:s2], [sflag:$0x3] =	stream.linear.gather @!p0 [hbm4b:s0+s21], $0x100, $0x38;
	[tilespmem:$0x1F200] =	vst v63  }
0x76: {  	p0 =	sne.s32 s25, s9;
	[bflag:$0x0] =	sbarrier.arrive $0xFFFF  }
0x77: {  	[hbm:s8], [sflag:s13] =	dma.local [spmem:s16], $0x3000  }
.Ltmp3:
0x78: {  	_ = 	snop;
	(pc) =	sbr.rel @p0 .LBB2_1-.Ltmp3, $4  }
.Ltmp4:
0x79: {  	_ = 	snop;
	(pc) =	sbr.rel @!p0 .LBB2_6-.Ltmp4, $4  }
0x7a: {  	_ =	swait.ge [sflag:s17], $0x3000  }
0x7b: {  	[sflag:s17] =	ssyncset.done $0x0  }
0x7c: {  	[sflag:s17] =	ssyncadd.s32 $0xFFFFD000  }
0x7d: {  	_ = 	snop  }
.LBB2_2:
.Ltmp5:
0x7e: {  	(pc) =	sbr.rel .LBB2_5-.Ltmp5, $2  }
0x7f: {  	_ =	sdelay $0x2  }
0x80: {  	s26 =	smov.u32 s15;
	s28 =	simm.s32 $0x0  }
.LBB2_6:
0x81: {  	_ =	sfence.sel $0x180000  }
0x82: {  	[bflag:$0x0] =	sbarrier.arrive $0xFFFF  }
0x83: {  	_ =	strace $0x9000004A  }
0x84: {  	s0 =	stileid.u32;
	[bflag:$0x2] =	sbarrier.arrive $0xFFFF  }
0x85: {  	p0 =	sne.s32 s0, $0x0;
	s0 =	rddreg [dreg:$0x3]  }
0x86: {  	s0 =	sadd.s32 @!p0 $0x100000, s0  }
0x87: {  	[sflag:s0] =	ssyncadd.tile.s32 @!p0 $0x1;
	_ =	shalt  }
.Lfunc_end2:
_tile_overlayer_lowered:
.L_overlay_start_2:
0x88: {  	(tag) =	ssettag $0x2  }
0x89: {  	s0 =	rddreg [dreg:$0x0];
	s2 =	stileid.u32  }
0x8a: {  	s1 =	rddreg [dreg:$0x1];
	p0 =	sne.s32 s2, $0x0  }
0x8b: {  	s3 =	rddreg [dreg:$0x2];
	[bflag:$0x3] =	sbarrier.arrive $0xFFFF;
	s2 =	simm.s32 @!p0 $0x1C04  }
0x8c: {  	[timem:s3], [sflag:s2] =	dma.local @!p0 [hbm:s0], s1  }
0x8d: {  	s0 =	simm.s32 @!p0 $0x4  }
0x8e: {  	_ =	swait.ge @!p0 [sflag:s0], s1  }
0x8f: {  	s1 =	ssub.s32 @!p0 $0x0, s1;
	[sflag:s0] =	ssyncset.done @!p0 $0x0  }
0x90: {  	[sflag:s0] =	ssyncadd.s32 @!p0 s1  }
0x91: {  	[bflag:$0x3] =	sbarrier.arrive $0xFFFF  }
0x92: {  	_ =	shalt  }

// kernel: kernel.15.cloned.1.call-start
scs
__scs_entry_jumppad:
0x0: {  	(pc) =	sbr.rel $0x88, $3  }
0x1: {  	(tag) =	ssettag $0x0;
	lr =	simm.s32 $0x1  }
0x2: {  	[smem:$0x3F9B] =	sst lr;
	_ =	strace $0xD0000000  }
0x3: {  	_ = 	snop  }
0x4: {  	_ = 	snop  }
0x5: {  	_ = 	snop  }
0x6: {  	_ = 	snop  }
0x7: {  	_ = 	snop  }
__scs_overlays_trampoline_lowered:
0x8: {  	[smem:$0x3FAA] =	sst s0  }
0x9: {  	[smem:$0x3FAB] =	sst s1  }
0xa: {  	[smem:$0x3FAC] =	sst s2  }
0xb: {  	[smem:$0x3FAD] =	sst s3  }
0xc: {  	[smem:$0x3FAE] =	sst s4  }
0xd: {  	[smem:$0x3FAF] =	sst s5  }
0xe: {  	[smem:$0x3FB0] =	sst s6  }
0xf: {  	[smem:$0x3FB1] =	sst s7  }
0x10: {  	[smem:$0x3FB2] =	sst s8  }
0x11: {  	[smem:$0x3FB3] =	sst s9;
	s0 =	simm.s32 @!p0 $0x0  }
0x12: {  	s1 =	sld [smem:$0x3F99];
	s0 =	simm.s32 @p0 $0x1  }
0x13: {  	[smem:$0x3FB4] =	sst s0;
	s0 =	simm.s32 @!p1 $0x0  }
0x14: {  	s2 =	sld [smem:$0x3F98];
	s0 =	simm.s32 @p1 $0x1  }
0x15: {  	[smem:$0x3FB5] =	sst s0;
	s0 =	simm.s32 @!p2 $0x0  }
0x16: {  	s3 =	sld [smem:$0x3FDB];
	s0 =	simm.s32 @p2 $0x1  }
0x17: {  	s4 =	simm.s32 $0x1BF5;
	[smem:$0x3FB7] =	sst s0  }
0x18: {  	s0 =	sld [smem:$0x3F9A];
	_ =	swait.ge [sflag:s4], $0x0  }
0x19: {  	s7 =	sld [smem:$0x3F9B]  }
0x1a: {  	s8 =	sadd.s32 $0xFFFFE003, lr  }
0x1b: {  	s9 =	sadd.s32 $0xFFFFFEF7, lr;
	s5 =	simm.s32 $0xFFFFFFFF;
	p2 =	slt.u32 s8, $0xFFFFF086  }
0x1c: {  	p1 =	slt.u32 s9, $0xF7A;
	s5 =	simm.s32 @!p2 $0x0  }
0x1d: {  	s5 =	simm.s32 @p1 $0x1;
	p0 =	seq.s32 s7, s2  }
0x1e: {  	s7 =	smul.u32 @!p0 $0xF7A, s2;
	p2 =	seq.s32 @!p0 s5, $0x0  }
0x1f: {  	s9 =	smul.u32 $0xF7A, s1;
	s8 =	simm.s32 @!p0 $0x1BF5;
	p2 =	por !p2, p0  }
0x20: {  	[sflag:s8] =	ssyncset.s32 @!p0 $0xFFFFF086;
	s6 =	sadd.s32 @!p0 s3, s7;
	s7 =	simm.s32 @!p0 $0x108  }
0x21: {  	s3 =	sadd.s32 s3, s9;
	s6 =	sadd.s32 @!p0 $0x88, s6;
	s7 =	simm.s32 @p2 $0x1082  }
0x22: {  	[simem:s7], [sflag:s8] =	dma.local @!p0 [hbm:s6], $0xF7A  }
0x23: {  	s9 =	sor.u32 $0xD0000000, s2;
	s6 =	simm.s32 $0x108;
	_ =	swait.ge @!p0 [sflag:s8], $0x0  }
0x24: {  	s3 =	sadd.s32 $0x88, s3;
	s6 =	simm.s32 @!p1 $0x1082;
	[sflag:s4] =	ssyncset.s32 $0xFFFFF086  }
0x25: {  	[simem:s6], [sflag:s4] =	dma.local [hbm:s3], $0xF7A  }
0x26: {  	[smem:$0x3F9B] =	sst s1;
	(tag) =	ssettag s2;
	_ =	strace s9  }
0x27: {  	s1 =	sld [smem:$0x3FAB]  }
0x28: {  	s2 =	sld [smem:$0x3FAC]  }
0x29: {  	s4 =	sld [smem:$0x3FAE]  }
0x2a: {  	p0 =	seq.s32 s5, $0x0;
	s5 =	sld [smem:$0x3FAF]  }
0x2b: {  	s6 =	sld [smem:$0x3FB0]  }
0x2c: {  	s7 =	sld [smem:$0x3FB1]  }
0x2d: {  	s3 =	simm.s32 $0x108;
	s8 =	sld [smem:$0x3FB2]  }
0x2e: {  	s3 =	simm.s32 @!p0 $0x1082;
	s9 =	sld [smem:$0x3FB3]  }
0x2f: {  	lr =	sadd.s32 s0, s3;
	s0 =	sld [smem:$0x3FAA]  }
0x30: {  	s3 =	sld [smem:$0x3FAD]  }
0x31: {  	[smem:$0x3FB6] =	sst s10  }
0x32: {  	s10 =	sld [smem:$0x3FB4];
	_ =	sdelay $0x3  }
0x33: {  	p0 =	seq.s32 s10, $0x1;
	s10 =	sld [smem:$0x3FB6];
	_ =	sdelay $0x3  }
0x34: {  	[smem:$0x3FB6] =	sst s10  }
0x35: {  	s10 =	sld [smem:$0x3FB5];
	_ =	sdelay $0x3  }
0x36: {  	p1 =	seq.s32 s10, $0x1;
	s10 =	sld [smem:$0x3FB6];
	_ =	sdelay $0x3  }
0x37: {  	[smem:$0x3FB6] =	sst s10  }
0x38: {  	s10 =	sld [smem:$0x3FB7]  }
0x39: {  	_ = 	snop;
	(pc) =	sbr.ind lr, $3  }
0x3a: {  	_ = 	snop  }
0x3b: {  	_ = 	snop  }
0x3c: {  	p2 =	seq.s32 s10, $0x1;
	s10 =	sld [smem:$0x3FB6]  }
0x3d: {  	_ =	shalt  }
0x3e: {  	_ =	shalt  }
0x3f: {  	_ =	shalt  }
0x40: {  	_ =	shalt  }
0x41: {  	_ =	shalt  }
0x42: {  	_ =	shalt  }
0x43: {  	_ =	shalt  }
0x44: {  	_ =	shalt  }
0x45: {  	_ =	shalt  }
0x46: {  	_ =	shalt  }
0x47: {  	_ =	shalt  }
0x48: {  	_ =	shalt  }
0x49: {  	_ =	shalt  }
0x4a: {  	_ =	shalt  }
0x4b: {  	_ =	shalt  }
0x4c: {  	_ =	shalt  }
0x4d: {  	_ =	shalt  }
0x4e: {  	_ =	shalt  }
0x4f: {  	_ =	shalt  }
0x50: {  	_ =	shalt  }
0x51: {  	_ =	shalt  }
0x52: {  	_ =	shalt  }
0x53: {  	_ =	shalt  }
0x54: {  	_ =	shalt  }
0x55: {  	_ =	shalt  }
0x56: {  	_ =	shalt  }
0x57: {  	_ =	shalt  }
0x58: {  	_ =	shalt  }
0x59: {  	_ =	shalt  }
0x5a: {  	_ =	shalt  }
0x5b: {  	_ =	shalt  }
0x5c: {  	_ =	shalt  }
0x5d: {  	_ =	shalt  }
0x5e: {  	_ =	shalt  }
0x5f: {  	_ =	shalt  }
0x60: {  	_ =	shalt  }
0x61: {  	_ =	shalt  }
0x62: {  	_ =	shalt  }
0x63: {  	_ =	shalt  }
0x64: {  	_ =	shalt  }
0x65: {  	_ =	shalt  }
0x66: {  	_ =	shalt  }
0x67: {  	_ =	shalt  }
0x68: {  	_ =	shalt  }
0x69: {  	_ =	shalt  }
0x6a: {  	_ =	shalt  }
0x6b: {  	_ =	shalt  }
0x6c: {  	_ =	shalt  }
0x6d: {  	_ =	shalt  }
0x6e: {  	_ =	shalt  }
0x6f: {  	_ =	shalt  }
0x70: {  	_ =	shalt  }
0x71: {  	_ =	shalt  }
0x72: {  	_ =	shalt  }
0x73: {  	_ =	shalt  }
0x74: {  	_ =	shalt  }
0x75: {  	_ =	shalt  }
0x76: {  	_ =	shalt  }
0x77: {  	_ =	shalt  }
0x78: {  	_ =	shalt  }
0x79: {  	_ =	shalt  }
0x7a: {  	_ =	shalt  }
0x7b: {  	_ =	shalt  }
0x7c: {  	_ =	shalt  }
0x7d: {  	_ =	shalt  }
0x7e: {  	_ =	shalt  }
0x7f: {  	_ =	shalt  }
0x80: {  	_ =	shalt  }
0x81: {  	_ =	shalt  }
0x82: {  	_ =	shalt  }
0x83: {  	_ =	shalt  }
0x84: {  	_ =	shalt  }
0x85: {  	_ =	shalt  }
0x86: {  	_ =	shalt  }
0x87: {  	_ =	shalt  }
.Lfunc_end0:
.L_simem_size_0:
called_computation.2_lowered:
.L_overlay_start_0:
0x88: {  	s2 =	sld [smem:$0x3FD9]  }
0x89: {  	s3 =	sld [smem:$0x3FFE];
	_ =	sdelay $0x1  }
0x8a: {  	s1 =	srdreg.scid  }
0x8b: {  	s0 =	sand.u32 $0x1, s1  }
0x8c: {  	s17 =	sshll.u32 s0, $0xA;
	s2 =	sadd.s32 s3, s2  }
0x8d: {  	s2 =	sadd.s32 s2, s17  }
0x8e: {  	[smem:$0x3FC2] =	sst s2  }
0x8f: {  	_ = 	snop  }
0x90: {  	s2 =	sld [smem:$0x3FD0];
	(tm) =	ssettm $0x1  }
0x91: {  	s18 =	sld [smem:$0x3FFB];
	_ =	sdelay $0x3  }
0x92: {  	_ =	strace s18  }
0x93: {  	s3 =	sld [smem:$0x3FFC];
	_ =	sdelay $0x3  }
0x94: {  	_ =	strace s3  }
0x95: {  	s3 =	sld [smem:$0x3FFD];
	_ =	sdelay $0x3  }
0x96: {  	_ =	strace s3  }
0x97: {  	_ =	strace $0x8FFFFFFF  }
0x98: {  	s19 =	sld [smem:$0x3FDB];
	_ =	sdelay $0x1  }
0x99: {  	s4 =	simm.s32 $_scs_section_size  }
0x9a: {  	s5 =	simm.s32 $_size__tile_overlayer_lowered;
	s6 =	simm.s32 $_tile_overlayer_lowered  }
0x9b: {  	s22 =	simm.s32 $0x1BFF;
	s21 =	sshll.u32 s6, $0x1;
	s3 =	sadd.s32 s4, s19  }
0x9c: {  	s7 =	simm.s32 $0x0;
	s20 =	sshll.u32 s5, $0x1;
	s5 =	sadd.s32 s21, s3  }
0x9d: {  	[timem:s7], [sflag:s22] =	dma.local [hbm:s5], s20  }
0x9e: {  	_ =	swait.ge [sflag:s22], s20  }
0x9f: {  	s4 =	ssub.s32 $0x0, s20;
	[sflag:s22] =	ssyncset.done $0x0  }
0xa0: {  	[sflag:s22] =	ssyncadd.s32 s4;
	_ =	sdelay $0x1  }
0xa1: {  	s23 =	simm.s32 $0x1B8B  }
0xa2: {  	_ =	swait.ge [sflag:s23], $0x1  }
0xa3: {  	[sflag:s23] =	ssyncset.done $0x0  }
0xa4: {  	s25 =	simm.s32 $0x1B8E;
	s24 =	sld [smem:$0x3FFE];
	[sflag:s23] =	ssyncadd.s32 $0xFFFFFFFF  }
0xa5: {  	s26 =	simm.s32 $execute0_lowered;
	[smem:$0x3FD2] =	sst s25  }
0xa6: {  	s5 =	sshll.u32 s26, $0x1;
	_ =	strace $0x8000004C;
	[dreg:$0x1] =	wrdreg $0xFFFFFFFF  }
0xa7: {  	s28 =	simm.s32 $_size_execute0_lowered;
	s3 =	sadd.s32 s3, s5;
	[dreg:$0x0] =	wrdreg $0x0  }
0xa8: {  	s5 =	sshll.u32 s28, $0x1;
	[dreg:$0x2] =	wrdreg s3  }
0xa9: {  	[dreg:$0x3] =	wrdreg s5  }
0xaa: {  	[dreg:$0x4] =	wrdreg $0xC0  }
0xab: {  	_ =	task [dreg:s7], $0x5FFFF  }
0xac: {  	[dreg:$0x1] =	wrdreg $0xFFFFFFFF  }
0xad: {  	[dreg:$0x0] =	wrdreg $0x60  }
0xae: {  	[dreg:$0x2] =	wrdreg s24  }
0xaf: {  	[dreg:$0x3] =	wrdreg s2  }
0xb0: {  	[dreg:$0x4] =	wrdreg $0x0  }
0xb1: {  	[dreg:$0x5] =	wrdreg $0x9  }
0xb2: {  	_ =	task.clear_ibuf [dreg:s7], $0x6FFFF;
	_ =	strace $0x9000004C  }
0xb3: {  	s29 =	simm.s32 $0x9;
	_ =	strace $0x8000004E  }
0xb4: {  	_ =	swait.ge [sflag:s29], $0x1  }
0xb5: {  	[sflag:s29] =	ssyncadd.s32 $0xFFFFFFFF  }
0xb6: {  	_ =	strace $0x9000004E  }
0xb7: {  	_ =	sfence  }
0xb8: {  	s30 =	sld [smem:$0x0];
	_ =	sdelay $0x2  }
0xb9: {  	s31 =	sshll.u32 s1, $0xD;
	s1 =	sshrl.u32 s1, $0x2  }
0xba: {  	s3 =	sand.u32 $0x4000, s31;
	s1 =	sadd.s32 s1, s30  }
0xbb: {  	s0 =	sor.u32 s3, s0;
	s1 =	sshll.u32 s1, $0x11  }
0xbc: {  	s0 =	sor.u32 s1, s0  }
0xbd: {  	s0 =	sadd.s32 $0x8F2B, s0  }
0xbe: {  	[sflag:s0] =	ssyncadd.remote.s32 $0x1  }
0xbf: {  	_ =	sfence.sel $0xFFFF  }
0xc0: {  	[dreg:$0x0] =	wrdreg $0xFFFFFFFF;
	(pc) =	sbr.abs _section_cstart, $3  }
0xc1: {  	[dreg:$0x1] =	wrdreg $0xFFFFFFFF  }
0xc2: {  	_ =	task.clear_ibuf [dreg:s7], $0x2FFFF;
	_ =	strace $0x9FFFFFFF  }
0xc3: {  	(tm) =	ssettm $0x7FFFFFFF  }
tec
execute0_lowered:
.L_overlay_start_1:
0x0: {  	(tag) =	ssettag $0x1  }
0x1: {  	s0 =	rddreg [dreg:$0x0]  }
0x2: {  	s1 =	rddreg [dreg:$0x1]  }
0x3: {  	s3 =	rddreg [dreg:$0x2];
	s4 =	simm.s32 $0x0  }
0x4: {  	s5 =	srdreg.scid;
	s2 =	stileid.u32;
	s17 =	simm.s32 $0x4  }
0x5: {  	s18 =	simm.s32 $0x1F000;
	s19 =	simm.s32 $0x70;
	s20 =	simm.s32 $0x18000  }
0x6: {  	s22 =	simm.s32 $0x1;
	s30 =	simm.s32 $0x1F080;
	s11 =	smul.u32 $0x3000, s2  }
0x7: {  	s23 =	simm.s32 $0x2;
	s31 =	simm.s32 $0x1B800;
	s10 =	smul.u32 $0x60000, s2  }
0x8: {  	[smem:$0x7FF] =	sst s4;
	s6 =	sand.u32 $0x1, s5;
	s14 =	smul.u32 $0xB4, s2  }
0x9: {  	s5 =	sadd.s32 $0x1E00, s0;
	s12 =	sadd.s32 $0x31E00, s0;
	s15 =	smul.u32 $0xB400, s2  }
0xa: {  	s29 =	sshll.u32 s2, $0x6;
	_ =	strace $0x8000004D;
	s7 =	smul.u32 $0x30000, s6  }
0xb: {  	s8 =	ssub.s32 $0x2, s6;
	s13 =	ssub.s32 $0x0, s6;
	[dreg:$0x4] =	wrdreg s30  }
0xc: {  	p0 =	seq.s32 s6, $0x0;
	s6 =	simm.s32 $0x84;
	[dreg:$0x6] =	wrdreg s31  }
0xd: {  	s9 =	sshrl.u32 s8, $0x1;
	s24 =	sshrl.u32 s10, $0x2;
	s6 =	simm.s32 @!p0 $0x30  }
0xe: {  	s26 =	sand.u32 $0x84, s13;
	s12 =	smov.u32 @p0 s5;
	s7 =	sadd.s32 s11, s7  }
0xf: {  	s9 =	ssub.s32 s8, s9;
	s16 =	sadd.s32 s24, s3;
	s25 =	sadd.s32 $0xFFFFFFFE, s6  }
0x10: {  	s10 =	sadd.s32 $0xFFFFFFFD, s6;
	s13 =	sadd.s32 s14, s26;
	s11 =	sadd.s32 s12, s11  }
0x11: {  	s24 =	simm.s32 $0x1F180;
	s0 =	sadd.s32 s7, s0;
	s7 =	sshrl.u32 s6, $0x1  }
0x12: {  	s9 =	smax.u32 s9, $0x1;
	[dreg:$0x5] =	wrdreg s25;
	s28 =	sshll.u32 s13, $0x5  }
0x13: {  	s13 =	sor.u32 $0x1C04, s29;
	s8 =	sadd.s32 $0x61E00, s0;
	s0 =	sshll.u32 s26, $0x8  }
0x14: {  	s16 =	sshrl.u32 s16, $0x3;
	s12 =	sadd.s32 s1, s28;
	s0 =	sadd.s32 s0, s15  }
0x15: {  	s25 =	simm.s32 $0x0;
	s14 =	sadd.s32 $0x20, s12;
	s15 =	sor.u32 $0x300, s0  }
.LBB2_1:
0x16: {  	[spmem:s16], [sflag:s13] =	dma.local [hbm:s11], $0x3000  }
0x17: {  	_ =	swait.ge [sflag:s17], $0x3000  }
0x18: {  	[sflag:s17] =	ssyncset.done $0x0  }
0x19: {  	[sflag:s17] =	ssyncadd.s32 $0xFFFFD000  }
0x1a: {  	s26 =	sadd.s32 $0xFFFFFFFF, s7;
	[bflag:$0x0] =	sbarrier.arrive $0xFFFF  }
0x1b: {  	[tilespmem:s18], [sflag:$0x4] =	stream.linear.gather [hbm4b:s12+s4], $0x100, $0x38;
	[tilespmem:$0x1F200] =	vst v63  }
0x1c: {  	p1 =	sne.s32 s26, $0x0;
	_ =	swait.ge [sflag:s17], $0x100  }
.Ltmp0:
0x1d: {  	[sflag:s17] =	ssyncset.done $0x0;
	(pc) =	sbr.rel @!p1 .LBB2_2-.Ltmp0, $4  }
0x1e: {  	[sflag:s17] =	ssyncadd.s32 $0xFFFFFF00  }
0x1f: {  	[tilespmem:s20], [sflag:$0x1] =	stream.indirect.gather [hbm4b:s5+s19], $0x80, s18, s19, $0xb8;
	[tilespmem:$0x1F200] =	vst v63  }
0x20: {  	s0 =	simm.s32 $0x1F100;
	p2 =	sle.u32 s6, $0x1;
	p0 =	por $0x0, $0x0  }
0x21: {  	[tilespmem:s0], [sflag:$0x3] =	stream.linear.gather [hbm4b:s14+s4], $0x100, $0x38;
	[tilespmem:$0x1F200] =	vst v63  }
0x22: {  	s0 =	simm.s32 @!p2 $0x3  }
0x23: {  	_ =	swait.ge @!p2 [sflag:s0], $0x100  }
0x24: {  	s28 =	simm.s32 @!p2 $0x1B800;
	[sflag:s0] =	ssyncset.done @!p2 $0x0  }
0x25: {  	s29 =	simm.s32 @!p2 $0x70;
	s30 =	simm.s32 @!p2 $0x1F100;
	[sflag:s0] =	ssyncadd.s32 @!p2 $0xFFFFFF00  }
0x26: {  	[tilespmem:s28], [sflag:$0x2] =	stream.indirect.gather @!p2 [hbm4b:s5+s29], $0x80, s30, s29, $0xb8;
	[tilespmem:$0x1F200] =	vst v63  }
0x27: {  	_ =	swait.ge [sflag:s22], $0x3800  }
0x28: {  	[sflag:s22] =	ssyncset.done $0x0  }
0x29: {  	s2 =	rddreg [dreg:$0x4];
	[sflag:s22] =	ssyncadd.s32 $0xFFFFC800  }
0x2a: {  	[spmem:s3] =	stream.indirect.scatter.add.f32 [tilespmem:s20], [sflag:$0x4], $0x80, s2, s19, $0xb8;
	[tilespmem:$0x1F200] =	vst v63  }
0x2b: {  	_ =	swait.ge [sflag:s17], $0x3800  }
0x2c: {  	s21 =	rddreg [dreg:$0x5]  }
0x2d: {  	p0 =	sle.u32 s21, $0x0  }
0x2e: {  	[sflag:s17] =	ssyncset.done $0x0;
	s0 =	sadd.s32 @!p0 $0xFFFFFF00, s15  }
0x2f: {  	[sflag:s17] =	ssyncadd.s32 $0xFFFFC800;
	s28 =	simm.s32 @!p0 $0x3;
	s0 =	sshrl.u32 @!p0 s0, $0x3  }
0x30: {  	s29 =	simm.s32 @!p0 $0x0;
	s30 =	simm.s32 @!p0 $0x1F000;
	s0 =	sadd.s32 @!p0 s1, s0  }
0x31: {  	[tilespmem:s30], [sflag:$0x3] =	stream.linear.gather @!p0 [hbm4b:s0+s29], $0x100, $0x38;
	[tilespmem:$0x1F200] =	vst v63  }
0x32: {  	_ =	swait.ge @!p0 [sflag:s28], $0x100  }
0x33: {  	[sflag:s28] =	ssyncset.done @!p0 $0x0  }
0x34: {  	s0 =	simm.s32 @!p0 $0x70;
	s29 =	simm.s32 @!p0 $0x18000;
	[sflag:s28] =	ssyncadd.s32 @!p0 $0xFFFFFF00  }
0x35: {  	[tilespmem:s29], [sflag:$0x1] =	stream.indirect.gather @!p0 [hbm4b:s5+s0], $0x80, s30, s0, $0xb8;
	[tilespmem:$0x1F200] =	vst v63  }
0x36: {  	p3 =	sle.u32 s10, $0x0;
	s29 =	sadd.s32 $0xFFFFFFFF, s26  }
0x37: {  	s31 =	simm.s32 @!p3 $0x1F100;
	p1 =	sne.s32 s29, $0x0  }
.Ltmp1:
0x38: {  	p2 =	sle.u32 s6, $0x3;
	_ =	swait.ge [sflag:s23], $0x3800;
	(pc) =	sbr.rel @!p1 .LBB2_5-.Ltmp1, $4  }
0x39: {  	s28 =	simm.s32 $0x2;
	s26 =	sadd.s32 $0x200, s15;
	[sflag:s23] =	ssyncset.done $0x0  }
0x3a: {  	s0 =	sshrl.u32 @!p3 s15, $0x3;
	s30 =	rddreg [dreg:$0x6];
	[sflag:s23] =	ssyncadd.s32 $0xFFFFC800  }
0x3b: {  	[spmem:s3] =	stream.indirect.scatter.add.f32 [tilespmem:s30], [sflag:$0x4], $0x80, s24, s19, $0xb8;
	[tilespmem:$0x1F200] =	vst v63  }
0x3c: {  	p0 =	por $0x1, $0x1;
	s0 =	sadd.s32 @!p3 s1, s0;
	_ =	swait.ge [sflag:s17], $0x3800  }
.LBB2_4:
0x3d: {  	[sflag:s17] =	ssyncset.done $0x0  }
0x3e: {  	s2 =	simm.s32 @!p2 $0x3;
	s21 =	simm.s32 @!p3 $0x0;
	[sflag:s17] =	ssyncadd.s32 $0xFFFFC800  }
0x3f: {  	[tilespmem:s31], [sflag:$0x3] =	stream.linear.gather @!p3 [hbm4b:s0+s21], $0x100, $0x38;
	[tilespmem:$0x1F200] =	vst v63  }
0x40: {  	_ =	swait.ge @!p2 [sflag:s2], $0x100  }
0x41: {  	s0 =	simm.s32 @!p2 $0x1B800;
	[sflag:s2] =	ssyncset.done @!p2 $0x0  }
0x42: {  	s21 =	simm.s32 @!p2 $0x70;
	s31 =	simm.s32 @!p2 $0x1F100;
	[sflag:s2] =	ssyncadd.s32 @!p2 $0xFFFFFF00  }
0x43: {  	[tilespmem:s0], [sflag:$0x2] =	stream.indirect.gather @!p2 [hbm4b:s5+s21], $0x80, s31, s21, $0xb8;
	[tilespmem:$0x1F200] =	vst v63  }
0x44: {  	_ =	swait.ge [sflag:s22], $0x3800  }
0x45: {  	[sflag:s22] =	ssyncset.done $0x0  }
0x46: {  	s2 =	rddreg [dreg:$0x4];
	[sflag:s22] =	ssyncadd.s32 $0xFFFFC800  }
0x47: {  	[spmem:s3] =	stream.indirect.scatter.add.f32 [tilespmem:s20], [sflag:$0x4], $0x80, s2, s19, $0xb8;
	[tilespmem:$0x1F200] =	vst v63  }
0x48: {  	_ =	swait.ge [sflag:s17], $0x3800  }
0x49: {  	s21 =	rddreg [dreg:$0x5]  }
0x4a: {  	p2 =	sge.u32 s28, s21  }
0x4b: {  	s29 =	sadd.s32 $0xFFFFFFFF, s29;
	[sflag:s17] =	ssyncset.done $0x0;
	s0 =	sadd.s32 @!p2 $0xFFFFFF00, s26  }
0x4c: {  	[sflag:s17] =	ssyncadd.s32 $0xFFFFC800;
	s2 =	simm.s32 @!p2 $0x3;
	s0 =	sshrl.u32 @!p2 s0, $0x3  }
0x4d: {  	s21 =	simm.s32 @!p2 $0x0;
	s31 =	simm.s32 @!p2 $0x1F000;
	s0 =	sadd.s32 @!p2 s1, s0  }
0x4e: {  	[tilespmem:s31], [sflag:$0x3] =	stream.linear.gather @!p2 [hbm4b:s0+s21], $0x100, $0x38;
	[tilespmem:$0x1F200] =	vst v63  }
0x4f: {  	s30 =	smov.u32 s26;
	p1 =	sne.s32 s29, $0x0;
	_ =	swait.ge @!p2 [sflag:s2], $0x100  }
0x50: {  	p3 =	sge.u32 s28, s10;
	s28 =	sadd.s32 $0x2, s28;
	[sflag:s2] =	ssyncset.done @!p2 $0x0  }
0x51: {  	s0 =	simm.s32 @!p2 $0x70;
	s21 =	simm.s32 @!p2 $0x18000;
	[sflag:s2] =	ssyncadd.s32 @!p2 $0xFFFFFF00  }
0x52: {  	[tilespmem:s21], [sflag:$0x1] =	stream.indirect.gather @!p2 [hbm4b:s5+s0], $0x80, s31, s0, $0xb8;
	[tilespmem:$0x1F200] =	vst v63  }
.Ltmp2:
0x53: {  	s26 =	sadd.s32 $0x200, s26;
	_ =	swait.ge [sflag:s23], $0x3800;
	(pc) =	sbr.rel @p1 .LBB2_4-.Ltmp2, $4  }
0x54: {  	s2 =	sadd.s32 $0x1, s28;
	s21 =	sshrl.u32 @!p3 s30, $0x3;
	[sflag:s23] =	ssyncset.done $0x0  }
0x55: {  	s31 =	simm.s32 @!p3 $0x1F100;
	s0 =	rddreg [dreg:$0x6];
	[sflag:s23] =	ssyncadd.s32 $0xFFFFC800  }
0x56: {  	[spmem:s3] =	stream.indirect.scatter.add.f32 [tilespmem:s0], [sflag:$0x4], $0x80, s24, s19, $0xb8;
	[tilespmem:$0x1F200] =	vst v63  }
0x57: {  	p2 =	sge.u32 s2, s6;
	s0 =	sadd.s32 @!p3 s1, s21;
	_ =	swait.ge [sflag:s17], $0x3800  }
.LBB2_5:
0x58: {  	[sflag:s17] =	ssyncset.done @p0 $0x0;
	p1 =	por p3, !p0  }
0x59: {  	s2 =	simm.s32 @!p2 $0x3;
	s21 =	simm.s32 @!p1 $0x0;
	[sflag:s17] =	ssyncadd.s32 @p0 $0xFFFFC800  }
0x5a: {  	[tilespmem:s31], [sflag:$0x3] =	stream.linear.gather @!p1 [hbm4b:s0+s21], $0x100, $0x38;
	[tilespmem:$0x1F200] =	vst v63  }
0x5b: {  	_ =	swait.ge @!p2 [sflag:s2], $0x100  }
0x5c: {  	s29 =	simm.s32 @!p2 $0x1F100;
	[sflag:s2] =	ssyncset.done @!p2 $0x0  }
0x5d: {  	s0 =	simm.s32 @!p2 $0x1B800;
	s21 =	simm.s32 @!p2 $0x70;
	[sflag:s2] =	ssyncadd.s32 @!p2 $0xFFFFFF00  }
0x5e: {  	[tilespmem:s0], [sflag:$0x2] =	stream.indirect.gather @!p2 [hbm4b:s5+s21], $0x80, s29, s21, $0xb8;
	[tilespmem:$0x1F200] =	vst v63  }
0x5f: {  	_ =	swait.ge [sflag:s22], $0x3800  }
0x60: {  	[sflag:s22] =	ssyncset.done $0x0  }
0x61: {  	s29 =	rddreg [dreg:$0x4];
	[sflag:s22] =	ssyncadd.s32 $0xFFFFC800  }
0x62: {  	[spmem:s3] =	stream.indirect.scatter.add.f32 [tilespmem:s20], [sflag:$0x4], $0x80, s29, s19, $0xb8;
	[tilespmem:$0x1F200] =	vst v63  }
0x63: {  	_ =	swait.ge [sflag:s17], $0x3800  }
0x64: {  	s30 =	rddreg [dreg:$0x5]  }
0x65: {  	p0 =	sge.u32 s28, s30  }
0x66: {  	[sflag:s17] =	ssyncset.done $0x0;
	s0 =	sadd.s32 @!p0 $0xFFFFFF00, s26  }
0x67: {  	[sflag:s17] =	ssyncadd.s32 $0xFFFFC800;
	s2 =	simm.s32 @!p0 $0x3;
	s0 =	sshrl.u32 @!p0 s0, $0x3  }
0x68: {  	s21 =	simm.s32 @!p0 $0x0;
	s29 =	simm.s32 @!p0 $0x1F000;
	s0 =	sadd.s32 @!p0 s1, s0  }
0x69: {  	[tilespmem:s29], [sflag:$0x3] =	stream.linear.gather @!p0 [hbm4b:s0+s21], $0x100, $0x38;
	[tilespmem:$0x1F200] =	vst v63  }
0x6a: {  	_ =	swait.ge @!p0 [sflag:s2], $0x100  }
0x6b: {  	[sflag:s2] =	ssyncset.done @!p0 $0x0  }
0x6c: {  	s0 =	simm.s32 @!p0 $0x70;
	s21 =	simm.s32 @!p0 $0x18000;
	[sflag:s2] =	ssyncadd.s32 @!p0 $0xFFFFFF00  }
0x6d: {  	[tilespmem:s21], [sflag:$0x1] =	stream.indirect.gather @!p0 [hbm4b:s5+s0], $0x80, s29, s0, $0xb8;
	[tilespmem:$0x1F200] =	vst v63  }
0x6e: {  	_ =	swait.ge [sflag:s23], $0x3800  }
0x6f: {  	[sflag:s23] =	ssyncset.done $0x0  }
0x70: {  	s31 =	rddreg [dreg:$0x6];
	[sflag:s23] =	ssyncadd.s32 $0xFFFFC800  }
0x71: {  	[spmem:s3] =	stream.indirect.scatter.add.f32 [tilespmem:s31], [sflag:$0x4], $0x80, s24, s19, $0xb8;
	[tilespmem:$0x1F200] =	vst v63  }
0x72: {  	s25 =	sadd.s32 $0x1, s25;
	p0 =	sge.u32 s28, s10;
	_ =	swait.ge [sflag:s17], $0x3800  }
0x73: {  	s0 =	sshrl.u32 @!p0 s26, $0x3;
	s2 =	simm.s32 @!p0 $0x1F100;
	[sflag:s17] =	ssyncset.done $0x0  }
0x74: {  	s21 =	simm.s32 @!p0 $0x0;
	s0 =	sadd.s32 @!p0 s1, s0;
	[sflag:s17] =	ssyncadd.s32 $0xFFFFC800  }
0x75: {  	[tilespmem:s2], [sflag:$0x3] =	stream.linear.gather @!p0 [hbm4b:s0+s21], $0x100, $0x38;
	[tilespmem:$0x1F200] =	vst v63  }
0x76: {  	p0 =	sne.s32 s25, s9;
	[bflag:$0x0] =	sbarrier.arrive $0xFFFF  }
0x77: {  	[hbm:s8], [sflag:s13] =	dma.local [spmem:s16], $0x3000  }
.Ltmp3:
0x78: {  	_ = 	snop;
	(pc) =	sbr.rel @p0 .LBB2_1-.Ltmp3, $4  }
.Ltmp4:
0x79: {  	_ = 	snop;
	(pc) =	sbr.rel @!p0 .LBB2_6-.Ltmp4, $4  }
0x7a: {  	_ =	swait.ge [sflag:s17], $0x3000  }
0x7b: {  	[sflag:s17] =	ssyncset.done $0x0  }
0x7c: {  	[sflag:s17] =	ssyncadd.s32 $0xFFFFD000  }
0x7d: {  	_ = 	snop  }
.LBB2_2:
.Ltmp5:
0x7e: {  	(pc) =	sbr.rel .LBB2_5-.Ltmp5, $2  }
0x7f: {  	_ =	sdelay $0x2  }
0x80: {  	s26 =	smov.u32 s15;
	s28 =	simm.s32 $0x0  }
.LBB2_6:
0x81: {  	_ =	sfence.sel $0x180000  }
0x82: {  	[bflag:$0x0] =	sbarrier.arrive $0xFFFF  }
0x83: {  	_ =	strace $0x9000004D  }
0x84: {  	s0 =	stileid.u32;
	[bflag:$0x2] =	sbarrier.arrive $0xFFFF  }
0x85: {  	p0 =	sne.s32 s0, $0x0;
	s0 =	rddreg [dreg:$0x3]  }
0x86: {  	s0 =	sadd.s32 @!p0 $0x100000, s0  }
0x87: {  	[sflag:s0] =	ssyncadd.tile.s32 @!p0 $0x1;
	_ =	shalt  }
.Lfunc_end2:
_tile_overlayer_lowered:
.L_overlay_start_2:
0x88: {  	(tag) =	ssettag $0x2  }
0x89: {  	s0 =	rddreg [dreg:$0x0];
	s2 =	stileid.u32  }
0x8a: {  	s1 =	rddreg [dreg:$0x1];
	p0 =	sne.s32 s2, $0x0  }
0x8b: {  	s3 =	rddreg [dreg:$0x2];
	[bflag:$0x3] =	sbarrier.arrive $0xFFFF;
	s2 =	simm.s32 @!p0 $0x1C04  }
0x8c: {  	[timem:s3], [sflag:s2] =	dma.local @!p0 [hbm:s0], s1  }
0x8d: {  	s0 =	simm.s32 @!p0 $0x4  }
0x8e: {  	_ =	swait.ge @!p0 [sflag:s0], s1  }
0x8f: {  	s1 =	ssub.s32 @!p0 $0x0, s1;
	[sflag:s0] =	ssyncset.done @!p0 $0x0  }
0x90: {  	[sflag:s0] =	ssyncadd.s32 @!p0 s1  }
0x91: {  	[bflag:$0x3] =	sbarrier.arrive $0xFFFF  }
0x92: {  	_ =	shalt  }

// kernel: kernel.9.cloned.1.call-start
scs
__scs_entry_jumppad:
0x0: {  	(pc) =	sbr.rel $0x88, $3  }
0x1: {  	(tag) =	ssettag $0x0;
	lr =	simm.s32 $0x1  }
0x2: {  	[smem:$0x3F9B] =	sst lr;
	_ =	strace $0xD0000000  }
0x3: {  	_ = 	snop  }
0x4: {  	_ = 	snop  }
0x5: {  	_ = 	snop  }
0x6: {  	_ = 	snop  }
0x7: {  	_ = 	snop  }
__scs_overlays_trampoline_lowered:
0x8: {  	[smem:$0x3FAA] =	sst s0  }
0x9: {  	[smem:$0x3FAB] =	sst s1  }
0xa: {  	[smem:$0x3FAC] =	sst s2  }
0xb: {  	[smem:$0x3FAD] =	sst s3  }
0xc: {  	[smem:$0x3FAE] =	sst s4  }
0xd: {  	[smem:$0x3FAF] =	sst s5  }
0xe: {  	[smem:$0x3FB0] =	sst s6  }
0xf: {  	[smem:$0x3FB1] =	sst s7  }
0x10: {  	[smem:$0x3FB2] =	sst s8  }
0x11: {  	[smem:$0x3FB3] =	sst s9;
	s0 =	simm.s32 @!p0 $0x0  }
0x12: {  	s1 =	sld [smem:$0x3F99];
	s0 =	simm.s32 @p0 $0x1  }
0x13: {  	[smem:$0x3FB4] =	sst s0;
	s0 =	simm.s32 @!p1 $0x0  }
0x14: {  	s2 =	sld [smem:$0x3F98];
	s0 =	simm.s32 @p1 $0x1  }
0x15: {  	[smem:$0x3FB5] =	sst s0;
	s0 =	simm.s32 @!p2 $0x0  }
0x16: {  	s3 =	sld [smem:$0x3FDB];
	s0 =	simm.s32 @p2 $0x1  }
0x17: {  	s4 =	simm.s32 $0x1BF5;
	[smem:$0x3FB7] =	sst s0  }
0x18: {  	s0 =	sld [smem:$0x3F9A];
	_ =	swait.ge [sflag:s4], $0x0  }
0x19: {  	s7 =	sld [smem:$0x3F9B]  }
0x1a: {  	s8 =	sadd.s32 $0xFFFFE003, lr  }
0x1b: {  	s9 =	sadd.s32 $0xFFFFFEF7, lr;
	s5 =	simm.s32 $0xFFFFFFFF;
	p2 =	slt.u32 s8, $0xFFFFF086  }
0x1c: {  	p1 =	slt.u32 s9, $0xF7A;
	s5 =	simm.s32 @!p2 $0x0  }
0x1d: {  	s5 =	simm.s32 @p1 $0x1;
	p0 =	seq.s32 s7, s2  }
0x1e: {  	s7 =	smul.u32 @!p0 $0xF7A, s2;
	p2 =	seq.s32 @!p0 s5, $0x0  }
0x1f: {  	s9 =	smul.u32 $0xF7A, s1;
	s8 =	simm.s32 @!p0 $0x1BF5;
	p2 =	por !p2, p0  }
0x20: {  	[sflag:s8] =	ssyncset.s32 @!p0 $0xFFFFF086;
	s6 =	sadd.s32 @!p0 s3, s7;
	s7 =	simm.s32 @!p0 $0x108  }
0x21: {  	s3 =	sadd.s32 s3, s9;
	s6 =	sadd.s32 @!p0 $0x88, s6;
	s7 =	simm.s32 @p2 $0x1082  }
0x22: {  	[simem:s7], [sflag:s8] =	dma.local @!p0 [hbm:s6], $0xF7A  }
0x23: {  	s9 =	sor.u32 $0xD0000000, s2;
	s6 =	simm.s32 $0x108;
	_ =	swait.ge @!p0 [sflag:s8], $0x0  }
0x24: {  	s3 =	sadd.s32 $0x88, s3;
	s6 =	simm.s32 @!p1 $0x1082;
	[sflag:s4] =	ssyncset.s32 $0xFFFFF086  }
0x25: {  	[simem:s6], [sflag:s4] =	dma.local [hbm:s3], $0xF7A  }
0x26: {  	[smem:$0x3F9B] =	sst s1;
	(tag) =	ssettag s2;
	_ =	strace s9  }
0x27: {  	s1 =	sld [smem:$0x3FAB]  }
0x28: {  	s2 =	sld [smem:$0x3FAC]  }
0x29: {  	s4 =	sld [smem:$0x3FAE]  }
0x2a: {  	p0 =	seq.s32 s5, $0x0;
	s5 =	sld [smem:$0x3FAF]  }
0x2b: {  	s6 =	sld [smem:$0x3FB0]  }
0x2c: {  	s7 =	sld [smem:$0x3FB1]  }
0x2d: {  	s3 =	simm.s32 $0x108;
	s8 =	sld [smem:$0x3FB2]  }
0x2e: {  	s3 =	simm.s32 @!p0 $0x1082;
	s9 =	sld [smem:$0x3FB3]  }
0x2f: {  	lr =	sadd.s32 s0, s3;
	s0 =	sld [smem:$0x3FAA]  }
0x30: {  	s3 =	sld [smem:$0x3FAD]  }
0x31: {  	[smem:$0x3FB6] =	sst s10  }
0x32: {  	s10 =	sld [smem:$0x3FB4];
	_ =	sdelay $0x3  }
0x33: {  	p0 =	seq.s32 s10, $0x1;
	s10 =	sld [smem:$0x3FB6];
	_ =	sdelay $0x3  }
0x34: {  	[smem:$0x3FB6] =	sst s10  }
0x35: {  	s10 =	sld [smem:$0x3FB5];
	_ =	sdelay $0x3  }
0x36: {  	p1 =	seq.s32 s10, $0x1;
	s10 =	sld [smem:$0x3FB6];
	_ =	sdelay $0x3  }
0x37: {  	[smem:$0x3FB6] =	sst s10  }
0x38: {  	s10 =	sld [smem:$0x3FB7]  }
0x39: {  	_ = 	snop;
	(pc) =	sbr.ind lr, $3  }
0x3a: {  	_ = 	snop  }
0x3b: {  	_ = 	snop  }
0x3c: {  	p2 =	seq.s32 s10, $0x1;
	s10 =	sld [smem:$0x3FB6]  }
0x3d: {  	_ =	shalt  }
0x3e: {  	_ =	shalt  }
0x3f: {  	_ =	shalt  }
0x40: {  	_ =	shalt  }
0x41: {  	_ =	shalt  }
0x42: {  	_ =	shalt  }
0x43: {  	_ =	shalt  }
0x44: {  	_ =	shalt  }
0x45: {  	_ =	shalt  }
0x46: {  	_ =	shalt  }
0x47: {  	_ =	shalt  }
0x48: {  	_ =	shalt  }
0x49: {  	_ =	shalt  }
0x4a: {  	_ =	shalt  }
0x4b: {  	_ =	shalt  }
0x4c: {  	_ =	shalt  }
0x4d: {  	_ =	shalt  }
0x4e: {  	_ =	shalt  }
0x4f: {  	_ =	shalt  }
0x50: {  	_ =	shalt  }
0x51: {  	_ =	shalt  }
0x52: {  	_ =	shalt  }
0x53: {  	_ =	shalt  }
0x54: {  	_ =	shalt  }
0x55: {  	_ =	shalt  }
0x56: {  	_ =	shalt  }
0x57: {  	_ =	shalt  }
0x58: {  	_ =	shalt  }
0x59: {  	_ =	shalt  }
0x5a: {  	_ =	shalt  }
0x5b: {  	_ =	shalt  }
0x5c: {  	_ =	shalt  }
0x5d: {  	_ =	shalt  }
0x5e: {  	_ =	shalt  }
0x5f: {  	_ =	shalt  }
0x60: {  	_ =	shalt  }
0x61: {  	_ =	shalt  }
0x62: {  	_ =	shalt  }
0x63: {  	_ =	shalt  }
0x64: {  	_ =	shalt  }
0x65: {  	_ =	shalt  }
0x66: {  	_ =	shalt  }
0x67: {  	_ =	shalt  }
0x68: {  	_ =	shalt  }
0x69: {  	_ =	shalt  }
0x6a: {  	_ =	shalt  }
0x6b: {  	_ =	shalt  }
0x6c: {  	_ =	shalt  }
0x6d: {  	_ =	shalt  }
0x6e: {  	_ =	shalt  }
0x6f: {  	_ =	shalt  }
0x70: {  	_ =	shalt  }
0x71: {  	_ =	shalt  }
0x72: {  	_ =	shalt  }
0x73: {  	_ =	shalt  }
0x74: {  	_ =	shalt  }
0x75: {  	_ =	shalt  }
0x76: {  	_ =	shalt  }
0x77: {  	_ =	shalt  }
0x78: {  	_ =	shalt  }
0x79: {  	_ =	shalt  }
0x7a: {  	_ =	shalt  }
0x7b: {  	_ =	shalt  }
0x7c: {  	_ =	shalt  }
0x7d: {  	_ =	shalt  }
0x7e: {  	_ =	shalt  }
0x7f: {  	_ =	shalt  }
0x80: {  	_ =	shalt  }
0x81: {  	_ =	shalt  }
0x82: {  	_ =	shalt  }
0x83: {  	_ =	shalt  }
0x84: {  	_ =	shalt  }
0x85: {  	_ =	shalt  }
0x86: {  	_ =	shalt  }
0x87: {  	_ =	shalt  }
.Lfunc_end0:
.L_simem_size_0:
called_computation_lowered:
.L_overlay_start_0:
0x88: {  	s2 =	sld [smem:$0x3FD9]  }
0x89: {  	s3 =	sld [smem:$0x3FFE];
	_ =	sdelay $0x1  }
0x8a: {  	s1 =	srdreg.scid  }
0x8b: {  	s0 =	sand.u32 $0x1, s1  }
0x8c: {  	s17 =	sshll.u32 s0, $0xA;
	s2 =	sadd.s32 s3, s2  }
0x8d: {  	s2 =	sadd.s32 s2, s17  }
0x8e: {  	[smem:$0x3FC2] =	sst s2  }
0x8f: {  	_ = 	snop  }
0x90: {  	s2 =	sld [smem:$0x3FD0];
	(tm) =	ssettm $0x1  }
0x91: {  	s18 =	sld [smem:$0x3FFB];
	_ =	sdelay $0x3  }
0x92: {  	_ =	strace s18  }
0x93: {  	s3 =	sld [smem:$0x3FFC];
	_ =	sdelay $0x3  }
0x94: {  	_ =	strace s3  }
0x95: {  	s3 =	sld [smem:$0x3FFD];
	_ =	sdelay $0x3  }
0x96: {  	_ =	strace s3  }
0x97: {  	_ =	strace $0x8FFFFFFF  }
0x98: {  	s19 =	sld [smem:$0x3FDB];
	_ =	sdelay $0x1  }
0x99: {  	s4 =	simm.s32 $_scs_section_size  }
0x9a: {  	s5 =	simm.s32 $_size__tile_overlayer_lowered;
	s6 =	simm.s32 $_tile_overlayer_lowered  }
0x9b: {  	s22 =	simm.s32 $0x1BFF;
	s21 =	sshll.u32 s6, $0x1;
	s3 =	sadd.s32 s4, s19  }
0x9c: {  	s7 =	simm.s32 $0x0;
	s20 =	sshll.u32 s5, $0x1;
	s5 =	sadd.s32 s21, s3  }
0x9d: {  	[timem:s7], [sflag:s22] =	dma.local [hbm:s5], s20  }
0x9e: {  	_ =	swait.ge [sflag:s22], s20  }
0x9f: {  	s4 =	ssub.s32 $0x0, s20;
	[sflag:s22] =	ssyncset.done $0x0  }
0xa0: {  	[sflag:s22] =	ssyncadd.s32 s4;
	_ =	sdelay $0x1  }
0xa1: {  	s23 =	simm.s32 $0x1B8B  }
0xa2: {  	_ =	swait.ge [sflag:s23], $0x1  }
0xa3: {  	[sflag:s23] =	ssyncset.done $0x0  }
0xa4: {  	s25 =	simm.s32 $0x1B8E;
	s24 =	sld [smem:$0x3FFE];
	[sflag:s23] =	ssyncadd.s32 $0xFFFFFFFF  }
0xa5: {  	s26 =	simm.s32 $execute0_lowered;
	[smem:$0x3FD2] =	sst s25  }
0xa6: {  	s5 =	sshll.u32 s26, $0x1;
	_ =	strace $0x80000046;
	[dreg:$0x1] =	wrdreg $0xFFFFFFFF  }
0xa7: {  	s28 =	simm.s32 $_size_execute0_lowered;
	s3 =	sadd.s32 s3, s5;
	[dreg:$0x0] =	wrdreg $0x0  }
0xa8: {  	s5 =	sshll.u32 s28, $0x1;
	[dreg:$0x2] =	wrdreg s3  }
0xa9: {  	[dreg:$0x3] =	wrdreg s5  }
0xaa: {  	[dreg:$0x4] =	wrdreg $0xC0  }
0xab: {  	_ =	task [dreg:s7], $0x5FFFF  }
0xac: {  	[dreg:$0x1] =	wrdreg $0xFFFFFFFF  }
0xad: {  	[dreg:$0x0] =	wrdreg $0x60  }
0xae: {  	[dreg:$0x2] =	wrdreg s2  }
0xaf: {  	[dreg:$0x3] =	wrdreg s24  }
0xb0: {  	[dreg:$0x4] =	wrdreg $0x0  }
0xb1: {  	[dreg:$0x5] =	wrdreg $0x9  }
0xb2: {  	_ =	task.clear_ibuf [dreg:s7], $0x6FFFF;
	_ =	strace $0x90000046  }
0xb3: {  	s29 =	simm.s32 $0x9;
	_ =	strace $0x80000048  }
0xb4: {  	_ =	swait.ge [sflag:s29], $0x1  }
0xb5: {  	[sflag:s29] =	ssyncadd.s32 $0xFFFFFFFF  }
0xb6: {  	_ =	strace $0x90000048  }
0xb7: {  	_ =	sfence  }
0xb8: {  	s30 =	sld [smem:$0x0];
	_ =	sdelay $0x2  }
0xb9: {  	s31 =	sshll.u32 s1, $0xD;
	s1 =	sshrl.u32 s1, $0x2  }
0xba: {  	s3 =	sand.u32 $0x4000, s31;
	s1 =	sadd.s32 s1, s30  }
0xbb: {  	s0 =	sor.u32 s3, s0;
	s1 =	sshll.u32 s1, $0x11  }
0xbc: {  	s0 =	sor.u32 s1, s0  }
0xbd: {  	s0 =	sadd.s32 $0x8F2B, s0  }
0xbe: {  	[sflag:s0] =	ssyncadd.remote.s32 $0x1  }
0xbf: {  	_ =	sfence.sel $0xFFFF  }
0xc0: {  	[dreg:$0x0] =	wrdreg $0xFFFFFFFF;
	(pc) =	sbr.abs _section_cstart, $3  }
0xc1: {  	[dreg:$0x1] =	wrdreg $0xFFFFFFFF  }
0xc2: {  	_ =	task.clear_ibuf [dreg:s7], $0x2FFFF;
	_ =	strace $0x9FFFFFFF  }
0xc3: {  	(tm) =	ssettm $0x7FFFFFFF  }
tec
execute0_lowered:
.L_overlay_start_1:
0x0: {  	(tag) =	ssettag $0x1  }
0x1: {  	s9 =	rddreg [dreg:$0x0]  }
0x2: {  	s4 =	rddreg [dreg:$0x1]  }
0x3: {  	s2 =	rddreg [dreg:$0x2]  }
0x4: {  	s0 =	rddreg [dreg:$0x3]  }
0x5: {  	s3 =	simm.s32 $0x0;
	s5 =	srdreg.scid;
	s1 =	stileid.u32  }
0x6: {  	s14 =	simm.s32 $0x1;
	s15 =	simm.s32 $0x70;
	s16 =	simm.s32 $0x1B000  }
0x7: {  	s19 =	simm.s32 $0x0;
	[smem:$0x7FF] =	sst s3;
	s26 =	smul.u32 $0x3000, s1  }
0x8: {  	s7 =	sand.u32 $0x1, s5;
	s8 =	sshll.u32 s1, $0x1;
	s11 =	smul.u32 $0x60000, s1  }
0x9: {  	s31 =	smul.u32 $0x1680, s1;
	s17 =	sshll.u32 s1, $0x6;
	_ =	strace $0x80000047  }
0xa: {  	s6 =	smul.u32 $0x30000, s7;
	s10 =	ssub.s32 $0x2, s7;
	s8 =	sor.u32 s7, s8  }
0xb: {  	s13 =	smul.u32 $0xB40, s7;
	s17 =	sor.u32 $0x1C02, s17;
	s28 =	sshrl.u32 s10, $0x1  }
0xc: {  	s8 =	smul.u32 $0xB40, s8;
	s29 =	sshrl.u32 s11, $0x2;
	s5 =	sadd.s32 s26, s6  }
0xd: {  	s11 =	simm.s32 $0x2;
	s10 =	ssub.s32 s10, s28;
	s12 =	sadd.s32 s5, s4  }
0xe: {  	s4 =	sadd.s32 s29, s2;
	s30 =	sadd.s32 s8, s9;
	s8 =	smax.u32 s10, $0x1  }
0xf: {  	s9 =	sadd.s32 s31, s9;
	s10 =	simm.s32 $0x3000;
	s5 =	sadd.s32 $0x10, s30  }
0x10: {  	s6 =	sadd.s32 $0x30, s30;
	s7 =	sadd.s32 $0x1E00, s12;
	s9 =	sadd.s32 s13, s9  }
0x11: {  	v0 =	vimm.f32 $0.0e+00;
	v1 =	vimm.f32 $1.000000000e+00;
	s12 =	simm.s32 $0x1E800;
	s13 =	simm.s32 $0x1E880;
	s18 =	sshrl.u32 s4, $0x3  }
.LBB2_1:
0x12: {  	s20 =	simm.s32 $0x0  }
.LBB2_2:
0x13: {  	p0 =	sne.s32 s20, $0x5FE00  }
.Ltmp0:
0x14: {  	_ = 	snop;
	(pc) =	sbr.rel @p0 .LBB2_2-.Ltmp0, $3  }
0x15: {  	_ =	sdelay $0x1  }
0x16: {  	s21 =	sshra.s32 s20, $0x2  }
0x17: {  	s20 =	sadd.s32 $0x200, s20;
	[tilespmem:s21+$0x3000] =	vst v0  }
0x18: {  	s20 =	simm.s32 $0x200;
	s21 =	simm.s32 $0x0  }
.LBB2_4:
0x19: {  	p0 =	sne.s32 s20, $0xDE00;
	[tilespmem:s21+$0x1B000] =	vst v1;
	s21 =	smov.u32 s20;
	s20 =	sadd.s32 $0x200, s20  }
.Ltmp1:
0x1a: {  	(pc) =	sbr.rel @p0 .LBB2_4-.Ltmp1, $2  }
0x1b: {  	_ =	sdelay $0x2  }
0x1c: {  	s21 =	sshra.s32 s21, $0x2  }
0x1d: {  	[tilespmem:s21+$0x1B000] =	vst v1  }
0x1e: {  	[spmem:s4] =	stream.linear.scatter [tilespmem:s10], [sflag:$0x2], $0x18000, $0x38;
	[tilespmem:$0x1E900] =	vst v63  }
0x1f: {  	_ =	swait.ge [sflag:s11], $0x18000  }
0x20: {  	[sflag:s11] =	ssyncset.done $0x0  }
0x21: {  	[sflag:s11] =	ssyncadd.s32 $0xFFFE8000  }
0x22: {  	[bflag:$0x0] =	sbarrier.arrive $0xFFFF  }
0x23: {  	[tilespmem:s12], [sflag:$0x2] =	stream.linear.gather [hbm4b:s5+s3], $0x80, $0x38;
	[tilespmem:$0x1E900] =	vst v63  }
0x24: {  	_ =	swait.ge [sflag:s11], $0x80  }
0x25: {  	[sflag:s11] =	ssyncset.done $0x0  }
0x26: {  	[sflag:s11] =	ssyncadd.s32 $0xFFFFFF80  }
0x27: {  	[tilespmem:s13], [sflag:$0x1] =	stream.linear.gather [hbm4b:s6+s3], $0x80, $0x38;
	[tilespmem:$0x1E900] =	vst v63  }
0x28: {  	_ =	swait.ge [sflag:s14], $0x80  }
0x29: {  	[sflag:s14] =	ssyncset.done $0x0  }
0x2a: {  	[sflag:s14] =	ssyncadd.s32 $0xFFFFFF80  }
0x2b: {  	[spmem:s2] =	stream.indirect.scatter.add.f32 [tilespmem:s16], [sflag:$0x2], $0x10, s12, s15, $0xb8;
	[tilespmem:$0x1E900] =	vst v63  }
0x2c: {  	_ =	swait.ge [sflag:s11], $0x700  }
0x2d: {  	s31 =	sadd.s32 $0xFFFFF500, s9;
	[sflag:s11] =	ssyncset.done $0x0  }
0x2e: {  	s20 =	sadd.s32 $0xB50, s31;
	[sflag:s11] =	ssyncadd.s32 $0xFFFFF900  }
0x2f: {  	[tilespmem:s12], [sflag:$0x1] =	stream.linear.gather [hbm4b:s20+s3], $0x80, $0x38;
	[tilespmem:$0x1E900] =	vst v63  }
0x30: {  	_ =	swait.ge [sflag:s14], $0x80  }
0x31: {  	[sflag:s14] =	ssyncset.done $0x0  }
0x32: {  	[sflag:s14] =	ssyncadd.s32 $0xFFFFFF80  }
0x33: {  	[spmem:s2] =	stream.indirect.scatter.add.f32 [tilespmem:s16], [sflag:$0x2], $0x10, s13, s15, $0xb8;
	[tilespmem:$0x1E900] =	vst v63  }
0x34: {  	_ =	swait.ge [sflag:s11], $0x700  }
0x35: {  	[sflag:s11] =	ssyncset.done $0x0  }
0x36: {  	s21 =	sadd.s32 $0xB70, s31;
	s20 =	simm.s32 $0xFFFFF540;
	[sflag:s11] =	ssyncadd.s32 $0xFFFFF900  }
.LBB2_6:
0x37: {  	[tilespmem:s13], [sflag:$0x1] =	stream.linear.gather [hbm4b:s21+s3], $0x80, $0x38;
	[tilespmem:$0x1E900] =	vst v63  }
0x38: {  	s21 =	smov.u32 s20  }
0x39: {  	p0 =	sne.s32 s20, $0xFFFFFFC0;
	s20 =	sadd.s32 $0x40, s20;
	_ =	swait.ge [sflag:s14], $0x80  }
0x3a: {  	[sflag:s14] =	ssyncset.done $0x0  }
0x3b: {  	[sflag:s14] =	ssyncadd.s32 $0xFFFFFF80  }
0x3c: {  	[spmem:s2] =	stream.indirect.scatter.add.f32 [tilespmem:s16], [sflag:$0x2], $0x10, s12, s15, $0xb8;
	[tilespmem:$0x1E900] =	vst v63  }
0x3d: {  	_ =	swait.ge [sflag:s11], $0x700  }
0x3e: {  	s21 =	sadd.s32 s21, s9;
	[sflag:s11] =	ssyncset.done $0x0  }
0x3f: {  	s22 =	sadd.s32 $0xB50, s21;
	[sflag:s11] =	ssyncadd.s32 $0xFFFFF900  }
0x40: {  	[tilespmem:s12], [sflag:$0x1] =	stream.linear.gather [hbm4b:s22+s3], $0x80, $0x38;
	[tilespmem:$0x1E900] =	vst v63  }
0x41: {  	_ =	swait.ge [sflag:s14], $0x80  }
0x42: {  	[sflag:s14] =	ssyncset.done $0x0  }
.Ltmp2:
0x43: {  	[sflag:s14] =	ssyncadd.s32 $0xFFFFFF80;
	(pc) =	sbr.rel @p0 .LBB2_6-.Ltmp2, $4  }
0x44: {  	[spmem:s2] =	stream.indirect.scatter.add.f32 [tilespmem:s16], [sflag:$0x2], $0x10, s13, s15, $0xb8;
	[tilespmem:$0x1E900] =	vst v63  }
0x45: {  	_ =	swait.ge [sflag:s11], $0x700  }
0x46: {  	[sflag:s11] =	ssyncset.done $0x0  }
0x47: {  	s21 =	sadd.s32 $0xB70, s21;
	[sflag:s11] =	ssyncadd.s32 $0xFFFFF900  }
0x48: {  	[tilespmem:s13], [sflag:$0x1] =	stream.linear.gather [hbm4b:s21+s3], $0x80, $0x38;
	[tilespmem:$0x1E900] =	vst v63  }
0x49: {  	_ =	swait.ge [sflag:s14], $0x80  }
0x4a: {  	[sflag:s14] =	ssyncset.done $0x0  }
0x4b: {  	[sflag:s14] =	ssyncadd.s32 $0xFFFFFF80  }
0x4c: {  	[spmem:s2] =	stream.indirect.scatter.add.f32 [tilespmem:s16], [sflag:$0x2], $0x10, s12, s15, $0xb8;
	[tilespmem:$0x1E900] =	vst v63  }
0x4d: {  	_ =	swait.ge [sflag:s11], $0x700  }
0x4e: {  	[sflag:s11] =	ssyncset.done $0x0  }
0x4f: {  	[sflag:s11] =	ssyncadd.s32 $0xFFFFF900  }
0x50: {  	[spmem:s2] =	stream.indirect.scatter.add.f32 [tilespmem:s16], [sflag:$0x2], $0x10, s13, s15, $0xb8;
	[tilespmem:$0x1E900] =	vst v63  }
0x51: {  	_ =	swait.ge [sflag:s11], $0x700  }
0x52: {  	s19 =	sadd.s32 $0x1, s19;
	[sflag:s11] =	ssyncset.done $0x0  }
0x53: {  	p0 =	sne.s32 s19, s8;
	[sflag:s11] =	ssyncadd.s32 $0xFFFFF900  }
.Ltmp3:
0x54: {  	[bflag:$0x0] =	sbarrier.arrive $0xFFFF;
	(pc) =	sbr.rel @p0 .LBB2_1-.Ltmp3, $4  }
0x55: {  	[hbm:s7], [sflag:s17] =	dma.local [spmem:s18], $0x3000  }
0x56: {  	_ =	swait.ge [sflag:s11], $0x3000  }
0x57: {  	[sflag:s11] =	ssyncset.done $0x0  }
0x58: {  	[sflag:s11] =	ssyncadd.s32 $0xFFFFD000  }
0x59: {  	_ =	sfence.sel $0x180000  }
0x5a: {  	[bflag:$0x0] =	sbarrier.arrive $0xFFFF  }
0x5b: {  	p0 =	sne.s32 s1, $0x0;
	_ =	strace $0x90000047  }
0x5c: {  	s0 =	sadd.s32 @!p0 $0x100000, s0;
	[bflag:$0x2] =	sbarrier.arrive $0xFFFF  }
0x5d: {  	[sflag:s0] =	ssyncadd.tile.s32 @!p0 $0x1;
	_ =	shalt  }
.Lfunc_end2:
_tile_overlayer_lowered:
.L_overlay_start_2:
0x5e: {  	(tag) =	ssettag $0x2  }
0x5f: {  	s0 =	rddreg [dreg:$0x0];
	s2 =	stileid.u32  }
0x60: {  	s1 =	rddreg [dreg:$0x1];
	p0 =	sne.s32 s2, $0x0  }
0x61: {  	s3 =	rddreg [dreg:$0x2];
	[bflag:$0x3] =	sbarrier.arrive $0xFFFF;
	s2 =	simm.s32 @!p0 $0x1C02  }
0x62: {  	[timem:s3], [sflag:s2] =	dma.local @!p0 [hbm:s0], s1  }
0x63: {  	s0 =	simm.s32 @!p0 $0x2  }
0x64: {  	_ =	swait.ge @!p0 [sflag:s0], s1  }
0x65: {  	s1 =	ssub.s32 @!p0 $0x0, s1;
	[sflag:s0] =	ssyncset.done @!p0 $0x0  }
0x66: {  	[sflag:s0] =	ssyncadd.s32 @!p0 s1  }
0x67: {  	[bflag:$0x3] =	sbarrier.arrive $0xFFFF  }
0x68: {  	_ =	shalt  }

</sc_bundles>
